<compile_context>
chip_gen: v7x
topology: tpu7x:2x2x1
jax: 0.10.2.dev20260603
libtpu: 0.0.44.dev20260713+nightly
codegen_flags: <defaults>
</compile_context>

<pallas_src>
import functools

import jax
import jax.numpy as jnp
from jax import lax
from jax.experimental import pallas as pl
from jax.experimental.pallas import tpu as pltpu
from jax.experimental.pallas import tpu_sc as plsc

NC, NS = 2, 16
NW = NC * NS
CH = 128


def _sc_edge_pass(NP, CPT, D, scaled):
    RPS = NP // NS
    mesh = plsc.VectorSubcoreMesh(core_axis_name="c", subcore_axis_name="s")
    scratch = [
        pltpu.VMEM((CPT, CH), jnp.int32),
        pltpu.VMEM((CPT, CH), jnp.int32),
        pltpu.VMEM((CH, D), jnp.float32),
        pltpu.VMEM((RPS, D), jnp.float32),
        pltpu.VMEM_SHARED((NP, D), jnp.float32),
        pltpu.SemaphoreType.DMA,
    ]
    if scaled:
        scratch.insert(2, pltpu.VMEM((CPT, CH), jnp.float32))

    def body(*refs):
        if scaled:
            (table, g2d, s2d, ea2d, zeros, out,
             gv, sv, eav, vals, zbuf, acc, sem) = refs
        else:
            (table, g2d, s2d, zeros, out,
             gv, sv, vals, zbuf, acc, sem) = refs
        c = lax.axis_index("c")
        s = lax.axis_index("s")
        w = c * NS + s
        pltpu.sync_copy(zeros.at[pl.ds(s * RPS, RPS), :], zbuf)
        pltpu.sync_copy(zbuf, acc.at[pl.ds(s * RPS, RPS), :])
        pltpu.sync_copy(g2d.at[pl.ds(w * CPT, CPT), :], gv)
        pltpu.sync_copy(s2d.at[pl.ds(w * CPT, CPT), :], sv)
        if scaled:
            pltpu.sync_copy(ea2d.at[pl.ds(w * CPT, CPT), :], eav)
        plsc.subcore_barrier()

        def chunk(j, carry):
            pltpu.async_copy(table.at[gv.at[j]], vals, sem).wait()
            if scaled:
                for k in range(CH // 16):
                    ev = eav[j, pl.ds(k * 16, 16)]
                    for t in range(16):
                        i = k * 16 + t
                        vals[i, :] = vals[i, :] * ev[t]
            pltpu.sync_copy(vals, acc.at[sv.at[j]], add=True)
            return carry

        lax.fori_loop(0, CPT, chunk, 0)
        plsc.subcore_barrier()
        pltpu.sync_copy(acc.at[pl.ds(s * RPS, RPS), :],
                        out.at[c, pl.ds(s * RPS, RPS), :])

    return pl.kernel(
        body,
        out_type=jax.ShapeDtypeStruct((NC, NP, D), jnp.float32),
        mesh=mesh,
        scratch_types=scratch,
        compiler_params=pltpu.CompilerParams(use_tc_tiling_on_sc=False),
    )


def _tc_node_body(N, part, xp, W1p, R1p, b1p, W1e, R1e, b1e, ssm_o, x1_o):
    agg = part[0] + part[1]
    cnt = agg[:, 5:6]
    mean5 = agg[:, 0:5] / jnp.maximum(cnt, 1.0)
    xr = xp[:, 0:5]
    NPl = xr.shape[0]
    s = mean5 @ W1p[...] + xr @ R1p[...] + b1p[...]
    x1 = jnp.maximum(mean5 @ W1e[...] + xr @ R1e[...] + b1e[...], 0.0)
    m = jnp.max(s, axis=-1, keepdims=True)
    es = jnp.exp(s - m)
    sm = es / jnp.sum(es, axis=-1, keepdims=True)
    valid = lax.broadcasted_iota(jnp.int32, (NPl, 1), 0) < N
    ssm_o[...] = jnp.where(valid, sm, 0.0)
    x1_o[...] = jnp.where(valid, x1, 0.0)


def _tc_head_body(part, ssm, x1, W2e, R2e, b2e, L1, c1l, L2, c2l,
                  logp_o, reg_o):
    y = part[0] + part[1]
    cd = (((0,), (0,)), ((), ()))
    adj = lax.dot_general(ssm[...], y, cd,
                          preferred_element_type=jnp.float32)
    out1 = lax.dot_general(ssm[...], x1[...], cd,
                           preferred_element_type=jnp.float32)
    ii = lax.broadcasted_iota(jnp.int32, (16, 16), 0)
    jj = lax.broadcasted_iota(jnp.int32, (16, 16), 1)
    eye = ii == jj
    reg1 = -jnp.sum(jnp.where(eye, adj, 0.0))
    mean0 = jnp.mean(out1, axis=0, keepdims=True)
    x2 = jnp.maximum(mean0 @ W2e[...] + out1 @ R2e[...] + b2e[...], 0.0)
    out2 = jnp.sum(x2, axis=0, keepdims=True)
    de = jnp.where(eye, 0.0, adj)
    row_sum = jnp.sum(de, axis=1, keepdims=True)
    de2 = jnp.where(eye, jnp.broadcast_to(row_sum, (16, 16)), -de)
    reg2 = jnp.sum(de2)
    h = jnp.maximum(out2 @ L1[...] + c1l[...], 0.0)
    h2 = h @ L2[...] + c2l[...]
    mm = jnp.max(h2, axis=1, keepdims=True)
    lse = mm + jnp.log(jnp.sum(jnp.exp(h2 - mm), axis=1, keepdims=True))
    logp_o[...] = h2 - lse
    reg_o[...] = jnp.reshape(reg1 + reg2, (1, 1))


def kernel(x, edge_index, edge_attr, W1p, R1p, b1p, W1e, R1e, b1e,
           W2p, R2p, b2p, W2e, R2e, b2e, L1, c1l, L2, c2l):
    N = x.shape[0]
    E = edge_index.shape[1]
    NP = ((N + 1 + 127) // 128) * 128
    CPT = ((-(-E // (NW * CH)) + 7) // 8) * 8
    EP = CPT * CH * NW

    row = edge_index[0].astype(jnp.int32)
    col = edge_index[1].astype(jnp.int32)
    ea = edge_attr.reshape(-1).astype(jnp.float32)
    pad_e = EP - E
    rowp = jnp.concatenate([row, jnp.full((pad_e,), N, jnp.int32)])
    colp = jnp.concatenate([col, jnp.full((pad_e,), N, jnp.int32)])
    eap = jnp.concatenate([ea, jnp.zeros((pad_e,), jnp.float32)])
    row2d = rowp.reshape(EP // CH, CH)
    col2d = colp.reshape(EP // CH, CH)
    ea2d = eap.reshape(EP // CH, CH)

    xp = jnp.concatenate(
        [x, jnp.ones((N, 1), jnp.float32), jnp.zeros((N, 2), jnp.float32)],
        axis=1)
    xp = jnp.pad(xp, ((0, NP - N), (0, 0)))
    zeros8 = jnp.zeros((NP, 8), jnp.float32)
    zeros16 = jnp.zeros((NP, 16), jnp.float32)

    part_a = _sc_edge_pass(NP, CPT, 8, scaled=False)(
        xp, row2d, col2d, zeros8)

    node = pl.pallas_call(
        functools.partial(_tc_node_body, N),
        out_shape=[
            jax.ShapeDtypeStruct((NP, 16), jnp.float32),
            jax.ShapeDtypeStruct((NP, 32), jnp.float32),
        ],
    )
    ssm, x1 = node(part_a, xp, W1p, R1p, b1p.reshape(1, 16),
                   W1e, R1e, b1e.reshape(1, 32))

    part_c = _sc_edge_pass(NP, CPT, 16, scaled=True)(
        ssm, col2d, row2d, ea2d, zeros16)

    head = pl.pallas_call(
        _tc_head_body,
        out_shape=[
            jax.ShapeDtypeStruct((1, 2), jnp.float32),
            jax.ShapeDtypeStruct((1, 1), jnp.float32),
        ],
    )
    logp, reg = head(part_c, ssm, x1, W2e, R2e, b2e.reshape(1, 16),
                     L1, c1l.reshape(1, 8), L2, c2l.reshape(1, 2))
    return logp[0], reg[0, 0]

# --- scband reference (transcript-rebuilt; emitter-appended) ---
"""Pipeline reference for scband-gcnet-41884521071261 (READ-ONLY COPY).

The authoritative reference and input builder live on the scoring server;
editing this copy changes nothing except your own understanding.
"""

import jax, jax.numpy as jnp
import numpy as np

def _spmm(row, col, value, m, mat):
    return jax.ops.segment_sum(mat[col] * value.reshape(-1)[:, None], row, num_segments=m)

def _spline_conv(x, src, dst, W, R, b):
    # SplineConv with dim=1, kernel_size=1 degenerates to: mean_j(x_j @ W) + x_i @ R + b
    msg = x[src] @ W
    agg = jax.ops.segment_sum(msg, dst, num_segments=x.shape[0])
    cnt = jax.ops.segment_sum(jnp.ones((src.shape[0],), x.dtype), dst, num_segments=x.shape[0])
    mean = agg / jnp.maximum(cnt, 1.0)[:, None]
    return mean + x @ R + b

def _forward(x, edge_index, edge_attr, W1p, R1p, b1p, W1e, R1e, b1e, W2p, R2p, b2p, W2e, R2e, b2e, L1, c1l, L2, c2l):
    row, col = edge_index[0], edge_index[1]
    N = x.shape[0]
    ea = edge_attr.reshape(-1)
    s = _spline_conv(x, row, col, W1p, R1p, b1p)
    x1 = jax.nn.relu(_spline_conv(x, row, col, W1e, R1e, b1e))
    # diff_pool 1 (input graph has no self loops by construction)
    s_sm = jax.nn.softmax(s, axis=-1)
    adj = s_sm.T @ _spmm(row, col, ea, N, s_sm)
    out1 = s_sm.T @ x1
    reg1 = jnp.trace(s_sm.T @ _spmm(row, col, -ea, N, s_sm))
    # dense_to_sparse on dense 16x16 adj (all entries generically nonzero)
    n1 = adj.shape[0]
    rr = jnp.repeat(jnp.arange(n1), n1)
    cc = jnp.tile(jnp.arange(n1), n1)
    val = adj.reshape(-1)
    s2 = _spline_conv(out1, rr, cc, W2p, R2p, b2p)
    x2 = jax.nn.relu(_spline_conv(out1, rr, cc, W2e, R2e, b2e))
    # diff_pool 2 (dense graph contains self loops -> Laplacian-style diag replacement)
    s2_sm = jax.nn.softmax(s2, axis=-1)
    adj2 = s2_sm.T @ _spmm(rr, cc, val, n1, s2_sm)
    out2 = s2_sm.T @ x2
    mask = rr == cc
    de = jnp.where(mask, 0.0, val)
    row_sum = jax.ops.segment_sum(de, rr, num_segments=n1)
    de2 = jnp.where(mask, row_sum[rr], -de)
    reg2 = jnp.trace(s2_sm.T @ _spmm(rr, cc, de2, n1, s2_sm))
    h = jax.nn.relu(out2 @ L1 + c1l)
    h = h @ L2 + c2l
    logp = jax.nn.log_softmax(h[0], axis=-1)
    return logp, reg1 + reg2

def setup_inputs(seed: int = 0):
    key = jax.random.key(seed)
    ks = jax.random.split(key, 20)
    N, E = 10000, 640000
    row = jax.random.randint(ks[0], (E,), 0, N)
    col = jax.random.randint(ks[1], (E,), 0, N)
    col = jnp.where(row == col, (col + 1) % N, col)  # original code errors on self loops
    edge_index = jnp.stack([row, col])
    x = jax.random.normal(ks[2], (N, 5), jnp.float32)
    edge_attr = jax.random.uniform(ks[3], (E, 1), dtype=jnp.float32)
    def p(k, shape, scale=0.3):
        return jax.random.normal(k, shape, jnp.float32) * scale
    return {
        "x": x, "edge_index": edge_index, "edge_attr": edge_attr,
        "W1p": p(ks[4], (5, 16)), "R1p": p(ks[5], (5, 16)), "b1p": jnp.zeros((16,), jnp.float32),
        "W1e": p(ks[6], (5, 32)), "R1e": p(ks[7], (5, 32)), "b1e": jnp.zeros((32,), jnp.float32),
        "W2p": p(ks[8], (32, 1), 0.15), "R2p": p(ks[9], (32, 1), 0.15), "b2p": jnp.zeros((1,), jnp.float32),
        "W2e": p(ks[10], (32, 16), 0.15), "R2e": p(ks[11], (32, 16), 0.15), "b2e": jnp.zeros((16,), jnp.float32),
        "L1": p(ks[12], (16, 8), 0.25), "c1l": jnp.zeros((8,), jnp.float32),
        "L2": p(ks[13], (8, 2), 0.35), "c2l": jnp.zeros((2,), jnp.float32),
    }

def reference(x, edge_index, edge_attr, W1p, R1p, b1p, W1e, R1e, b1e, W2p, R2p, b2p, W2e, R2e, b2e, L1, c1l, L2, c2l):
    return _forward(x, edge_index, edge_attr, W1p, R1p, b1p, W1e, R1e, b1e, W2p, R2p, b2p, W2e, R2e, b2e, L1, c1l, L2, c2l)

if __name__ == "__main__":
    import jax
    _d = setup_inputs()
    print(jax.jit(kernel)(*tuple(_d.values())))

</pallas_src>

<mosaic_0001>
#map = affine_map<(d0, d1) -> (0, 0)>
#map1 = affine_map<(d0, d1) -> (0, 0, 0)>
module attributes {stable_mosaic.version = 14 : i64} {
  func.func @body(%arg0: i32, %arg1: i32, %arg2: memref<10112x8xf32, #tpu.memory_space<hbm>>, %arg3: memref<5120x128xi32, #tpu.memory_space<hbm>>, %arg4: memref<5120x128xi32, #tpu.memory_space<hbm>>, %arg5: memref<10112x8xf32, #tpu.memory_space<hbm>>, %arg6: memref<2x10112x8xf32, #tpu.memory_space<hbm>>, %arg7: memref<160x128xi32, #tpu.memory_space<vmem>>, %arg8: memref<160x128xi32, #tpu.memory_space<vmem>>, %arg9: memref<128x8xf32, #tpu.memory_space<vmem>>, %arg10: memref<632x8xf32, #tpu.memory_space<vmem>>, %arg11: memref<10112x8xf32, #tpu.memory_space<vmem_shared>>, %arg12: memref<!tpu.dma_semaphore, #tpu.memory_space<semaphore_mem>>) attributes {dimension_semantics = [#tpu.dimension_semantics<core_parallel>, #tpu.dimension_semantics<subcore_parallel>], iteration_bounds = array<i64: 2, 16>, scalar_prefetch = 0 : i64, scratch_operands = 6 : i64, tpu.core_type = #tpu.core_type<sc_vector_subcore>, window_params = [{transform_indices = #map}, {transform_indices = #map}, {transform_indices = #map}, {transform_indices = #map}, {transform_indices = #map1}]} {
    %mul3A = arith.constant 16 : i32
    %mul3A_0 = arith.muli %arg0, %mul3A : i32
    %add3A = arith.addi %mul3A_0, %arg1 : i32
    %mul3A_1 = arith.constant 632 : i32
    %mul3A_2 = arith.muli %arg1, %mul3A_1 : i32
    "tpu.region"() ({
      %run_scoped3A = tpu.sem_alloc : memref<!tpu.dma_semaphore, #tpu.memory_space<semaphore_mem>>
      %dma_start3A = arith.constant 0 : i32
      %dma_start3A_19 = tpu.memref_slice %arg5[%mul3A_2, %dma_start3A] : memref<10112x8xf32, #tpu.memory_space<hbm>> -> memref<632x8xf32, #tpu.memory_space<hbm>>
      %dma_start3A_20 = arith.constant 0 : i32
      %dma_start3A_21 = tpu.memref_slice %arg5[%mul3A_2, %dma_start3A_20] : memref<10112x8xf32, #tpu.memory_space<hbm>> -> memref<632x8xf32, #tpu.memory_space<hbm>>
      tpu.enqueue_dma source(%dma_start3A_21 : memref<632x8xf32, #tpu.memory_space<hbm>>) target(%arg10 : memref<632x8xf32, #tpu.memory_space<vmem>>) target_semaphore(%run_scoped3A : memref<!tpu.dma_semaphore, #tpu.memory_space<semaphore_mem>>)
      %dma_wait3A = arith.constant 0 : i32
      %dma_wait3A_22 = tpu.memref_slice %arg5[%mul3A_2, %dma_wait3A] : memref<10112x8xf32, #tpu.memory_space<hbm>> -> memref<632x8xf32, #tpu.memory_space<hbm>>
      %dma_wait3A_23 = arith.constant 0 : i32
      %dma_wait3A_24 = tpu.memref_slice %arg5[%mul3A_2, %dma_wait3A_23] : memref<10112x8xf32, #tpu.memory_space<hbm>> -> memref<632x8xf32, #tpu.memory_space<hbm>>
      tpu.wait_dma2 semaphore(%run_scoped3A : memref<!tpu.dma_semaphore, #tpu.memory_space<semaphore_mem>>) src(%dma_wait3A_24 : memref<632x8xf32, #tpu.memory_space<hbm>>) dst(%arg10 : memref<632x8xf32, #tpu.memory_space<vmem>>)
      tpu.yield
    }) : () -> ()
    %mul3A_3 = arith.constant 632 : i32
    %mul3A_4 = arith.muli %arg1, %mul3A_3 : i32
    "tpu.region"() ({
      %run_scoped3A = tpu.sem_alloc : memref<!tpu.dma_semaphore, #tpu.memory_space<semaphore_mem>>
      %dma_start3A = arith.constant 0 : i32
      %dma_start3A_19 = tpu.memref_slice %arg11[%mul3A_4, %dma_start3A] : memref<10112x8xf32, #tpu.memory_space<vmem_shared>> -> memref<632x8xf32, #tpu.memory_space<vmem_shared>>
      %dma_start3A_20 = arith.constant 0 : i32
      %dma_start3A_21 = tpu.memref_slice %arg11[%mul3A_4, %dma_start3A_20] : memref<10112x8xf32, #tpu.memory_space<vmem_shared>> -> memref<632x8xf32, #tpu.memory_space<vmem_shared>>
      tpu.enqueue_dma source(%arg10 : memref<632x8xf32, #tpu.memory_space<vmem>>) target(%dma_start3A_21 : memref<632x8xf32, #tpu.memory_space<vmem_shared>>) target_semaphore(%run_scoped3A : memref<!tpu.dma_semaphore, #tpu.memory_space<semaphore_mem>>)
      %dma_wait3A = arith.constant 0 : i32
      %dma_wait3A_22 = tpu.memref_slice %arg11[%mul3A_4, %dma_wait3A] : memref<10112x8xf32, #tpu.memory_space<vmem_shared>> -> memref<632x8xf32, #tpu.memory_space<vmem_shared>>
      %dma_wait3A_23 = arith.constant 0 : i32
      %dma_wait3A_24 = tpu.memref_slice %arg11[%mul3A_4, %dma_wait3A_23] : memref<10112x8xf32, #tpu.memory_space<vmem_shared>> -> memref<632x8xf32, #tpu.memory_space<vmem_shared>>
      tpu.wait_dma2 semaphore(%run_scoped3A : memref<!tpu.dma_semaphore, #tpu.memory_space<semaphore_mem>>) src(%arg10 : memref<632x8xf32, #tpu.memory_space<vmem>>) dst(%dma_wait3A_24 : memref<632x8xf32, #tpu.memory_space<vmem_shared>>)
      tpu.yield
    }) : () -> ()
    %mul3A_5 = arith.constant 160 : i32
    %mul3A_6 = arith.muli %add3A, %mul3A_5 : i32
    "tpu.region"() ({
      %run_scoped3A = tpu.sem_alloc : memref<!tpu.dma_semaphore, #tpu.memory_space<semaphore_mem>>
      %dma_start3A = arith.constant 0 : i32
      %dma_start3A_19 = tpu.memref_slice %arg3[%mul3A_6, %dma_start3A] : memref<5120x128xi32, #tpu.memory_space<hbm>> -> memref<160x128xi32, #tpu.memory_space<hbm>>
      %dma_start3A_20 = arith.constant 0 : i32
      %dma_start3A_21 = tpu.memref_slice %arg3[%mul3A_6, %dma_start3A_20] : memref<5120x128xi32, #tpu.memory_space<hbm>> -> memref<160x128xi32, #tpu.memory_space<hbm>>
      tpu.enqueue_dma source(%dma_start3A_21 : memref<160x128xi32, #tpu.memory_space<hbm>>) target(%arg7 : memref<160x128xi32, #tpu.memory_space<vmem>>) target_semaphore(%run_scoped3A : memref<!tpu.dma_semaphore, #tpu.memory_space<semaphore_mem>>)
      %dma_wait3A = arith.constant 0 : i32
      %dma_wait3A_22 = tpu.memref_slice %arg3[%mul3A_6, %dma_wait3A] : memref<5120x128xi32, #tpu.memory_space<hbm>> -> memref<160x128xi32, #tpu.memory_space<hbm>>
      %dma_wait3A_23 = arith.constant 0 : i32
      %dma_wait3A_24 = tpu.memref_slice %arg3[%mul3A_6, %dma_wait3A_23] : memref<5120x128xi32, #tpu.memory_space<hbm>> -> memref<160x128xi32, #tpu.memory_space<hbm>>
      tpu.wait_dma2 semaphore(%run_scoped3A : memref<!tpu.dma_semaphore, #tpu.memory_space<semaphore_mem>>) src(%dma_wait3A_24 : memref<160x128xi32, #tpu.memory_space<hbm>>) dst(%arg7 : memref<160x128xi32, #tpu.memory_space<vmem>>)
      tpu.yield
    }) : () -> ()
    %mul3A_7 = arith.constant 160 : i32
    %mul3A_8 = arith.muli %add3A, %mul3A_7 : i32
    "tpu.region"() ({
      %run_scoped3A = tpu.sem_alloc : memref<!tpu.dma_semaphore, #tpu.memory_space<semaphore_mem>>
      %dma_start3A = arith.constant 0 : i32
      %dma_start3A_19 = tpu.memref_slice %arg4[%mul3A_8, %dma_start3A] : memref<5120x128xi32, #tpu.memory_space<hbm>> -> memref<160x128xi32, #tpu.memory_space<hbm>>
      %dma_start3A_20 = arith.constant 0 : i32
      %dma_start3A_21 = tpu.memref_slice %arg4[%mul3A_8, %dma_start3A_20] : memref<5120x128xi32, #tpu.memory_space<hbm>> -> memref<160x128xi32, #tpu.memory_space<hbm>>
      tpu.enqueue_dma source(%dma_start3A_21 : memref<160x128xi32, #tpu.memory_space<hbm>>) target(%arg8 : memref<160x128xi32, #tpu.memory_space<vmem>>) target_semaphore(%run_scoped3A : memref<!tpu.dma_semaphore, #tpu.memory_space<semaphore_mem>>)
      %dma_wait3A = arith.constant 0 : i32
      %dma_wait3A_22 = tpu.memref_slice %arg4[%mul3A_8, %dma_wait3A] : memref<5120x128xi32, #tpu.memory_space<hbm>> -> memref<160x128xi32, #tpu.memory_space<hbm>>
      %dma_wait3A_23 = arith.constant 0 : i32
      %dma_wait3A_24 = tpu.memref_slice %arg4[%mul3A_8, %dma_wait3A_23] : memref<5120x128xi32, #tpu.memory_space<hbm>> -> memref<160x128xi32, #tpu.memory_space<hbm>>
      tpu.wait_dma2 semaphore(%run_scoped3A : memref<!tpu.dma_semaphore, #tpu.memory_space<semaphore_mem>>) src(%dma_wait3A_24 : memref<160x128xi32, #tpu.memory_space<hbm>>) dst(%arg8 : memref<160x128xi32, #tpu.memory_space<vmem>>)
      tpu.yield
    }) : () -> ()
    %barrier3A = arith.constant 0 : index
    tpu.barrier barrier_id(%barrier3A)
    %scan3A = arith.constant 0 : i32
    %scan3A_9 = arith.constant 0 : i32
    %scan3A_10 = arith.constant 160 : i32
    %scan3A_11 = arith.addi %scan3A_9, %scan3A_10 : i32
    %scan3A_12 = arith.constant 1 : i32
    scf.for %scan3A_19 = %scan3A_9 to %scan3A_11 step %scan3A_12  : i32 {
      %dma_start3A = arith.constant 0 : i32
      %dma_start3A_20 = tpu.memref_slice %arg7[%scan3A_19, %dma_start3A] : memref<160x128xi32, #tpu.memory_space<vmem>> -> memref<1x128xi32, #tpu.memory_space<vmem>>
      %dma_start3A_21 = tpu.memref_squeeze %dma_start3A_20 : memref<1x128xi32, #tpu.memory_space<vmem>> -> memref<128xi32, #tpu.memory_space<vmem>>
      %dma_start3A_22 = arith.constant 0 : i32
      %dma_start3A_23 = arith.constant 0 : i32
      %dma_start3A_24 = tpu.memref_slice %arg2[%dma_start3A_22, %dma_start3A_23] : memref<10112x8xf32, #tpu.memory_space<hbm>> -> memref<10112x8xf32, #tpu.memory_space<hbm>>
      tpu.enqueue_indirect_dma source(%dma_start3A_24 : memref<10112x8xf32, #tpu.memory_space<hbm>>) target(%arg9 : memref<128x8xf32, #tpu.memory_space<vmem>>) offsets(%dma_start3A_21 : memref<128xi32, #tpu.memory_space<vmem>>) semaphore(%arg12 : memref<!tpu.dma_semaphore, #tpu.memory_space<semaphore_mem>>)
      %dma_wait3A = arith.constant 0 : i32
      %dma_wait3A_25 = tpu.memref_slice %arg7[%scan3A_19, %dma_wait3A] : memref<160x128xi32, #tpu.memory_space<vmem>> -> memref<1x128xi32, #tpu.memory_space<vmem>>
      %dma_wait3A_26 = tpu.memref_squeeze %dma_wait3A_25 : memref<1x128xi32, #tpu.memory_space<vmem>> -> memref<128xi32, #tpu.memory_space<vmem>>
      %dma_wait3A_27 = arith.constant 0 : i32
      %dma_wait3A_28 = arith.constant 0 : i32
      %dma_wait3A_29 = tpu.memref_slice %arg2[%dma_wait3A_27, %dma_wait3A_28] : memref<10112x8xf32, #tpu.memory_space<hbm>> -> memref<10112x8xf32, #tpu.memory_space<hbm>>
      tpu.wait_indirect_dma semaphore(%arg12 : memref<!tpu.dma_semaphore, #tpu.memory_space<semaphore_mem>>) src(%dma_wait3A_29 : memref<10112x8xf32, #tpu.memory_space<hbm>>) dst(%arg9 : memref<128x8xf32, #tpu.memory_space<vmem>>)
      "tpu.region"() ({
        %run_scoped3A = tpu.sem_alloc : memref<!tpu.dma_semaphore, #tpu.memory_space<semaphore_mem>>
        %dma_start3A_30 = arith.constant 0 : i32
        %dma_start3A_31 = tpu.memref_slice %arg8[%scan3A_19, %dma_start3A_30] : memref<160x128xi32, #tpu.memory_space<vmem>> -> memref<1x128xi32, #tpu.memory_space<vmem>>
        %dma_start3A_32 = tpu.memref_squeeze %dma_start3A_31 : memref<1x128xi32, #tpu.memory_space<vmem>> -> memref<128xi32, #tpu.memory_space<vmem>>
        %dma_start3A_33 = arith.constant 0 : i32
        %dma_start3A_34 = arith.constant 0 : i32
        %dma_start3A_35 = tpu.memref_slice %arg11[%dma_start3A_33, %dma_start3A_34] : memref<10112x8xf32, #tpu.memory_space<vmem_shared>> -> memref<10112x8xf32, #tpu.memory_space<vmem_shared>>
        tpu.enqueue_indirect_dma source(%arg9 : memref<128x8xf32, #tpu.memory_space<vmem>>) target(%dma_start3A_35 : memref<10112x8xf32, #tpu.memory_space<vmem_shared>>) offsets(%dma_start3A_32 : memref<128xi32, #tpu.memory_space<vmem>>) semaphore(%run_scoped3A : memref<!tpu.dma_semaphore, #tpu.memory_space<semaphore_mem>>) {add = true}
        %dma_wait3A_36 = arith.constant 0 : i32
        %dma_wait3A_37 = tpu.memref_slice %arg8[%scan3A_19, %dma_wait3A_36] : memref<160x128xi32, #tpu.memory_space<vmem>> -> memref<1x128xi32, #tpu.memory_space<vmem>>
        %dma_wait3A_38 = tpu.memref_squeeze %dma_wait3A_37 : memref<1x128xi32, #tpu.memory_space<vmem>> -> memref<128xi32, #tpu.memory_space<vmem>>
        %dma_wait3A_39 = arith.constant 0 : i32
        %dma_wait3A_40 = arith.constant 0 : i32
        %dma_wait3A_41 = tpu.memref_slice %arg11[%dma_wait3A_39, %dma_wait3A_40] : memref<10112x8xf32, #tpu.memory_space<vmem_shared>> -> memref<10112x8xf32, #tpu.memory_space<vmem_shared>>
        tpu.wait_indirect_dma semaphore(%run_scoped3A : memref<!tpu.dma_semaphore, #tpu.memory_space<semaphore_mem>>) src(%arg9 : memref<128x8xf32, #tpu.memory_space<vmem>>) dst(%dma_wait3A_41 : memref<10112x8xf32, #tpu.memory_space<vmem_shared>>)
        tpu.yield
      }) : () -> ()
    }
    %scan3A_13 = arith.constant 160 : i32
    %barrier3A_14 = arith.constant 0 : index
    tpu.barrier barrier_id(%barrier3A_14)
    %mul3A_15 = arith.constant 632 : i32
    %mul3A_16 = arith.muli %arg1, %mul3A_15 : i32
    %mul3A_17 = arith.constant 632 : i32
    %mul3A_18 = arith.muli %arg1, %mul3A_17 : i32
    "tpu.region"() ({
      %run_scoped3A = tpu.sem_alloc : memref<!tpu.dma_semaphore, #tpu.memory_space<semaphore_mem>>
      %dma_start3A = arith.constant 0 : i32
      %dma_start3A_19 = tpu.memref_slice %arg6[%arg0, %mul3A_18, %dma_start3A] : memref<2x10112x8xf32, #tpu.memory_space<hbm>> -> memref<1x632x8xf32, #tpu.memory_space<hbm>>
      %dma_start3A_20 = tpu.memref_squeeze %dma_start3A_19 : memref<1x632x8xf32, #tpu.memory_space<hbm>> -> memref<632x8xf32, #tpu.memory_space<hbm>>
      %dma_start3A_21 = arith.constant 0 : i32
      %dma_start3A_22 = tpu.memref_slice %arg11[%mul3A_16, %dma_start3A_21] : memref<10112x8xf32, #tpu.memory_space<vmem_shared>> -> memref<632x8xf32, #tpu.memory_space<vmem_shared>>
      tpu.enqueue_dma source(%dma_start3A_22 : memref<632x8xf32, #tpu.memory_space<vmem_shared>>) target(%dma_start3A_20 : memref<632x8xf32, #tpu.memory_space<hbm>>) target_semaphore(%run_scoped3A : memref<!tpu.dma_semaphore, #tpu.memory_space<semaphore_mem>>)
      %dma_wait3A = arith.constant 0 : i32
      %dma_wait3A_23 = tpu.memref_slice %arg6[%arg0, %mul3A_18, %dma_wait3A] : memref<2x10112x8xf32, #tpu.memory_space<hbm>> -> memref<1x632x8xf32, #tpu.memory_space<hbm>>
      %dma_wait3A_24 = tpu.memref_squeeze %dma_wait3A_23 : memref<1x632x8xf32, #tpu.memory_space<hbm>> -> memref<632x8xf32, #tpu.memory_space<hbm>>
      %dma_wait3A_25 = arith.constant 0 : i32
      %dma_wait3A_26 = tpu.memref_slice %arg11[%mul3A_16, %dma_wait3A_25] : memref<10112x8xf32, #tpu.memory_space<vmem_shared>> -> memref<632x8xf32, #tpu.memory_space<vmem_shared>>
      tpu.wait_dma2 semaphore(%run_scoped3A : memref<!tpu.dma_semaphore, #tpu.memory_space<semaphore_mem>>) src(%dma_wait3A_26 : memref<632x8xf32, #tpu.memory_space<vmem_shared>>) dst(%dma_wait3A_24 : memref<632x8xf32, #tpu.memory_space<hbm>>)
      tpu.yield
    }) : () -> ()
    return
  }
}

#map = affine_map<(d0, d1) -> (0, 0)>
#map1 = affine_map<(d0, d1) -> (0, 0, 0)>
module attributes {stable_mosaic.version = 14 : i64} {
  func.func @body(%arg0: i32, %arg1: i32, %arg2: memref<10112x16xf32, #tpu.memory_space<hbm>>, %arg3: memref<5120x128xi32, #tpu.memory_space<hbm>>, %arg4: memref<5120x128xi32, #tpu.memory_space<hbm>>, %arg5: memref<5120x128xf32, #tpu.memory_space<hbm>>, %arg6: memref<10112x16xf32, #tpu.memory_space<hbm>>, %arg7: memref<2x10112x16xf32, #tpu.memory_space<hbm>>, %arg8: memref<160x128xi32, #tpu.memory_space<vmem>>, %arg9: memref<160x128xi32, #tpu.memory_space<vmem>>, %arg10: memref<160x128xf32, #tpu.memory_space<vmem>>, %arg11: memref<128x16xf32, #tpu.memory_space<vmem>>, %arg12: memref<632x16xf32, #tpu.memory_space<vmem>>, %arg13: memref<10112x16xf32, #tpu.memory_space<vmem_shared>>, %arg14: memref<!tpu.dma_semaphore, #tpu.memory_space<semaphore_mem>>) attributes {dimension_semantics = [#tpu.dimension_semantics<core_parallel>, #tpu.dimension_semantics<subcore_parallel>], iteration_bounds = array<i64: 2, 16>, scalar_prefetch = 0 : i64, scratch_operands = 7 : i64, tpu.core_type = #tpu.core_type<sc_vector_subcore>, window_params = [{transform_indices = #map}, {transform_indices = #map}, {transform_indices = #map}, {transform_indices = #map}, {transform_indices = #map}, {transform_indices = #map1}]} {
    %mul3A = arith.constant 16 : i32
    %mul3A_0 = arith.muli %arg0, %mul3A : i32
    %add3A = arith.addi %mul3A_0, %arg1 : i32
    %mul3A_1 = arith.constant 632 : i32
    %mul3A_2 = arith.muli %arg1, %mul3A_1 : i32
    "tpu.region"() ({
      %run_scoped3A = tpu.sem_alloc : memref<!tpu.dma_semaphore, #tpu.memory_space<semaphore_mem>>
      %dma_start3A = arith.constant 0 : i32
      %dma_start3A_21 = tpu.memref_slice %arg6[%mul3A_2, %dma_start3A] : memref<10112x16xf32, #tpu.memory_space<hbm>> -> memref<632x16xf32, #tpu.memory_space<hbm>>
      %dma_start3A_22 = arith.constant 0 : i32
      %dma_start3A_23 = tpu.memref_slice %arg6[%mul3A_2, %dma_start3A_22] : memref<10112x16xf32, #tpu.memory_space<hbm>> -> memref<632x16xf32, #tpu.memory_space<hbm>>
      tpu.enqueue_dma source(%dma_start3A_23 : memref<632x16xf32, #tpu.memory_space<hbm>>) target(%arg12 : memref<632x16xf32, #tpu.memory_space<vmem>>) target_semaphore(%run_scoped3A : memref<!tpu.dma_semaphore, #tpu.memory_space<semaphore_mem>>)
      %dma_wait3A = arith.constant 0 : i32
      %dma_wait3A_24 = tpu.memref_slice %arg6[%mul3A_2, %dma_wait3A] : memref<10112x16xf32, #tpu.memory_space<hbm>> -> memref<632x16xf32, #tpu.memory_space<hbm>>
      %dma_wait3A_25 = arith.constant 0 : i32
      %dma_wait3A_26 = tpu.memref_slice %arg6[%mul3A_2, %dma_wait3A_25] : memref<10112x16xf32, #tpu.memory_space<hbm>> -> memref<632x16xf32, #tpu.memory_space<hbm>>
      tpu.wait_dma2 semaphore(%run_scoped3A : memref<!tpu.dma_semaphore, #tpu.memory_space<semaphore_mem>>) src(%dma_wait3A_26 : memref<632x16xf32, #tpu.memory_space<hbm>>) dst(%arg12 : memref<632x16xf32, #tpu.memory_space<vmem>>)
      tpu.yield
    }) : () -> ()
    %mul3A_3 = arith.constant 632 : i32
    %mul3A_4 = arith.muli %arg1, %mul3A_3 : i32
    "tpu.region"() ({
      %run_scoped3A = tpu.sem_alloc : memref<!tpu.dma_semaphore, #tpu.memory_space<semaphore_mem>>
      %dma_start3A = arith.constant 0 : i32
      %dma_start3A_21 = tpu.memref_slice %arg13[%mul3A_4, %dma_start3A] : memref<10112x16xf32, #tpu.memory_space<vmem_shared>> -> memref<632x16xf32, #tpu.memory_space<vmem_shared>>
      %dma_start3A_22 = arith.constant 0 : i32
      %dma_start3A_23 = tpu.memref_slice %arg13[%mul3A_4, %dma_start3A_22] : memref<10112x16xf32, #tpu.memory_space<vmem_shared>> -> memref<632x16xf32, #tpu.memory_space<vmem_shared>>
      tpu.enqueue_dma source(%arg12 : memref<632x16xf32, #tpu.memory_space<vmem>>) target(%dma_start3A_23 : memref<632x16xf32, #tpu.memory_space<vmem_shared>>) target_semaphore(%run_scoped3A : memref<!tpu.dma_semaphore, #tpu.memory_space<semaphore_mem>>)
      %dma_wait3A = arith.constant 0 : i32
      %dma_wait3A_24 = tpu.memref_slice %arg13[%mul3A_4, %dma_wait3A] : memref<10112x16xf32, #tpu.memory_space<vmem_shared>> -> memref<632x16xf32, #tpu.memory_space<vmem_shared>>
      %dma_wait3A_25 = arith.constant 0 : i32
      %dma_wait3A_26 = tpu.memref_slice %arg13[%mul3A_4, %dma_wait3A_25] : memref<10112x16xf32, #tpu.memory_space<vmem_shared>> -> memref<632x16xf32, #tpu.memory_space<vmem_shared>>
      tpu.wait_dma2 semaphore(%run_scoped3A : memref<!tpu.dma_semaphore, #tpu.memory_space<semaphore_mem>>) src(%arg12 : memref<632x16xf32, #tpu.memory_space<vmem>>) dst(%dma_wait3A_26 : memref<632x16xf32, #tpu.memory_space<vmem_shared>>)
      tpu.yield
    }) : () -> ()
    %mul3A_5 = arith.constant 160 : i32
    %mul3A_6 = arith.muli %add3A, %mul3A_5 : i32
    "tpu.region"() ({
      %run_scoped3A = tpu.sem_alloc : memref<!tpu.dma_semaphore, #tpu.memory_space<semaphore_mem>>
      %dma_start3A = arith.constant 0 : i32
      %dma_start3A_21 = tpu.memref_slice %arg3[%mul3A_6, %dma_start3A] : memref<5120x128xi32, #tpu.memory_space<hbm>> -> memref<160x128xi32, #tpu.memory_space<hbm>>
      %dma_start3A_22 = arith.constant 0 : i32
      %dma_start3A_23 = tpu.memref_slice %arg3[%mul3A_6, %dma_start3A_22] : memref<5120x128xi32, #tpu.memory_space<hbm>> -> memref<160x128xi32, #tpu.memory_space<hbm>>
      tpu.enqueue_dma source(%dma_start3A_23 : memref<160x128xi32, #tpu.memory_space<hbm>>) target(%arg8 : memref<160x128xi32, #tpu.memory_space<vmem>>) target_semaphore(%run_scoped3A : memref<!tpu.dma_semaphore, #tpu.memory_space<semaphore_mem>>)
      %dma_wait3A = arith.constant 0 : i32
      %dma_wait3A_24 = tpu.memref_slice %arg3[%mul3A_6, %dma_wait3A] : memref<5120x128xi32, #tpu.memory_space<hbm>> -> memref<160x128xi32, #tpu.memory_space<hbm>>
      %dma_wait3A_25 = arith.constant 0 : i32
      %dma_wait3A_26 = tpu.memref_slice %arg3[%mul3A_6, %dma_wait3A_25] : memref<5120x128xi32, #tpu.memory_space<hbm>> -> memref<160x128xi32, #tpu.memory_space<hbm>>
      tpu.wait_dma2 semaphore(%run_scoped3A : memref<!tpu.dma_semaphore, #tpu.memory_space<semaphore_mem>>) src(%dma_wait3A_26 : memref<160x128xi32, #tpu.memory_space<hbm>>) dst(%arg8 : memref<160x128xi32, #tpu.memory_space<vmem>>)
      tpu.yield
    }) : () -> ()
    %mul3A_7 = arith.constant 160 : i32
    %mul3A_8 = arith.muli %add3A, %mul3A_7 : i32
    "tpu.region"() ({
      %run_scoped3A = tpu.sem_alloc : memref<!tpu.dma_semaphore, #tpu.memory_space<semaphore_mem>>
      %dma_start3A = arith.constant 0 : i32
      %dma_start3A_21 = tpu.memref_slice %arg4[%mul3A_8, %dma_start3A] : memref<5120x128xi32, #tpu.memory_space<hbm>> -> memref<160x128xi32, #tpu.memory_space<hbm>>
      %dma_start3A_22 = arith.constant 0 : i32
      %dma_start3A_23 = tpu.memref_slice %arg4[%mul3A_8, %dma_start3A_22] : memref<5120x128xi32, #tpu.memory_space<hbm>> -> memref<160x128xi32, #tpu.memory_space<hbm>>
      tpu.enqueue_dma source(%dma_start3A_23 : memref<160x128xi32, #tpu.memory_space<hbm>>) target(%arg9 : memref<160x128xi32, #tpu.memory_space<vmem>>) target_semaphore(%run_scoped3A : memref<!tpu.dma_semaphore, #tpu.memory_space<semaphore_mem>>)
      %dma_wait3A = arith.constant 0 : i32
      %dma_wait3A_24 = tpu.memref_slice %arg4[%mul3A_8, %dma_wait3A] : memref<5120x128xi32, #tpu.memory_space<hbm>> -> memref<160x128xi32, #tpu.memory_space<hbm>>
      %dma_wait3A_25 = arith.constant 0 : i32
      %dma_wait3A_26 = tpu.memref_slice %arg4[%mul3A_8, %dma_wait3A_25] : memref<5120x128xi32, #tpu.memory_space<hbm>> -> memref<160x128xi32, #tpu.memory_space<hbm>>
      tpu.wait_dma2 semaphore(%run_scoped3A : memref<!tpu.dma_semaphore, #tpu.memory_space<semaphore_mem>>) src(%dma_wait3A_26 : memref<160x128xi32, #tpu.memory_space<hbm>>) dst(%arg9 : memref<160x128xi32, #tpu.memory_space<vmem>>)
      tpu.yield
    }) : () -> ()
    %mul3A_9 = arith.constant 160 : i32
    %mul3A_10 = arith.muli %add3A, %mul3A_9 : i32
    "tpu.region"() ({
      %run_scoped3A = tpu.sem_alloc : memref<!tpu.dma_semaphore, #tpu.memory_space<semaphore_mem>>
      %dma_start3A = arith.constant 0 : i32
      %dma_start3A_21 = tpu.memref_slice %arg5[%mul3A_10, %dma_start3A] : memref<5120x128xf32, #tpu.memory_space<hbm>> -> memref<160x128xf32, #tpu.memory_space<hbm>>
      %dma_start3A_22 = arith.constant 0 : i32
      %dma_start3A_23 = tpu.memref_slice %arg5[%mul3A_10, %dma_start3A_22] : memref<5120x128xf32, #tpu.memory_space<hbm>> -> memref<160x128xf32, #tpu.memory_space<hbm>>
      tpu.enqueue_dma source(%dma_start3A_23 : memref<160x128xf32, #tpu.memory_space<hbm>>) target(%arg10 : memref<160x128xf32, #tpu.memory_space<vmem>>) target_semaphore(%run_scoped3A : memref<!tpu.dma_semaphore, #tpu.memory_space<semaphore_mem>>)
      %dma_wait3A = arith.constant 0 : i32
      %dma_wait3A_24 = tpu.memref_slice %arg5[%mul3A_10, %dma_wait3A] : memref<5120x128xf32, #tpu.memory_space<hbm>> -> memref<160x128xf32, #tpu.memory_space<hbm>>
      %dma_wait3A_25 = arith.constant 0 : i32
      %dma_wait3A_26 = tpu.memref_slice %arg5[%mul3A_10, %dma_wait3A_25] : memref<5120x128xf32, #tpu.memory_space<hbm>> -> memref<160x128xf32, #tpu.memory_space<hbm>>
      tpu.wait_dma2 semaphore(%run_scoped3A : memref<!tpu.dma_semaphore, #tpu.memory_space<semaphore_mem>>) src(%dma_wait3A_26 : memref<160x128xf32, #tpu.memory_space<hbm>>) dst(%arg10 : memref<160x128xf32, #tpu.memory_space<vmem>>)
      tpu.yield
    }) : () -> ()
    %barrier3A = arith.constant 0 : index
    tpu.barrier barrier_id(%barrier3A)
    %scan3A = arith.constant 0 : i32
    %scan3A_11 = arith.constant 0 : i32
    %scan3A_12 = arith.constant 160 : i32
    %scan3A_13 = arith.addi %scan3A_11, %scan3A_12 : i32
    %scan3A_14 = arith.constant 1 : i32
    scf.for %scan3A_21 = %scan3A_11 to %scan3A_13 step %scan3A_14  : i32 {
      %dma_start3A = arith.constant 0 : i32
      %dma_start3A_22 = tpu.memref_slice %arg8[%scan3A_21, %dma_start3A] : memref<160x128xi32, #tpu.memory_space<vmem>> -> memref<1x128xi32, #tpu.memory_space<vmem>>
      %dma_start3A_23 = tpu.memref_squeeze %dma_start3A_22 : memref<1x128xi32, #tpu.memory_space<vmem>> -> memref<128xi32, #tpu.memory_space<vmem>>
      %dma_start3A_24 = arith.constant 0 : i32
      %dma_start3A_25 = arith.constant 0 : i32
      %dma_start3A_26 = tpu.memref_slice %arg2[%dma_start3A_24, %dma_start3A_25] : memref<10112x16xf32, #tpu.memory_space<hbm>> -> memref<10112x16xf32, #tpu.memory_space<hbm>>
      tpu.enqueue_indirect_dma source(%dma_start3A_26 : memref<10112x16xf32, #tpu.memory_space<hbm>>) target(%arg11 : memref<128x16xf32, #tpu.memory_space<vmem>>) offsets(%dma_start3A_23 : memref<128xi32, #tpu.memory_space<vmem>>) semaphore(%arg14 : memref<!tpu.dma_semaphore, #tpu.memory_space<semaphore_mem>>)
      %dma_wait3A = arith.constant 0 : i32
      %dma_wait3A_27 = tpu.memref_slice %arg8[%scan3A_21, %dma_wait3A] : memref<160x128xi32, #tpu.memory_space<vmem>> -> memref<1x128xi32, #tpu.memory_space<vmem>>
      %dma_wait3A_28 = tpu.memref_squeeze %dma_wait3A_27 : memref<1x128xi32, #tpu.memory_space<vmem>> -> memref<128xi32, #tpu.memory_space<vmem>>
      %dma_wait3A_29 = arith.constant 0 : i32
      %dma_wait3A_30 = arith.constant 0 : i32
      %dma_wait3A_31 = tpu.memref_slice %arg2[%dma_wait3A_29, %dma_wait3A_30] : memref<10112x16xf32, #tpu.memory_space<hbm>> -> memref<10112x16xf32, #tpu.memory_space<hbm>>
      tpu.wait_indirect_dma semaphore(%arg14 : memref<!tpu.dma_semaphore, #tpu.memory_space<semaphore_mem>>) src(%dma_wait3A_31 : memref<10112x16xf32, #tpu.memory_space<hbm>>) dst(%arg11 : memref<128x16xf32, #tpu.memory_space<vmem>>)
      %get3A = arith.index_cast %scan3A_21 : i32 to index
      %get3A_32 = arith.constant 0 : index
      %get3A_33 = tpu.vector_load %arg10[%get3A, %get3A_32] {strides = array<i32>} : memref<160x128xf32, #tpu.memory_space<vmem>>, vector<1x16xf32>,
      %get3A_34 = vector.shape_cast %get3A_33 : vector<1x16xf32> to vector<16xf32>
      %get3A_35 = arith.constant 0 : i32
      %get3A_36 = arith.index_cast %get3A_35 : i32 to index
      %get3A_37 = arith.constant 0 : index
      %get3A_38 = tpu.vector_load %arg11[%get3A_36, %get3A_37] {strides = array<i32>} : memref<128x16xf32, #tpu.memory_space<vmem>>, vector<1x16xf32>,
      %get3A_39 = vector.shape_cast %get3A_38 : vector<1x16xf32> to vector<16xf32>
      %slice3A = vector.extract_strided_slice %get3A_34 {offsets = [0], sizes = [1], strides = [1]} : vector<16xf32> to vector<1xf32>
      %squeeze3A = vector.extract %slice3A[0] : f32 from vector<1xf32>
      %mul3A_40 = vector.broadcast %squeeze3A : f32 to vector<16xf32>
      %mul3A_41 = arith.mulf %get3A_39, %mul3A_40 : vector<16xf32>
      %swap3A = arith.constant 0 : i32
      %swap3A_42 = arith.index_cast %swap3A : i32 to index
      %swap3A_43 = arith.constant 0 : index
      %swap3A_44 = tpu.vector_load %arg11[%swap3A_42, %swap3A_43] {strides = array<i32>} : memref<128x16xf32, #tpu.memory_space<vmem>>, vector<1x16xf32>,
      %swap3A_45 = vector.shape_cast %swap3A_44 : vector<1x16xf32> to vector<16xf32>
      %swap3A_46 = vector.shape_cast %mul3A_41 : vector<16xf32> to vector<1x16xf32>
      tpu.vector_store %arg11[%swap3A_42, %swap3A_43], %swap3A_46 {strides = array<i32>} : memref<128x16xf32, #tpu.memory_space<vmem>>, vector<1x16xf32>,
      %get3A_47 = arith.constant 1 : i32
      %get3A_48 = arith.index_cast %get3A_47 : i32 to index
      %get3A_49 = arith.constant 0 : index
      %get3A_50 = tpu.vector_load %arg11[%get3A_48, %get3A_49] {strides = array<i32>} : memref<128x16xf32, #tpu.memory_space<vmem>>, vector<1x16xf32>,
      %get3A_51 = vector.shape_cast %get3A_50 : vector<1x16xf32> to vector<16xf32>
      %slice3A_52 = vector.extract_strided_slice %get3A_34 {offsets = [1], sizes = [1], strides = [1]} : vector<16xf32> to vector<1xf32>
      %squeeze3A_53 = vector.extract %slice3A_52[0] : f32 from vector<1xf32>
      %mul3A_54 = vector.broadcast %squeeze3A_53 : f32 to vector<16xf32>
      %mul3A_55 = arith.mulf %get3A_51, %mul3A_54 : vector<16xf32>
      %swap3A_56 = arith.constant 1 : i32
      %swap3A_57 = arith.index_cast %swap3A_56 : i32 to index
      %swap3A_58 = arith.constant 0 : index
      %swap3A_59 = tpu.vector_load %arg11[%swap3A_57, %swap3A_58] {strides = array<i32>} : memref<128x16xf32, #tpu.memory_space<vmem>>, vector<1x16xf32>,
      %swap3A_60 = vector.shape_cast %swap3A_59 : vector<1x16xf32> to vector<16xf32>
      %swap3A_61 = vector.shape_cast %mul3A_55 : vector<16xf32> to vector<1x16xf32>
      tpu.vector_store %arg11[%swap3A_57, %swap3A_58], %swap3A_61 {strides = array<i32>} : memref<128x16xf32, #tpu.memory_space<vmem>>, vector<1x16xf32>,
      %get3A_62 = arith.constant 2 : i32
      %get3A_63 = arith.index_cast %get3A_62 : i32 to index
      %get3A_64 = arith.constant 0 : index
      %get3A_65 = tpu.vector_load %arg11[%get3A_63, %get3A_64] {strides = array<i32>} : memref<128x16xf32, #tpu.memory_space<vmem>>, vector<1x16xf32>,
      %get3A_66 = vector.shape_cast %get3A_65 : vector<1x16xf32> to vector<16xf32>
      %slice3A_67 = vector.extract_strided_slice %get3A_34 {offsets = [2], sizes = [1], strides = [1]} : vector<16xf32> to vector<1xf32>
      %squeeze3A_68 = vector.extract %slice3A_67[0] : f32 from vector<1xf32>
      %mul3A_69 = vector.broadcast %squeeze3A_68 : f32 to vector<16xf32>
      %mul3A_70 = arith.mulf %get3A_66, %mul3A_69 : vector<16xf32>
      %swap3A_71 = arith.constant 2 : i32
      %swap3A_72 = arith.index_cast %swap3A_71 : i32 to index
      %swap3A_73 = arith.constant 0 : index
      %swap3A_74 = tpu.vector_load %arg11[%swap3A_72, %swap3A_73] {strides = array<i32>} : memref<128x16xf32, #tpu.memory_space<vmem>>, vector<1x16xf32>,
      %swap3A_75 = vector.shape_cast %swap3A_74 : vector<1x16xf32> to vector<16xf32>
      %swap3A_76 = vector.shape_cast %mul3A_70 : vector<16xf32> to vector<1x16xf32>
      tpu.vector_store %arg11[%swap3A_72, %swap3A_73], %swap3A_76 {strides = array<i32>} : memref<128x16xf32, #tpu.memory_space<vmem>>, vector<1x16xf32>,
      %get3A_77 = arith.constant 3 : i32
      %get3A_78 = arith.index_cast %get3A_77 : i32 to index
      %get3A_79 = arith.constant 0 : index
      %get3A_80 = tpu.vector_load %arg11[%get3A_78, %get3A_79] {strides = array<i32>} : memref<128x16xf32, #tpu.memory_space<vmem>>, vector<1x16xf32>,
      %get3A_81 = vector.shape_cast %get3A_80 : vector<1x16xf32> to vector<16xf32>
      %slice3A_82 = vector.extract_strided_slice %get3A_34 {offsets = [3], sizes = [1], strides = [1]} : vector<16xf32> to vector<1xf32>
      %squeeze3A_83 = vector.extract %slice3A_82[0] : f32 from vector<1xf32>
      %mul3A_84 = vector.broadcast %squeeze3A_83 : f32 to vector<16xf32>
      %mul3A_85 = arith.mulf %get3A_81, %mul3A_84 : vector<16xf32>
      %swap3A_86 = arith.constant 3 : i32
      %swap3A_87 = arith.index_cast %swap3A_86 : i32 to index
      %swap3A_88 = arith.constant 0 : index
      %swap3A_89 = tpu.vector_load %arg11[%swap3A_87, %swap3A_88] {strides = array<i32>} : memref<128x16xf32, #tpu.memory_space<vmem>>, vector<1x16xf32>,
      %swap3A_90 = vector.shape_cast %swap3A_89 : vector<1x16xf32> to vector<16xf32>
      %swap3A_91 = vector.shape_cast %mul3A_85 : vector<16xf32> to vector<1x16xf32>
      tpu.vector_store %arg11[%swap3A_87, %swap3A_88], %swap3A_91 {strides = array<i32>} : memref<128x16xf32, #tpu.memory_space<vmem>>, vector<1x16xf32>,
      %get3A_92 = arith.constant 4 : i32
      %get3A_93 = arith.index_cast %get3A_92 : i32 to index
      %get3A_94 = arith.constant 0 : index
      %get3A_95 = tpu.vector_load %arg11[%get3A_93, %get3A_94] {strides = array<i32>} : memref<128x16xf32, #tpu.memory_space<vmem>>, vector<1x16xf32>,
      %get3A_96 = vector.shape_cast %get3A_95 : vector<1x16xf32> to vector<16xf32>
      %slice3A_97 = vector.extract_strided_slice %get3A_34 {offsets = [4], sizes = [1], strides = [1]} : vector<16xf32> to vector<1xf32>
      %squeeze3A_98 = vector.extract %slice3A_97[0] : f32 from vector<1xf32>
      %mul3A_99 = vector.broadcast %squeeze3A_98 : f32 to vector<16xf32>
      %mul3A_100 = arith.mulf %get3A_96, %mul3A_99 : vector<16xf32>
      %swap3A_101 = arith.constant 4 : i32
      %swap3A_102 = arith.index_cast %swap3A_101 : i32 to index
      %swap3A_103 = arith.constant 0 : index
      %swap3A_104 = tpu.vector_load %arg11[%swap3A_102, %swap3A_103] {strides = array<i32>} : memref<128x16xf32, #tpu.memory_space<vmem>>, vector<1x16xf32>,
      %swap3A_105 = vector.shape_cast %swap3A_104 : vector<1x16xf32> to vector<16xf32>
      %swap3A_106 = vector.shape_cast %mul3A_100 : vector<16xf32> to vector<1x16xf32>
      tpu.vector_store %arg11[%swap3A_102, %swap3A_103], %swap3A_106 {strides = array<i32>} : memref<128x16xf32, #tpu.memory_space<vmem>>, vector<1x16xf32>,
      %get3A_107 = arith.constant 5 : i32
      %get3A_108 = arith.index_cast %get3A_107 : i32 to index
      %get3A_109 = arith.constant 0 : index
      %get3A_110 = tpu.vector_load %arg11[%get3A_108, %get3A_109] {strides = array<i32>} : memref<128x16xf32, #tpu.memory_space<vmem>>, vector<1x16xf32>,
      %get3A_111 = vector.shape_cast %get3A_110 : vector<1x16xf32> to vector<16xf32>
      %slice3A_112 = vector.extract_strided_slice %get3A_34 {offsets = [5], sizes = [1], strides = [1]} : vector<16xf32> to vector<1xf32>
      %squeeze3A_113 = vector.extract %slice3A_112[0] : f32 from vector<1xf32>
      %mul3A_114 = vector.broadcast %squeeze3A_113 : f32 to vector<16xf32>
      %mul3A_115 = arith.mulf %get3A_111, %mul3A_114 : vector<16xf32>
      %swap3A_116 = arith.constant 5 : i32
      %swap3A_117 = arith.index_cast %swap3A_116 : i32 to index
      %swap3A_118 = arith.constant 0 : index
      %swap3A_119 = tpu.vector_load %arg11[%swap3A_117, %swap3A_118] {strides = array<i32>} : memref<128x16xf32, #tpu.memory_space<vmem>>, vector<1x16xf32>,
      %swap3A_120 = vector.shape_cast %swap3A_119 : vector<1x16xf32> to vector<16xf32>
      %swap3A_121 = vector.shape_cast %mul3A_115 : vector<16xf32> to vector<1x16xf32>
      tpu.vector_store %arg11[%swap3A_117, %swap3A_118], %swap3A_121 {strides = array<i32>} : memref<128x16xf32, #tpu.memory_space<vmem>>, vector<1x16xf32>,
      %get3A_122 = arith.constant 6 : i32
      %get3A_123 = arith.index_cast %get3A_122 : i32 to index
      %get3A_124 = arith.constant 0 : index
      %get3A_125 = tpu.vector_load %arg11[%get3A_123, %get3A_124] {strides = array<i32>} : memref<128x16xf32, #tpu.memory_space<vmem>>, vector<1x16xf32>,
      %get3A_126 = vector.shape_cast %get3A_125 : vector<1x16xf32> to vector<16xf32>
      %slice3A_127 = vector.extract_strided_slice %get3A_34 {offsets = [6], sizes = [1], strides = [1]} : vector<16xf32> to vector<1xf32>
      %squeeze3A_128 = vector.extract %slice3A_127[0] : f32 from vector<1xf32>
      %mul3A_129 = vector.broadcast %squeeze3A_128 : f32 to vector<16xf32>
      %mul3A_130 = arith.mulf %get3A_126, %mul3A_129 : vector<16xf32>
      %swap3A_131 = arith.constant 6 : i32
      %swap3A_132 = arith.index_cast %swap3A_131 : i32 to index
      %swap3A_133 = arith.constant 0 : index
      %swap3A_134 = tpu.vector_load %arg11[%swap3A_132, %swap3A_133] {strides = array<i32>} : memref<128x16xf32, #tpu.memory_space<vmem>>, vector<1x16xf32>,
      %swap3A_135 = vector.shape_cast %swap3A_134 : vector<1x16xf32> to vector<16xf32>
      %swap3A_136 = vector.shape_cast %mul3A_130 : vector<16xf32> to vector<1x16xf32>
      tpu.vector_store %arg11[%swap3A_132, %swap3A_133], %swap3A_136 {strides = array<i32>} : memref<128x16xf32, #tpu.memory_space<vmem>>, vector<1x16xf32>,
      %get3A_137 = arith.constant 7 : i32
      %get3A_138 = arith.index_cast %get3A_137 : i32 to index
      %get3A_139 = arith.constant 0 : index
      %get3A_140 = tpu.vector_load %arg11[%get3A_138, %get3A_139] {strides = array<i32>} : memref<128x16xf32, #tpu.memory_space<vmem>>, vector<1x16xf32>,
      %get3A_141 = vector.shape_cast %get3A_140 : vector<1x16xf32> to vector<16xf32>
      %slice3A_142 = vector.extract_strided_slice %get3A_34 {offsets = [7], sizes = [1], strides = [1]} : vector<16xf32> to vector<1xf32>
      %squeeze3A_143 = vector.extract %slice3A_142[0] : f32 from vector<1xf32>
      %mul3A_144 = vector.broadcast %squeeze3A_143 : f32 to vector<16xf32>
      %mul3A_145 = arith.mulf %get3A_141, %mul3A_144 : vector<16xf32>
      %swap3A_146 = arith.constant 7 : i32
      %swap3A_147 = arith.index_cast %swap3A_146 : i32 to index
      %swap3A_148 = arith.constant 0 : index
      %swap3A_149 = tpu.vector_load %arg11[%swap3A_147, %swap3A_148] {strides = array<i32>} : memref<128x16xf32, #tpu.memory_space<vmem>>, vector<1x16xf32>,
      %swap3A_150 = vector.shape_cast %swap3A_149 : vector<1x16xf32> to vector<16xf32>
      %swap3A_151 = vector.shape_cast %mul3A_145 : vector<16xf32> to vector<1x16xf32>
      tpu.vector_store %arg11[%swap3A_147, %swap3A_148], %swap3A_151 {strides = array<i32>} : memref<128x16xf32, #tpu.memory_space<vmem>>, vector<1x16xf32>,
      %get3A_152 = arith.constant 8 : i32
      %get3A_153 = arith.index_cast %get3A_152 : i32 to index
      %get3A_154 = arith.constant 0 : index
      %get3A_155 = tpu.vector_load %arg11[%get3A_153, %get3A_154] {strides = array<i32>} : memref<128x16xf32, #tpu.memory_space<vmem>>, vector<1x16xf32>,
      %get3A_156 = vector.shape_cast %get3A_155 : vector<1x16xf32> to vector<16xf32>
      %slice3A_157 = vector.extract_strided_slice %get3A_34 {offsets = [8], sizes = [1], strides = [1]} : vector<16xf32> to vector<1xf32>
      %squeeze3A_158 = vector.extract %slice3A_157[0] : f32 from vector<1xf32>
      %mul3A_159 = vector.broadcast %squeeze3A_158 : f32 to vector<16xf32>
      %mul3A_160 = arith.mulf %get3A_156, %mul3A_159 : vector<16xf32>
      %swap3A_161 = arith.constant 8 : i32
      %swap3A_162 = arith.index_cast %swap3A_161 : i32 to index
      %swap3A_163 = arith.constant 0 : index
      %swap3A_164 = tpu.vector_load %arg11[%swap3A_162, %swap3A_163] {strides = array<i32>} : memref<128x16xf32, #tpu.memory_space<vmem>>, vector<1x16xf32>,
      %swap3A_165 = vector.shape_cast %swap3A_164 : vector<1x16xf32> to vector<16xf32>
      %swap3A_166 = vector.shape_cast %mul3A_160 : vector<16xf32> to vector<1x16xf32>
      tpu.vector_store %arg11[%swap3A_162, %swap3A_163], %swap3A_166 {strides = array<i32>} : memref<128x16xf32, #tpu.memory_space<vmem>>, vector<1x16xf32>,
      %get3A_167 = arith.constant 9 : i32
      %get3A_168 = arith.index_cast %get3A_167 : i32 to index
      %get3A_169 = arith.constant 0 : index
      %get3A_170 = tpu.vector_load %arg11[%get3A_168, %get3A_169] {strides = array<i32>} : memref<128x16xf32, #tpu.memory_space<vmem>>, vector<1x16xf32>,
      %get3A_171 = vector.shape_cast %get3A_170 : vector<1x16xf32> to vector<16xf32>
      %slice3A_172 = vector.extract_strided_slice %get3A_34 {offsets = [9], sizes = [1], strides = [1]} : vector<16xf32> to vector<1xf32>
      %squeeze3A_173 = vector.extract %slice3A_172[0] : f32 from vector<1xf32>
      %mul3A_174 = vector.broadcast %squeeze3A_173 : f32 to vector<16xf32>
      %mul3A_175 = arith.mulf %get3A_171, %mul3A_174 : vector<16xf32>
      %swap3A_176 = arith.constant 9 : i32
      %swap3A_177 = arith.index_cast %swap3A_176 : i32 to index
      %swap3A_178 = arith.constant 0 : index
      %swap3A_179 = tpu.vector_load %arg11[%swap3A_177, %swap3A_178] {strides = array<i32>} : memref<128x16xf32, #tpu.memory_space<vmem>>, vector<1x16xf32>,
      %swap3A_180 = vector.shape_cast %swap3A_179 : vector<1x16xf32> to vector<16xf32>
      %swap3A_181 = vector.shape_cast %mul3A_175 : vector<16xf32> to vector<1x16xf32>
      tpu.vector_store %arg11[%swap3A_177, %swap3A_178], %swap3A_181 {strides = array<i32>} : memref<128x16xf32, #tpu.memory_space<vmem>>, vector<1x16xf32>,
      %get3A_182 = arith.constant 10 : i32
      %get3A_183 = arith.index_cast %get3A_182 : i32 to index
      %get3A_184 = arith.constant 0 : index
      %get3A_185 = tpu.vector_load %arg11[%get3A_183, %get3A_184] {strides = array<i32>} : memref<128x16xf32, #tpu.memory_space<vmem>>, vector<1x16xf32>,
      %get3A_186 = vector.shape_cast %get3A_185 : vector<1x16xf32> to vector<16xf32>
      %slice3A_187 = vector.extract_strided_slice %get3A_34 {offsets = [10], sizes = [1], strides = [1]} : vector<16xf32> to vector<1xf32>
      %squeeze3A_188 = vector.extract %slice3A_187[0] : f32 from vector<1xf32>
      %mul3A_189 = vector.broadcast %squeeze3A_188 : f32 to vector<16xf32>
      %mul3A_190 = arith.mulf %get3A_186, %mul3A_189 : vector<16xf32>
      %swap3A_191 = arith.constant 10 : i32
      %swap3A_192 = arith.index_cast %swap3A_191 : i32 to index
      %swap3A_193 = arith.constant 0 : index
      %swap3A_194 = tpu.vector_load %arg11[%swap3A_192, %swap3A_193] {strides = array<i32>} : memref<128x16xf32, #tpu.memory_space<vmem>>, vector<1x16xf32>,
      %swap3A_195 = vector.shape_cast %swap3A_194 : vector<1x16xf32> to vector<16xf32>
      %swap3A_196 = vector.shape_cast %mul3A_190 : vector<16xf32> to vector<1x16xf32>
      tpu.vector_store %arg11[%swap3A_192, %swap3A_193], %swap3A_196 {strides = array<i32>} : memref<128x16xf32, #tpu.memory_space<vmem>>, vector<1x16xf32>,
      %get3A_197 = arith.constant 11 : i32
      %get3A_198 = arith.index_cast %get3A_197 : i32 to index
      %get3A_199 = arith.constant 0 : index
      %get3A_200 = tpu.vector_load %arg11[%get3A_198, %get3A_199] {strides = array<i32>} : memref<128x16xf32, #tpu.memory_space<vmem>>, vector<1x16xf32>,
      %get3A_201 = vector.shape_cast %get3A_200 : vector<1x16xf32> to vector<16xf32>
      %slice3A_202 = vector.extract_strided_slice %get3A_34 {offsets = [11], sizes = [1], strides = [1]} : vector<16xf32> to vector<1xf32>
      %squeeze3A_203 = vector.extract %slice3A_202[0] : f32 from vector<1xf32>
      %mul3A_204 = vector.broadcast %squeeze3A_203 : f32 to vector<16xf32>
      %mul3A_205 = arith.mulf %get3A_201, %mul3A_204 : vector<16xf32>
      %swap3A_206 = arith.constant 11 : i32
      %swap3A_207 = arith.index_cast %swap3A_206 : i32 to index
      %swap3A_208 = arith.constant 0 : index
      %swap3A_209 = tpu.vector_load %arg11[%swap3A_207, %swap3A_208] {strides = array<i32>} : memref<128x16xf32, #tpu.memory_space<vmem>>, vector<1x16xf32>,
      %swap3A_210 = vector.shape_cast %swap3A_209 : vector<1x16xf32> to vector<16xf32>
      %swap3A_211 = vector.shape_cast %mul3A_205 : vector<16xf32> to vector<1x16xf32>
      tpu.vector_store %arg11[%swap3A_207, %swap3A_208], %swap3A_211 {strides = array<i32>} : memref<128x16xf32, #tpu.memory_space<vmem>>, vector<1x16xf32>,
      %get3A_212 = arith.constant 12 : i32
      %get3A_213 = arith.index_cast %get3A_212 : i32 to index
      %get3A_214 = arith.constant 0 : index
      %get3A_215 = tpu.vector_load %arg11[%get3A_213, %get3A_214] {strides = array<i32>} : memref<128x16xf32, #tpu.memory_space<vmem>>, vector<1x16xf32>,
      %get3A_216 = vector.shape_cast %get3A_215 : vector<1x16xf32> to vector<16xf32>
      %slice3A_217 = vector.extract_strided_slice %get3A_34 {offsets = [12], sizes = [1], strides = [1]} : vector<16xf32> to vector<1xf32>
      %squeeze3A_218 = vector.extract %slice3A_217[0] : f32 from vector<1xf32>
      %mul3A_219 = vector.broadcast %squeeze3A_218 : f32 to vector<16xf32>
      %mul3A_220 = arith.mulf %get3A_216, %mul3A_219 : vector<16xf32>
      %swap3A_221 = arith.constant 12 : i32
      %swap3A_222 = arith.index_cast %swap3A_221 : i32 to index
      %swap3A_223 = arith.constant 0 : index
      %swap3A_224 = tpu.vector_load %arg11[%swap3A_222, %swap3A_223] {strides = array<i32>} : memref<128x16xf32, #tpu.memory_space<vmem>>, vector<1x16xf32>,
      %swap3A_225 = vector.shape_cast %swap3A_224 : vector<1x16xf32> to vector<16xf32>
      %swap3A_226 = vector.shape_cast %mul3A_220 : vector<16xf32> to vector<1x16xf32>
      tpu.vector_store %arg11[%swap3A_222, %swap3A_223], %swap3A_226 {strides = array<i32>} : memref<128x16xf32, #tpu.memory_space<vmem>>, vector<1x16xf32>,
      %get3A_227 = arith.constant 13 : i32
      %get3A_228 = arith.index_cast %get3A_227 : i32 to index
      %get3A_229 = arith.constant 0 : index
      %get3A_230 = tpu.vector_load %arg11[%get3A_228, %get3A_229] {strides = array<i32>} : memref<128x16xf32, #tpu.memory_space<vmem>>, vector<1x16xf32>,
      %get3A_231 = vector.shape_cast %get3A_230 : vector<1x16xf32> to vector<16xf32>
      %slice3A_232 = vector.extract_strided_slice %get3A_34 {offsets = [13], sizes = [1], strides = [1]} : vector<16xf32> to vector<1xf32>
      %squeeze3A_233 = vector.extract %slice3A_232[0] : f32 from vector<1xf32>
      %mul3A_234 = vector.broadcast %squeeze3A_233 : f32 to vector<16xf32>
      %mul3A_235 = arith.mulf %get3A_231, %mul3A_234 : vector<16xf32>
      %swap3A_236 = arith.constant 13 : i32
      %swap3A_237 = arith.index_cast %swap3A_236 : i32 to index
      %swap3A_238 = arith.constant 0 : index
      %swap3A_239 = tpu.vector_load %arg11[%swap3A_237, %swap3A_238] {strides = array<i32>} : memref<128x16xf32, #tpu.memory_space<vmem>>, vector<1x16xf32>,
      %swap3A_240 = vector.shape_cast %swap3A_239 : vector<1x16xf32> to vector<16xf32>
      %swap3A_241 = vector.shape_cast %mul3A_235 : vector<16xf32> to vector<1x16xf32>
      tpu.vector_store %arg11[%swap3A_237, %swap3A_238], %swap3A_241 {strides = array<i32>} : memref<128x16xf32, #tpu.memory_space<vmem>>, vector<1x16xf32>,
      %get3A_242 = arith.constant 14 : i32
      %get3A_243 = arith.index_cast %get3A_242 : i32 to index
      %get3A_244 = arith.constant 0 : index
      %get3A_245 = tpu.vector_load %arg11[%get3A_243, %get3A_244] {strides = array<i32>} : memref<128x16xf32, #tpu.memory_space<vmem>>, vector<1x16xf32>,
      %get3A_246 = vector.shape_cast %get3A_245 : vector<1x16xf32> to vector<16xf32>
      %slice3A_247 = vector.extract_strided_slice %get3A_34 {offsets = [14], sizes = [1], strides = [1]} : vector<16xf32> to vector<1xf32>
      %squeeze3A_248 = vector.extract %slice3A_247[0] : f32 from vector<1xf32>
      %mul3A_249 = vector.broadcast %squeeze3A_248 : f32 to vector<16xf32>
      %mul3A_250 = arith.mulf %get3A_246, %mul3A_249 : vector<16xf32>
      %swap3A_251 = arith.constant 14 : i32
      %swap3A_252 = arith.index_cast %swap3A_251 : i32 to index
      %swap3A_253 = arith.constant 0 : index
      %swap3A_254 = tpu.vector_load %arg11[%swap3A_252, %swap3A_253] {strides = array<i32>} : memref<128x16xf32, #tpu.memory_space<vmem>>, vector<1x16xf32>,
      %swap3A_255 = vector.shape_cast %swap3A_254 : vector<1x16xf32> to vector<16xf32>
      %swap3A_256 = vector.shape_cast %mul3A_250 : vector<16xf32> to vector<1x16xf32>
      tpu.vector_store %arg11[%swap3A_252, %swap3A_253], %swap3A_256 {strides = array<i32>} : memref<128x16xf32, #tpu.memory_space<vmem>>, vector<1x16xf32>,
      %get3A_257 = arith.constant 15 : i32
      %get3A_258 = arith.index_cast %get3A_257 : i32 to index
      %get3A_259 = arith.constant 0 : index
      %get3A_260 = tpu.vector_load %arg11[%get3A_258, %get3A_259] {strides = array<i32>} : memref<128x16xf32, #tpu.memory_space<vmem>>, vector<1x16xf32>,
      %get3A_261 = vector.shape_cast %get3A_260 : vector<1x16xf32> to vector<16xf32>
      %slice3A_262 = vector.extract_strided_slice %get3A_34 {offsets = [15], sizes = [1], strides = [1]} : vector<16xf32> to vector<1xf32>
      %squeeze3A_263 = vector.extract %slice3A_262[0] : f32 from vector<1xf32>
      %mul3A_264 = vector.broadcast %squeeze3A_263 : f32 to vector<16xf32>
      %mul3A_265 = arith.mulf %get3A_261, %mul3A_264 : vector<16xf32>
      %swap3A_266 = arith.constant 15 : i32
      %swap3A_267 = arith.index_cast %swap3A_266 : i32 to index
      %swap3A_268 = arith.constant 0 : index
      %swap3A_269 = tpu.vector_load %arg11[%swap3A_267, %swap3A_268] {strides = array<i32>} : memref<128x16xf32, #tpu.memory_space<vmem>>, vector<1x16xf32>,
      %swap3A_270 = vector.shape_cast %swap3A_269 : vector<1x16xf32> to vector<16xf32>
      %swap3A_271 = vector.shape_cast %mul3A_265 : vector<16xf32> to vector<1x16xf32>
      tpu.vector_store %arg11[%swap3A_267, %swap3A_268], %swap3A_271 {strides = array<i32>} : memref<128x16xf32, #tpu.memory_space<vmem>>, vector<1x16xf32>,
      %get3A_272 = arith.index_cast %scan3A_21 : i32 to index
      %get3A_273 = arith.constant 16 : index
      %get3A_274 = tpu.vector_load %arg10[%get3A_272, %get3A_273] {strides = array<i32>} : memref<160x128xf32, #tpu.memory_space<vmem>>, vector<1x16xf32>,
      %get3A_275 = vector.shape_cast %get3A_274 : vector<1x16xf32> to vector<16xf32>
      %get3A_276 = arith.constant 16 : i32
      %get3A_277 = arith.index_cast %get3A_276 : i32 to index
      %get3A_278 = arith.constant 0 : index
      %get3A_279 = tpu.vector_load %arg11[%get3A_277, %get3A_278] {strides = array<i32>} : memref<128x16xf32, #tpu.memory_space<vmem>>, vector<1x16xf32>,
      %get3A_280 = vector.shape_cast %get3A_279 : vector<1x16xf32> to vector<16xf32>
      %slice3A_281 = vector.extract_strided_slice %get3A_275 {offsets = [0], sizes = [1], strides = [1]} : vector<16xf32> to vector<1xf32>
      %squeeze3A_282 = vector.extract %slice3A_281[0] : f32 from vector<1xf32>
      %mul3A_283 = vector.broadcast %squeeze3A_282 : f32 to vector<16xf32>
      %mul3A_284 = arith.mulf %get3A_280, %mul3A_283 : vector<16xf32>
      %swap3A_285 = arith.constant 16 : i32
      %swap3A_286 = arith.index_cast %swap3A_285 : i32 to index
      %swap3A_287 = arith.constant 0 : index
      %swap3A_288 = tpu.vector_load %arg11[%swap3A_286, %swap3A_287] {strides = array<i32>} : memref<128x16xf32, #tpu.memory_space<vmem>>, vector<1x16xf32>,
      %swap3A_289 = vector.shape_cast %swap3A_288 : vector<1x16xf32> to vector<16xf32>
      %swap3A_290 = vector.shape_cast %mul3A_284 : vector<16xf32> to vector<1x16xf32>
      tpu.vector_store %arg11[%swap3A_286, %swap3A_287], %swap3A_290 {strides = array<i32>} : memref<128x16xf32, #tpu.memory_space<vmem>>, vector<1x16xf32>,
      %get3A_291 = arith.constant 17 : i32
      %get3A_292 = arith.index_cast %get3A_291 : i32 to index
      %get3A_293 = arith.constant 0 : index
      %get3A_294 = tpu.vector_load %arg11[%get3A_292, %get3A_293] {strides = array<i32>} : memref<128x16xf32, #tpu.memory_space<vmem>>, vector<1x16xf32>,
      %get3A_295 = vector.shape_cast %get3A_294 : vector<1x16xf32> to vector<16xf32>
      %slice3A_296 = vector.extract_strided_slice %get3A_275 {offsets = [1], sizes = [1], strides = [1]} : vector<16xf32> to vector<1xf32>
      %squeeze3A_297 = vector.extract %slice3A_296[0] : f32 from vector<1xf32>
      %mul3A_298 = vector.broadcast %squeeze3A_297 : f32 to vector<16xf32>
      %mul3A_299 = arith.mulf %get3A_295, %mul3A_298 : vector<16xf32>
      %swap3A_300 = arith.constant 17 : i32
      %swap3A_301 = arith.index_cast %swap3A_300 : i32 to index
      %swap3A_302 = arith.constant 0 : index
      %swap3A_303 = tpu.vector_load %arg11[%swap3A_301, %swap3A_302] {strides = array<i32>} : memref<128x16xf32, #tpu.memory_space<vmem>>, vector<1x16xf32>,
      %swap3A_304 = vector.shape_cast %swap3A_303 : vector<1x16xf32> to vector<16xf32>
      %swap3A_305 = vector.shape_cast %mul3A_299 : vector<16xf32> to vector<1x16xf32>
      tpu.vector_store %arg11[%swap3A_301, %swap3A_302], %swap3A_305 {strides = array<i32>} : memref<128x16xf32, #tpu.memory_space<vmem>>, vector<1x16xf32>,
      %get3A_306 = arith.constant 18 : i32
      %get3A_307 = arith.index_cast %get3A_306 : i32 to index
      %get3A_308 = arith.constant 0 : index
      %get3A_309 = tpu.vector_load %arg11[%get3A_307, %get3A_308] {strides = array<i32>} : memref<128x16xf32, #tpu.memory_space<vmem>>, vector<1x16xf32>,
      %get3A_310 = vector.shape_cast %get3A_309 : vector<1x16xf32> to vector<16xf32>
      %slice3A_311 = vector.extract_strided_slice %get3A_275 {offsets = [2], sizes = [1], strides = [1]} : vector<16xf32> to vector<1xf32>
      %squeeze3A_312 = vector.extract %slice3A_311[0] : f32 from vector<1xf32>
      %mul3A_313 = vector.broadcast %squeeze3A_312 : f32 to vector<16xf32>
      %mul3A_314 = arith.mulf %get3A_310, %mul3A_313 : vector<16xf32>
      %swap3A_315 = arith.constant 18 : i32
      %swap3A_316 = arith.index_cast %swap3A_315 : i32 to index
      %swap3A_317 = arith.constant 0 : index
      %swap3A_318 = tpu.vector_load %arg11[%swap3A_316, %swap3A_317] {strides = array<i32>} : memref<128x16xf32, #tpu.memory_space<vmem>>, vector<1x16xf32>,
      %swap3A_319 = vector.shape_cast %swap3A_318 : vector<1x16xf32> to vector<16xf32>
      %swap3A_320 = vector.shape_cast %mul3A_314 : vector<16xf32> to vector<1x16xf32>
      tpu.vector_store %arg11[%swap3A_316, %swap3A_317], %swap3A_320 {strides = array<i32>} : memref<128x16xf32, #tpu.memory_space<vmem>>, vector<1x16xf32>,
      %get3A_321 = arith.constant 19 : i32
      %get3A_322 = arith.index_cast %get3A_321 : i32 to index
      %get3A_323 = arith.constant 0 : index
      %get3A_324 = tpu.vector_load %arg11[%get3A_322, %get3A_323] {strides = array<i32>} : memref<128x16xf32, #tpu.memory_space<vmem>>, vector<1x16xf32>,
      %get3A_325 = vector.shape_cast %get3A_324 : vector<1x16xf32> to vector<16xf32>
      %slice3A_326 = vector.extract_strided_slice %get3A_275 {offsets = [3], sizes = [1], strides = [1]} : vector<16xf32> to vector<1xf32>
      %squeeze3A_327 = vector.extract %slice3A_326[0] : f32 from vector<1xf32>
      %mul3A_328 = vector.broadcast %squeeze3A_327 : f32 to vector<16xf32>
      %mul3A_329 = arith.mulf %get3A_325, %mul3A_328 : vector<16xf32>
      %swap3A_330 = arith.constant 19 : i32
      %swap3A_331 = arith.index_cast %swap3A_330 : i32 to index
      %swap3A_332 = arith.constant 0 : index
      %swap3A_333 = tpu.vector_load %arg11[%swap3A_331, %swap3A_332] {strides = array<i32>} : memref<128x16xf32, #tpu.memory_space<vmem>>, vector<1x16xf32>,
      %swap3A_334 = vector.shape_cast %swap3A_333 : vector<1x16xf32> to vector<16xf32>
      %swap3A_335 = vector.shape_cast %mul3A_329 : vector<16xf32> to vector<1x16xf32>
      tpu.vector_store %arg11[%swap3A_331, %swap3A_332], %swap3A_335 {strides = array<i32>} : memref<128x16xf32, #tpu.memory_space<vmem>>, vector<1x16xf32>,
      %get3A_336 = arith.constant 20 : i32
      %get3A_337 = arith.index_cast %get3A_336 : i32 to index
      %get3A_338 = arith.constant 0 : index
      %get3A_339 = tpu.vector_load %arg11[%get3A_337, %get3A_338] {strides = array<i32>} : memref<128x16xf32, #tpu.memory_space<vmem>>, vector<1x16xf32>,
      %get3A_340 = vector.shape_cast %get3A_339 : vector<1x16xf32> to vector<16xf32>
      %slice3A_341 = vector.extract_strided_slice %get3A_275 {offsets = [4], sizes = [1], strides = [1]} : vector<16xf32> to vector<1xf32>
      %squeeze3A_342 = vector.extract %slice3A_341[0] : f32 from vector<1xf32>
      %mul3A_343 = vector.broadcast %squeeze3A_342 : f32 to vector<16xf32>
      %mul3A_344 = arith.mulf %get3A_340, %mul3A_343 : vector<16xf32>
      %swap3A_345 = arith.constant 20 : i32
      %swap3A_346 = arith.index_cast %swap3A_345 : i32 to index
      %swap3A_347 = arith.constant 0 : index
      %swap3A_348 = tpu.vector_load %arg11[%swap3A_346, %swap3A_347] {strides = array<i32>} : memref<128x16xf32, #tpu.memory_space<vmem>>, vector<1x16xf32>,
      %swap3A_349 = vector.shape_cast %swap3A_348 : vector<1x16xf32> to vector<16xf32>
      %swap3A_350 = vector.shape_cast %mul3A_344 : vector<16xf32> to vector<1x16xf32>
      tpu.vector_store %arg11[%swap3A_346, %swap3A_347], %swap3A_350 {strides = array<i32>} : memref<128x16xf32, #tpu.memory_space<vmem>>, vector<1x16xf32>,
      %get3A_351 = arith.constant 21 : i32
      %get3A_352 = arith.index_cast %get3A_351 : i32 to index
      %get3A_353 = arith.constant 0 : index
      %get3A_354 = tpu.vector_load %arg11[%get3A_352, %get3A_353] {strides = array<i32>} : memref<128x16xf32, #tpu.memory_space<vmem>>, vector<1x16xf32>,
      %get3A_355 = vector.shape_cast %get3A_354 : vector<1x16xf32> to vector<16xf32>
      %slice3A_356 = vector.extract_strided_slice %get3A_275 {offsets = [5], sizes = [1], strides = [1]} : vector<16xf32> to vector<1xf32>
      %squeeze3A_357 = vector.extract %slice3A_356[0] : f32 from vector<1xf32>
      %mul3A_358 = vector.broadcast %squeeze3A_357 : f32 to vector<16xf32>
      %mul3A_359 = arith.mulf %get3A_355, %mul3A_358 : vector<16xf32>
      %swap3A_360 = arith.constant 21 : i32
      %swap3A_361 = arith.index_cast %swap3A_360 : i32 to index
      %swap3A_362 = arith.constant 0 : index
      %swap3A_363 = tpu.vector_load %arg11[%swap3A_361, %swap3A_362] {strides = array<i32>} : memref<128x16xf32, #tpu.memory_space<vmem>>, vector<1x16xf32>,
      %swap3A_364 = vector.shape_cast %swap3A_363 : vector<1x16xf32> to vector<16xf32>
      %swap3A_365 = vector.shape_cast %mul3A_359 : vector<16xf32> to vector<1x16xf32>
      tpu.vector_store %arg11[%swap3A_361, %swap3A_362], %swap3A_365 {strides = array<i32>} : memref<128x16xf32, #tpu.memory_space<vmem>>, vector<1x16xf32>,
      %get3A_366 = arith.constant 22 : i32
      %get3A_367 = arith.index_cast %get3A_366 : i32 to index
      %get3A_368 = arith.constant 0 : index
      %get3A_369 = tpu.vector_load %arg11[%get3A_367, %get3A_368] {strides = array<i32>} : memref<128x16xf32, #tpu.memory_space<vmem>>, vector<1x16xf32>,
      %get3A_370 = vector.shape_cast %get3A_369 : vector<1x16xf32> to vector<16xf32>
      %slice3A_371 = vector.extract_strided_slice %get3A_275 {offsets = [6], sizes = [1], strides = [1]} : vector<16xf32> to vector<1xf32>
      %squeeze3A_372 = vector.extract %slice3A_371[0] : f32 from vector<1xf32>
      %mul3A_373 = vector.broadcast %squeeze3A_372 : f32 to vector<16xf32>
      %mul3A_374 = arith.mulf %get3A_370, %mul3A_373 : vector<16xf32>
      %swap3A_375 = arith.constant 22 : i32
      %swap3A_376 = arith.index_cast %swap3A_375 : i32 to index
      %swap3A_377 = arith.constant 0 : index
      %swap3A_378 = tpu.vector_load %arg11[%swap3A_376, %swap3A_377] {strides = array<i32>} : memref<128x16xf32, #tpu.memory_space<vmem>>, vector<1x16xf32>,
      %swap3A_379 = vector.shape_cast %swap3A_378 : vector<1x16xf32> to vector<16xf32>
      %swap3A_380 = vector.shape_cast %mul3A_374 : vector<16xf32> to vector<1x16xf32>
      tpu.vector_store %arg11[%swap3A_376, %swap3A_377], %swap3A_380 {strides = array<i32>} : memref<128x16xf32, #tpu.memory_space<vmem>>, vector<1x16xf32>,
      %get3A_381 = arith.constant 23 : i32
      %get3A_382 = arith.index_cast %get3A_381 : i32 to index
      %get3A_383 = arith.constant 0 : index
      %get3A_384 = tpu.vector_load %arg11[%get3A_382, %get3A_383] {strides = array<i32>} : memref<128x16xf32, #tpu.memory_space<vmem>>, vector<1x16xf32>,
      %get3A_385 = vector.shape_cast %get3A_384 : vector<1x16xf32> to vector<16xf32>
      %slice3A_386 = vector.extract_strided_slice %get3A_275 {offsets = [7], sizes = [1], strides = [1]} : vector<16xf32> to vector<1xf32>
      %squeeze3A_387 = vector.extract %slice3A_386[0] : f32 from vector<1xf32>
      %mul3A_388 = vector.broadcast %squeeze3A_387 : f32 to vector<16xf32>
      %mul3A_389 = arith.mulf %get3A_385, %mul3A_388 : vector<16xf32>
      %swap3A_390 = arith.constant 23 : i32
      %swap3A_391 = arith.index_cast %swap3A_390 : i32 to index
      %swap3A_392 = arith.constant 0 : index
      %swap3A_393 = tpu.vector_load %arg11[%swap3A_391, %swap3A_392] {strides = array<i32>} : memref<128x16xf32, #tpu.memory_space<vmem>>, vector<1x16xf32>,
      %swap3A_394 = vector.shape_cast %swap3A_393 : vector<1x16xf32> to vector<16xf32>
      %swap3A_395 = vector.shape_cast %mul3A_389 : vector<16xf32> to vector<1x16xf32>
      tpu.vector_store %arg11[%swap3A_391, %swap3A_392], %swap3A_395 {strides = array<i32>} : memref<128x16xf32, #tpu.memory_space<vmem>>, vector<1x16xf32>,
      %get3A_396 = arith.constant 24 : i32
      %get3A_397 = arith.index_cast %get3A_396 : i32 to index
      %get3A_398 = arith.constant 0 : index
      %get3A_399 = tpu.vector_load %arg11[%get3A_397, %get3A_398] {strides = array<i32>} : memref<128x16xf32, #tpu.memory_space<vmem>>, vector<1x16xf32>,
      %get3A_400 = vector.shape_cast %get3A_399 : vector<1x16xf32> to vector<16xf32>
      %slice3A_401 = vector.extract_strided_slice %get3A_275 {offsets = [8], sizes = [1], strides = [1]} : vector<16xf32> to vector<1xf32>
      %squeeze3A_402 = vector.extract %slice3A_401[0] : f32 from vector<1xf32>
      %mul3A_403 = vector.broadcast %squeeze3A_402 : f32 to vector<16xf32>
      %mul3A_404 = arith.mulf %get3A_400, %mul3A_403 : vector<16xf32>
      %swap3A_405 = arith.constant 24 : i32
      %swap3A_406 = arith.index_cast %swap3A_405 : i32 to index
      %swap3A_407 = arith.constant 0 : index
      %swap3A_408 = tpu.vector_load %arg11[%swap3A_406, %swap3A_407] {strides = array<i32>} : memref<128x16xf32, #tpu.memory_space<vmem>>, vector<1x16xf32>,
      %swap3A_409 = vector.shape_cast %swap3A_408 : vector<1x16xf32> to vector<16xf32>
      %swap3A_410 = vector.shape_cast %mul3A_404 : vector<16xf32> to vector<1x16xf32>
      tpu.vector_store %arg11[%swap3A_406, %swap3A_407], %swap3A_410 {strides = array<i32>} : memref<128x16xf32, #tpu.memory_space<vmem>>, vector<1x16xf32>,
      %get3A_411 = arith.constant 25 : i32
      %get3A_412 = arith.index_cast %get3A_411 : i32 to index
      %get3A_413 = arith.constant 0 : index
      %get3A_414 = tpu.vector_load %arg11[%get3A_412, %get3A_413] {strides = array<i32>} : memref<128x16xf32, #tpu.memory_space<vmem>>, vector<1x16xf32>,
      %get3A_415 = vector.shape_cast %get3A_414 : vector<1x16xf32> to vector<16xf32>
      %slice3A_416 = vector.extract_strided_slice %get3A_275 {offsets = [9], sizes = [1], strides = [1]} : vector<16xf32> to vector<1xf32>
      %squeeze3A_417 = vector.extract %slice3A_416[0] : f32 from vector<1xf32>
      %mul3A_418 = vector.broadcast %squeeze3A_417 : f32 to vector<16xf32>
      %mul3A_419 = arith.mulf %get3A_415, %mul3A_418 : vector<16xf32>
      %swap3A_420 = arith.constant 25 : i32
      %swap3A_421 = arith.index_cast %swap3A_420 : i32 to index
      %swap3A_422 = arith.constant 0 : index
      %swap3A_423 = tpu.vector_load %arg11[%swap3A_421, %swap3A_422] {strides = array<i32>} : memref<128x16xf32, #tpu.memory_space<vmem>>, vector<1x16xf32>,
      %swap3A_424 = vector.shape_cast %swap3A_423 : vector<1x16xf32> to vector<16xf32>
      %swap3A_425 = vector.shape_cast %mul3A_419 : vector<16xf32> to vector<1x16xf32>
      tpu.vector_store %arg11[%swap3A_421, %swap3A_422], %swap3A_425 {strides = array<i32>} : memref<128x16xf32, #tpu.memory_space<vmem>>, vector<1x16xf32>,
      %get3A_426 = arith.constant 26 : i32
      %get3A_427 = arith.index_cast %get3A_426 : i32 to index
      %get3A_428 = arith.constant 0 : index
      %get3A_429 = tpu.vector_load %arg11[%get3A_427, %get3A_428] {strides = array<i32>} : memref<128x16xf32, #tpu.memory_space<vmem>>, vector<1x16xf32>,
      %get3A_430 = vector.shape_cast %get3A_429 : vector<1x16xf32> to vector<16xf32>
      %slice3A_431 = vector.extract_strided_slice %get3A_275 {offsets = [10], sizes = [1], strides = [1]} : vector<16xf32> to vector<1xf32>
      %squeeze3A_432 = vector.extract %slice3A_431[0] : f32 from vector<1xf32>
      %mul3A_433 = vector.broadcast %squeeze3A_432 : f32 to vector<16xf32>
      %mul3A_434 = arith.mulf %get3A_430, %mul3A_433 : vector<16xf32>
      %swap3A_435 = arith.constant 26 : i32
      %swap3A_436 = arith.index_cast %swap3A_435 : i32 to index
      %swap3A_437 = arith.constant 0 : index
      %swap3A_438 = tpu.vector_load %arg11[%swap3A_436, %swap3A_437] {strides = array<i32>} : memref<128x16xf32, #tpu.memory_space<vmem>>, vector<1x16xf32>,
      %swap3A_439 = vector.shape_cast %swap3A_438 : vector<1x16xf32> to vector<16xf32>
      %swap3A_440 = vector.shape_cast %mul3A_434 : vector<16xf32> to vector<1x16xf32>
      tpu.vector_store %arg11[%swap3A_436, %swap3A_437], %swap3A_440 {strides = array<i32>} : memref<128x16xf32, #tpu.memory_space<vmem>>, vector<1x16xf32>,
      %get3A_441 = arith.constant 27 : i32
      %get3A_442 = arith.index_cast %get3A_441 : i32 to index
      %get3A_443 = arith.constant 0 : index
      %get3A_444 = tpu.vector_load %arg11[%get3A_442, %get3A_443] {strides = array<i32>} : memref<128x16xf32, #tpu.memory_space<vmem>>, vector<1x16xf32>,
      %get3A_445 = vector.shape_cast %get3A_444 : vector<1x16xf32> to vector<16xf32>
      %slice3A_446 = vector.extract_strided_slice %get3A_275 {offsets = [11], sizes = [1], strides = [1]} : vector<16xf32> to vector<1xf32>
      %squeeze3A_447 = vector.extract %slice3A_446[0] : f32 from vector<1xf32>
      %mul3A_448 = vector.broadcast %squeeze3A_447 : f32 to vector<16xf32>
      %mul3A_449 = arith.mulf %get3A_445, %mul3A_448 : vector<16xf32>
      %swap3A_450 = arith.constant 27 : i32
      %swap3A_451 = arith.index_cast %swap3A_450 : i32 to index
      %swap3A_452 = arith.constant 0 : index
      %swap3A_453 = tpu.vector_load %arg11[%swap3A_451, %swap3A_452] {strides = array<i32>} : memref<128x16xf32, #tpu.memory_space<vmem>>, vector<1x16xf32>,
      %swap3A_454 = vector.shape_cast %swap3A_453 : vector<1x16xf32> to vector<16xf32>
      %swap3A_455 = vector.shape_cast %mul3A_449 : vector<16xf32> to vector<1x16xf32>
      tpu.vector_store %arg11[%swap3A_451, %swap3A_452], %swap3A_455 {strides = array<i32>} : memref<128x16xf32, #tpu.memory_space<vmem>>, vector<1x16xf32>,
      %get3A_456 = arith.constant 28 : i32
      %get3A_457 = arith.index_cast %get3A_456 : i32 to index
      %get3A_458 = arith.constant 0 : index
      %get3A_459 = tpu.vector_load %arg11[%get3A_457, %get3A_458] {strides = array<i32>} : memref<128x16xf32, #tpu.memory_space<vmem>>, vector<1x16xf32>,
      %get3A_460 = vector.shape_cast %get3A_459 : vector<1x16xf32> to vector<16xf32>
      %slice3A_461 = vector.extract_strided_slice %get3A_275 {offsets = [12], sizes = [1], strides = [1]} : vector<16xf32> to vector<1xf32>
      %squeeze3A_462 = vector.extract %slice3A_461[0] : f32 from vector<1xf32>
      %mul3A_463 = vector.broadcast %squeeze3A_462 : f32 to vector<16xf32>
      %mul3A_464 = arith.mulf %get3A_460, %mul3A_463 : vector<16xf32>
      %swap3A_465 = arith.constant 28 : i32
      %swap3A_466 = arith.index_cast %swap3A_465 : i32 to index
      %swap3A_467 = arith.constant 0 : index
      %swap3A_468 = tpu.vector_load %arg11[%swap3A_466, %swap3A_467] {strides = array<i32>} : memref<128x16xf32, #tpu.memory_space<vmem>>, vector<1x16xf32>,
      %swap3A_469 = vector.shape_cast %swap3A_468 : vector<1x16xf32> to vector<16xf32>
      %swap3A_470 = vector.shape_cast %mul3A_464 : vector<16xf32> to vector<1x16xf32>
      tpu.vector_store %arg11[%swap3A_466, %swap3A_467], %swap3A_470 {strides = array<i32>} : memref<128x16xf32, #tpu.memory_space<vmem>>, vector<1x16xf32>,
      %get3A_471 = arith.constant 29 : i32
      %get3A_472 = arith.index_cast %get3A_471 : i32 to index
      %get3A_473 = arith.constant 0 : index
      %get3A_474 = tpu.vector_load %arg11[%get3A_472, %get3A_473] {strides = array<i32>} : memref<128x16xf32, #tpu.memory_space<vmem>>, vector<1x16xf32>,
      %get3A_475 = vector.shape_cast %get3A_474 : vector<1x16xf32> to vector<16xf32>
      %slice3A_476 = vector.extract_strided_slice %get3A_275 {offsets = [13], sizes = [1], strides = [1]} : vector<16xf32> to vector<1xf32>
      %squeeze3A_477 = vector.extract %slice3A_476[0] : f32 from vector<1xf32>
      %mul3A_478 = vector.broadcast %squeeze3A_477 : f32 to vector<16xf32>
      %mul3A_479 = arith.mulf %get3A_475, %mul3A_478 : vector<16xf32>
      %swap3A_480 = arith.constant 29 : i32
      %swap3A_481 = arith.index_cast %swap3A_480 : i32 to index
      %swap3A_482 = arith.constant 0 : index
      %swap3A_483 = tpu.vector_load %arg11[%swap3A_481, %swap3A_482] {strides = array<i32>} : memref<128x16xf32, #tpu.memory_space<vmem>>, vector<1x16xf32>,
      %swap3A_484 = vector.shape_cast %swap3A_483 : vector<1x16xf32> to vector<16xf32>
      %swap3A_485 = vector.shape_cast %mul3A_479 : vector<16xf32> to vector<1x16xf32>
      tpu.vector_store %arg11[%swap3A_481, %swap3A_482], %swap3A_485 {strides = array<i32>} : memref<128x16xf32, #tpu.memory_space<vmem>>, vector<1x16xf32>,
      %get3A_486 = arith.constant 30 : i32
      %get3A_487 = arith.index_cast %get3A_486 : i32 to index
      %get3A_488 = arith.constant 0 : index
      %get3A_489 = tpu.vector_load %arg11[%get3A_487, %get3A_488] {strides = array<i32>} : memref<128x16xf32, #tpu.memory_space<vmem>>, vector<1x16xf32>,
      %get3A_490 = vector.shape_cast %get3A_489 : vector<1x16xf32> to vector<16xf32>
      %slice3A_491 = vector.extract_strided_slice %get3A_275 {offsets = [14], sizes = [1], strides = [1]} : vector<16xf32> to vector<1xf32>
      %squeeze3A_492 = vector.extract %slice3A_491[0] : f32 from vector<1xf32>
      %mul3A_493 = vector.broadcast %squeeze3A_492 : f32 to vector<16xf32>
      %mul3A_494 = arith.mulf %get3A_490, %mul3A_493 : vector<16xf32>
      %swap3A_495 = arith.constant 30 : i32
      %swap3A_496 = arith.index_cast %swap3A_495 : i32 to index
      %swap3A_497 = arith.constant 0 : index
      %swap3A_498 = tpu.vector_load %arg11[%swap3A_496, %swap3A_497] {strides = array<i32>} : memref<128x16xf32, #tpu.memory_space<vmem>>, vector<1x16xf32>,
      %swap3A_499 = vector.shape_cast %swap3A_498 : vector<1x16xf32> to vector<16xf32>
      %swap3A_500 = vector.shape_cast %mul3A_494 : vector<16xf32> to vector<1x16xf32>
      tpu.vector_store %arg11[%swap3A_496, %swap3A_497], %swap3A_500 {strides = array<i32>} : memref<128x16xf32, #tpu.memory_space<vmem>>, vector<1x16xf32>,
      %get3A_501 = arith.constant 31 : i32
      %get3A_502 = arith.index_cast %get3A_501 : i32 to index
      %get3A_503 = arith.constant 0 : index
      %get3A_504 = tpu.vector_load %arg11[%get3A_502, %get3A_503] {strides = array<i32>} : memref<128x16xf32, #tpu.memory_space<vmem>>, vector<1x16xf32>,
      %get3A_505 = vector.shape_cast %get3A_504 : vector<1x16xf32> to vector<16xf32>
      %slice3A_506 = vector.extract_strided_slice %get3A_275 {offsets = [15], sizes = [1], strides = [1]} : vector<16xf32> to vector<1xf32>
      %squeeze3A_507 = vector.extract %slice3A_506[0] : f32 from vector<1xf32>
      %mul3A_508 = vector.broadcast %squeeze3A_507 : f32 to vector<16xf32>
      %mul3A_509 = arith.mulf %get3A_505, %mul3A_508 : vector<16xf32>
      %swap3A_510 = arith.constant 31 : i32
      %swap3A_511 = arith.index_cast %swap3A_510 : i32 to index
      %swap3A_512 = arith.constant 0 : index
      %swap3A_513 = tpu.vector_load %arg11[%swap3A_511, %swap3A_512] {strides = array<i32>} : memref<128x16xf32, #tpu.memory_space<vmem>>, vector<1x16xf32>,
      %swap3A_514 = vector.shape_cast %swap3A_513 : vector<1x16xf32> to vector<16xf32>
      %swap3A_515 = vector.shape_cast %mul3A_509 : vector<16xf32> to vector<1x16xf32>
      tpu.vector_store %arg11[%swap3A_511, %swap3A_512], %swap3A_515 {strides = array<i32>} : memref<128x16xf32, #tpu.memory_space<vmem>>, vector<1x16xf32>,
      %get3A_516 = arith.index_cast %scan3A_21 : i32 to index
      %get3A_517 = arith.constant 32 : index
      %get3A_518 = tpu.vector_load %arg10[%get3A_516, %get3A_517] {strides = array<i32>} : memref<160x128xf32, #tpu.memory_space<vmem>>, vector<1x16xf32>,
      %get3A_519 = vector.shape_cast %get3A_518 : vector<1x16xf32> to vector<16xf32>
      %get3A_520 = arith.constant 32 : i32
      %get3A_521 = arith.index_cast %get3A_520 : i32 to index
      %get3A_522 = arith.constant 0 : index
      %get3A_523 = tpu.vector_load %arg11[%get3A_521, %get3A_522] {strides = array<i32>} : memref<128x16xf32, #tpu.memory_space<vmem>>, vector<1x16xf32>,
      %get3A_524 = vector.shape_cast %get3A_523 : vector<1x16xf32> to vector<16xf32>
      %slice3A_525 = vector.extract_strided_slice %get3A_519 {offsets = [0], sizes = [1], strides = [1]} : vector<16xf32> to vector<1xf32>
      %squeeze3A_526 = vector.extract %slice3A_525[0] : f32 from vector<1xf32>
      %mul3A_527 = vector.broadcast %squeeze3A_526 : f32 to vector<16xf32>
      %mul3A_528 = arith.mulf %get3A_524, %mul3A_527 : vector<16xf32>
      %swap3A_529 = arith.constant 32 : i32
      %swap3A_530 = arith.index_cast %swap3A_529 : i32 to index
      %swap3A_531 = arith.constant 0 : index
      %swap3A_532 = tpu.vector_load %arg11[%swap3A_530, %swap3A_531] {strides = array<i32>} : memref<128x16xf32, #tpu.memory_space<vmem>>, vector<1x16xf32>,
      %swap3A_533 = vector.shape_cast %swap3A_532 : vector<1x16xf32> to vector<16xf32>
      %swap3A_534 = vector.shape_cast %mul3A_528 : vector<16xf32> to vector<1x16xf32>
      tpu.vector_store %arg11[%swap3A_530, %swap3A_531], %swap3A_534 {strides = array<i32>} : memref<128x16xf32, #tpu.memory_space<vmem>>, vector<1x16xf32>,
      %get3A_535 = arith.constant 33 : i32
      %get3A_536 = arith.index_cast %get3A_535 : i32 to index
      %get3A_537 = arith.constant 0 : index
      %get3A_538 = tpu.vector_load %arg11[%get3A_536, %get3A_537] {strides = array<i32>} : memref<128x16xf32, #tpu.memory_space<vmem>>, vector<1x16xf32>,
      %get3A_539 = vector.shape_cast %get3A_538 : vector<1x16xf32> to vector<16xf32>
      %slice3A_540 = vector.extract_strided_slice %get3A_519 {offsets = [1], sizes = [1], strides = [1]} : vector<16xf32> to vector<1xf32>
      %squeeze3A_541 = vector.extract %slice3A_540[0] : f32 from vector<1xf32>
      %mul3A_542 = vector.broadcast %squeeze3A_541 : f32 to vector<16xf32>
      %mul3A_543 = arith.mulf %get3A_539, %mul3A_542 : vector<16xf32>
      %swap3A_544 = arith.constant 33 : i32
      %swap3A_545 = arith.index_cast %swap3A_544 : i32 to index
      %swap3A_546 = arith.constant 0 : index
      %swap3A_547 = tpu.vector_load %arg11[%swap3A_545, %swap3A_546] {strides = array<i32>} : memref<128x16xf32, #tpu.memory_space<vmem>>, vector<1x16xf32>,
      %swap3A_548 = vector.shape_cast %swap3A_547 : vector<1x16xf32> to vector<16xf32>
      %swap3A_549 = vector.shape_cast %mul3A_543 : vector<16xf32> to vector<1x16xf32>
      tpu.vector_store %arg11[%swap3A_545, %swap3A_546], %swap3A_549 {strides = array<i32>} : memref<128x16xf32, #tpu.memory_space<vmem>>, vector<1x16xf32>,
      %get3A_550 = arith.constant 34 : i32
      %get3A_551 = arith.index_cast %get3A_550 : i32 to index
      %get3A_552 = arith.constant 0 : index
      %get3A_553 = tpu.vector_load %arg11[%get3A_551, %get3A_552] {strides = array<i32>} : memref<128x16xf32, #tpu.memory_space<vmem>>, vector<1x16xf32>,
      %get3A_554 = vector.shape_cast %get3A_553 : vector<1x16xf32> to vector<16xf32>
      %slice3A_555 = vector.extract_strided_slice %get3A_519 {offsets = [2], sizes = [1], strides = [1]} : vector<16xf32> to vector<1xf32>
      %squeeze3A_556 = vector.extract %slice3A_555[0] : f32 from vector<1xf32>
      %mul3A_557 = vector.broadcast %squeeze3A_556 : f32 to vector<16xf32>
      %mul3A_558 = arith.mulf %get3A_554, %mul3A_557 : vector<16xf32>
      %swap3A_559 = arith.constant 34 : i32
      %swap3A_560 = arith.index_cast %swap3A_559 : i32 to index
      %swap3A_561 = arith.constant 0 : index
      %swap3A_562 = tpu.vector_load %arg11[%swap3A_560, %swap3A_561] {strides = array<i32>} : memref<128x16xf32, #tpu.memory_space<vmem>>, vector<1x16xf32>,
      %swap3A_563 = vector.shape_cast %swap3A_562 : vector<1x16xf32> to vector<16xf32>
      %swap3A_564 = vector.shape_cast %mul3A_558 : vector<16xf32> to vector<1x16xf32>
      tpu.vector_store %arg11[%swap3A_560, %swap3A_561], %swap3A_564 {strides = array<i32>} : memref<128x16xf32, #tpu.memory_space<vmem>>, vector<1x16xf32>,
      %get3A_565 = arith.constant 35 : i32
      %get3A_566 = arith.index_cast %get3A_565 : i32 to index
      %get3A_567 = arith.constant 0 : index
      %get3A_568 = tpu.vector_load %arg11[%get3A_566, %get3A_567] {strides = array<i32>} : memref<128x16xf32, #tpu.memory_space<vmem>>, vector<1x16xf32>,
      %get3A_569 = vector.shape_cast %get3A_568 : vector<1x16xf32> to vector<16xf32>
      %slice3A_570 = vector.extract_strided_slice %get3A_519 {offsets = [3], sizes = [1], strides = [1]} : vector<16xf32> to vector<1xf32>
      %squeeze3A_571 = vector.extract %slice3A_570[0] : f32 from vector<1xf32>
      %mul3A_572 = vector.broadcast %squeeze3A_571 : f32 to vector<16xf32>
      %mul3A_573 = arith.mulf %get3A_569, %mul3A_572 : vector<16xf32>
      %swap3A_574 = arith.constant 35 : i32
      %swap3A_575 = arith.index_cast %swap3A_574 : i32 to index
      %swap3A_576 = arith.constant 0 : index
      %swap3A_577 = tpu.vector_load %arg11[%swap3A_575, %swap3A_576] {strides = array<i32>} : memref<128x16xf32, #tpu.memory_space<vmem>>, vector<1x16xf32>,
      %swap3A_578 = vector.shape_cast %swap3A_577 : vector<1x16xf32> to vector<16xf32>
      %swap3A_579 = vector.shape_cast %mul3A_573 : vector<16xf32> to vector<1x16xf32>
      tpu.vector_store %arg11[%swap3A_575, %swap3A_576], %swap3A_579 {strides = array<i32>} : memref<128x16xf32, #tpu.memory_space<vmem>>, vector<1x16xf32>,
      %get3A_580 = arith.constant 36 : i32
      %get3A_581 = arith.index_cast %get3A_580 : i32 to index
      %get3A_582 = arith.constant 0 : index
      %get3A_583 = tpu.vector_load %arg11[%get3A_581, %get3A_582] {strides = array<i32>} : memref<128x16xf32, #tpu.memory_space<vmem>>, vector<1x16xf32>,
      %get3A_584 = vector.shape_cast %get3A_583 : vector<1x16xf32> to vector<16xf32>
      %slice3A_585 = vector.extract_strided_slice %get3A_519 {offsets = [4], sizes = [1], strides = [1]} : vector<16xf32> to vector<1xf32>
      %squeeze3A_586 = vector.extract %slice3A_585[0] : f32 from vector<1xf32>
      %mul3A_587 = vector.broadcast %squeeze3A_586 : f32 to vector<16xf32>
      %mul3A_588 = arith.mulf %get3A_584, %mul3A_587 : vector<16xf32>
      %swap3A_589 = arith.constant 36 : i32
      %swap3A_590 = arith.index_cast %swap3A_589 : i32 to index
      %swap3A_591 = arith.constant 0 : index
      %swap3A_592 = tpu.vector_load %arg11[%swap3A_590, %swap3A_591] {strides = array<i32>} : memref<128x16xf32, #tpu.memory_space<vmem>>, vector<1x16xf32>,
      %swap3A_593 = vector.shape_cast %swap3A_592 : vector<1x16xf32> to vector<16xf32>
      %swap3A_594 = vector.shape_cast %mul3A_588 : vector<16xf32> to vector<1x16xf32>
      tpu.vector_store %arg11[%swap3A_590, %swap3A_591], %swap3A_594 {strides = array<i32>} : memref<128x16xf32, #tpu.memory_space<vmem>>, vector<1x16xf32>,
      %get3A_595 = arith.constant 37 : i32
      %get3A_596 = arith.index_cast %get3A_595 : i32 to index
      %get3A_597 = arith.constant 0 : index
      %get3A_598 = tpu.vector_load %arg11[%get3A_596, %get3A_597] {strides = array<i32>} : memref<128x16xf32, #tpu.memory_space<vmem>>, vector<1x16xf32>,
      %get3A_599 = vector.shape_cast %get3A_598 : vector<1x16xf32> to vector<16xf32>
      %slice3A_600 = vector.extract_strided_slice %get3A_519 {offsets = [5], sizes = [1], strides = [1]} : vector<16xf32> to vector<1xf32>
      %squeeze3A_601 = vector.extract %slice3A_600[0] : f32 from vector<1xf32>
      %mul3A_602 = vector.broadcast %squeeze3A_601 : f32 to vector<16xf32>
      %mul3A_603 = arith.mulf %get3A_599, %mul3A_602 : vector<16xf32>
      %swap3A_604 = arith.constant 37 : i32
      %swap3A_605 = arith.index_cast %swap3A_604 : i32 to index
      %swap3A_606 = arith.constant 0 : index
      %swap3A_607 = tpu.vector_load %arg11[%swap3A_605, %swap3A_606] {strides = array<i32>} : memref<128x16xf32, #tpu.memory_space<vmem>>, vector<1x16xf32>,
      %swap3A_608 = vector.shape_cast %swap3A_607 : vector<1x16xf32> to vector<16xf32>
      %swap3A_609 = vector.shape_cast %mul3A_603 : vector<16xf32> to vector<1x16xf32>
      tpu.vector_store %arg11[%swap3A_605, %swap3A_606], %swap3A_609 {strides = array<i32>} : memref<128x16xf32, #tpu.memory_space<vmem>>, vector<1x16xf32>,
      %get3A_610 = arith.constant 38 : i32
      %get3A_611 = arith.index_cast %get3A_610 : i32 to index
      %get3A_612 = arith.constant 0 : index
      %get3A_613 = tpu.vector_load %arg11[%get3A_611, %get3A_612] {strides = array<i32>} : memref<128x16xf32, #tpu.memory_space<vmem>>, vector<1x16xf32>,
      %get3A_614 = vector.shape_cast %get3A_613 : vector<1x16xf32> to vector<16xf32>
      %slice3A_615 = vector.extract_strided_slice %get3A_519 {offsets = [6], sizes = [1], strides = [1]} : vector<16xf32> to vector<1xf32>
      %squeeze3A_616 = vector.extract %slice3A_615[0] : f32 from vector<1xf32>
      %mul3A_617 = vector.broadcast %squeeze3A_616 : f32 to vector<16xf32>
      %mul3A_618 = arith.mulf %get3A_614, %mul3A_617 : vector<16xf32>
      %swap3A_619 = arith.constant 38 : i32
      %swap3A_620 = arith.index_cast %swap3A_619 : i32 to index
      %swap3A_621 = arith.constant 0 : index
      %swap3A_622 = tpu.vector_load %arg11[%swap3A_620, %swap3A_621] {strides = array<i32>} : memref<128x16xf32, #tpu.memory_space<vmem>>, vector<1x16xf32>,
      %swap3A_623 = vector.shape_cast %swap3A_622 : vector<1x16xf32> to vector<16xf32>
      %swap3A_624 = vector.shape_cast %mul3A_618 : vector<16xf32> to vector<1x16xf32>
      tpu.vector_store %arg11[%swap3A_620, %swap3A_621], %swap3A_624 {strides = array<i32>} : memref<128x16xf32, #tpu.memory_space<vmem>>, vector<1x16xf32>,
      %get3A_625 = arith.constant 39 : i32
      %get3A_626 = arith.index_cast %get3A_625 : i32 to index
      %get3A_627 = arith.constant 0 : index
      %get3A_628 = tpu.vector_load %arg11[%get3A_626, %get3A_627] {strides = array<i32>} : memref<128x16xf32, #tpu.memory_space<vmem>>, vector<1x16xf32>,
      %get3A_629 = vector.shape_cast %get3A_628 : vector<1x16xf32> to vector<16xf32>
      %slice3A_630 = vector.extract_strided_slice %get3A_519 {offsets = [7], sizes = [1], strides = [1]} : vector<16xf32> to vector<1xf32>
      %squeeze3A_631 = vector.extract %slice3A_630[0] : f32 from vector<1xf32>
      %mul3A_632 = vector.broadcast %squeeze3A_631 : f32 to vector<16xf32>
      %mul3A_633 = arith.mulf %get3A_629, %mul3A_632 : vector<16xf32>
      %swap3A_634 = arith.constant 39 : i32
      %swap3A_635 = arith.index_cast %swap3A_634 : i32 to index
      %swap3A_636 = arith.constant 0 : index
      %swap3A_637 = tpu.vector_load %arg11[%swap3A_635, %swap3A_636] {strides = array<i32>} : memref<128x16xf32, #tpu.memory_space<vmem>>, vector<1x16xf32>,
      %swap3A_638 = vector.shape_cast %swap3A_637 : vector<1x16xf32> to vector<16xf32>
      %swap3A_639 = vector.shape_cast %mul3A_633 : vector<16xf32> to vector<1x16xf32>
      tpu.vector_store %arg11[%swap3A_635, %swap3A_636], %swap3A_639 {strides = array<i32>} : memref<128x16xf32, #tpu.memory_space<vmem>>, vector<1x16xf32>,
      %get3A_640 = arith.constant 40 : i32
      %get3A_641 = arith.index_cast %get3A_640 : i32 to index
      %get3A_642 = arith.constant 0 : index
      %get3A_643 = tpu.vector_load %arg11[%get3A_641, %get3A_642] {strides = array<i32>} : memref<128x16xf32, #tpu.memory_space<vmem>>, vector<1x16xf32>,
      %get3A_644 = vector.shape_cast %get3A_643 : vector<1x16xf32> to vector<16xf32>
      %slice3A_645 = vector.extract_strided_slice %get3A_519 {offsets = [8], sizes = [1], strides = [1]} : vector<16xf32> to vector<1xf32>
      %squeeze3A_646 = vector.extract %slice3A_645[0] : f32 from vector<1xf32>
      %mul3A_647 = vector.broadcast %squeeze3A_646 : f32 to vector<16xf32>
      %mul3A_648 = arith.mulf %get3A_644, %mul3A_647 : vector<16xf32>
      %swap3A_649 = arith.constant 40 : i32
      %swap3A_650 = arith.index_cast %swap3A_649 : i32 to index
      %swap3A_651 = arith.constant 0 : index
      %swap3A_652 = tpu.vector_load %arg11[%swap3A_650, %swap3A_651] {strides = array<i32>} : memref<128x16xf32, #tpu.memory_space<vmem>>, vector<1x16xf32>,
      %swap3A_653 = vector.shape_cast %swap3A_652 : vector<1x16xf32> to vector<16xf32>
      %swap3A_654 = vector.shape_cast %mul3A_648 : vector<16xf32> to vector<1x16xf32>
      tpu.vector_store %arg11[%swap3A_650, %swap3A_651], %swap3A_654 {strides = array<i32>} : memref<128x16xf32, #tpu.memory_space<vmem>>, vector<1x16xf32>,
      %get3A_655 = arith.constant 41 : i32
      %get3A_656 = arith.index_cast %get3A_655 : i32 to index
      %get3A_657 = arith.constant 0 : index
      %get3A_658 = tpu.vector_load %arg11[%get3A_656, %get3A_657] {strides = array<i32>} : memref<128x16xf32, #tpu.memory_space<vmem>>, vector<1x16xf32>,
      %get3A_659 = vector.shape_cast %get3A_658 : vector<1x16xf32> to vector<16xf32>
      %slice3A_660 = vector.extract_strided_slice %get3A_519 {offsets = [9], sizes = [1], strides = [1]} : vector<16xf32> to vector<1xf32>
      %squeeze3A_661 = vector.extract %slice3A_660[0] : f32 from vector<1xf32>
      %mul3A_662 = vector.broadcast %squeeze3A_661 : f32 to vector<16xf32>
      %mul3A_663 = arith.mulf %get3A_659, %mul3A_662 : vector<16xf32>
      %swap3A_664 = arith.constant 41 : i32
      %swap3A_665 = arith.index_cast %swap3A_664 : i32 to index
      %swap3A_666 = arith.constant 0 : index
      %swap3A_667 = tpu.vector_load %arg11[%swap3A_665, %swap3A_666] {strides = array<i32>} : memref<128x16xf32, #tpu.memory_space<vmem>>, vector<1x16xf32>,
      %swap3A_668 = vector.shape_cast %swap3A_667 : vector<1x16xf32> to vector<16xf32>
      %swap3A_669 = vector.shape_cast %mul3A_663 : vector<16xf32> to vector<1x16xf32>
      tpu.vector_store %arg11[%swap3A_665, %swap3A_666], %swap3A_669 {strides = array<i32>} : memref<128x16xf32, #tpu.memory_space<vmem>>, vector<1x16xf32>,
      %get3A_670 = arith.constant 42 : i32
      %get3A_671 = arith.index_cast %get3A_670 : i32 to index
      %get3A_672 = arith.constant 0 : index
      %get3A_673 = tpu.vector_load %arg11[%get3A_671, %get3A_672] {strides = array<i32>} : memref<128x16xf32, #tpu.memory_space<vmem>>, vector<1x16xf32>,
      %get3A_674 = vector.shape_cast %get3A_673 : vector<1x16xf32> to vector<16xf32>
      %slice3A_675 = vector.extract_strided_slice %get3A_519 {offsets = [10], sizes = [1], strides = [1]} : vector<16xf32> to vector<1xf32>
      %squeeze3A_676 = vector.extract %slice3A_675[0] : f32 from vector<1xf32>
      %mul3A_677 = vector.broadcast %squeeze3A_676 : f32 to vector<16xf32>
      %mul3A_678 = arith.mulf %get3A_674, %mul3A_677 : vector<16xf32>
      %swap3A_679 = arith.constant 42 : i32
      %swap3A_680 = arith.index_cast %swap3A_679 : i32 to index
      %swap3A_681 = arith.constant 0 : index
      %swap3A_682 = tpu.vector_load %arg11[%swap3A_680, %swap3A_681] {strides = array<i32>} : memref<128x16xf32, #tpu.memory_space<vmem>>, vector<1x16xf32>,
      %swap3A_683 = vector.shape_cast %swap3A_682 : vector<1x16xf32> to vector<16xf32>
      %swap3A_684 = vector.shape_cast %mul3A_678 : vector<16xf32> to vector<1x16xf32>
      tpu.vector_store %arg11[%swap3A_680, %swap3A_681], %swap3A_684 {strides = array<i32>} : memref<128x16xf32, #tpu.memory_space<vmem>>, vector<1x16xf32>,
      %get3A_685 = arith.constant 43 : i32
      %get3A_686 = arith.index_cast %get3A_685 : i32 to index
      %get3A_687 = arith.constant 0 : index
      %get3A_688 = tpu.vector_load %arg11[%get3A_686, %get3A_687] {strides = array<i32>} : memref<128x16xf32, #tpu.memory_space<vmem>>, vector<1x16xf32>,
      %get3A_689 = vector.shape_cast %get3A_688 : vector<1x16xf32> to vector<16xf32>
      %slice3A_690 = vector.extract_strided_slice %get3A_519 {offsets = [11], sizes = [1], strides = [1]} : vector<16xf32> to vector<1xf32>
      %squeeze3A_691 = vector.extract %slice3A_690[0] : f32 from vector<1xf32>
      %mul3A_692 = vector.broadcast %squeeze3A_691 : f32 to vector<16xf32>
      %mul3A_693 = arith.mulf %get3A_689, %mul3A_692 : vector<16xf32>
      %swap3A_694 = arith.constant 43 : i32
      %swap3A_695 = arith.index_cast %swap3A_694 : i32 to index
      %swap3A_696 = arith.constant 0 : index
      %swap3A_697 = tpu.vector_load %arg11[%swap3A_695, %swap3A_696] {strides = array<i32>} : memref<128x16xf32, #tpu.memory_space<vmem>>, vector<1x16xf32>,
      %swap3A_698 = vector.shape_cast %swap3A_697 : vector<1x16xf32> to vector<16xf32>
      %swap3A_699 = vector.shape_cast %mul3A_693 : vector<16xf32> to vector<1x16xf32>
      tpu.vector_store %arg11[%swap3A_695, %swap3A_696], %swap3A_699 {strides = array<i32>} : memref<128x16xf32, #tpu.memory_space<vmem>>, vector<1x16xf32>,
      %get3A_700 = arith.constant 44 : i32
      %get3A_701 = arith.index_cast %get3A_700 : i32 to index
      %get3A_702 = arith.constant 0 : index
      %get3A_703 = tpu.vector_load %arg11[%get3A_701, %get3A_702] {strides = array<i32>} : memref<128x16xf32, #tpu.memory_space<vmem>>, vector<1x16xf32>,
      %get3A_704 = vector.shape_cast %get3A_703 : vector<1x16xf32> to vector<16xf32>
      %slice3A_705 = vector.extract_strided_slice %get3A_519 {offsets = [12], sizes = [1], strides = [1]} : vector<16xf32> to vector<1xf32>
      %squeeze3A_706 = vector.extract %slice3A_705[0] : f32 from vector<1xf32>
      %mul3A_707 = vector.broadcast %squeeze3A_706 : f32 to vector<16xf32>
      %mul3A_708 = arith.mulf %get3A_704, %mul3A_707 : vector<16xf32>
      %swap3A_709 = arith.constant 44 : i32
      %swap3A_710 = arith.index_cast %swap3A_709 : i32 to index
      %swap3A_711 = arith.constant 0 : index
      %swap3A_712 = tpu.vector_load %arg11[%swap3A_710, %swap3A_711] {strides = array<i32>} : memref<128x16xf32, #tpu.memory_space<vmem>>, vector<1x16xf32>,
      %swap3A_713 = vector.shape_cast %swap3A_712 : vector<1x16xf32> to vector<16xf32>
      %swap3A_714 = vector.shape_cast %mul3A_708 : vector<16xf32> to vector<1x16xf32>
      tpu.vector_store %arg11[%swap3A_710, %swap3A_711], %swap3A_714 {strides = array<i32>} : memref<128x16xf32, #tpu.memory_space<vmem>>, vector<1x16xf32>,
      %get3A_715 = arith.constant 45 : i32
      %get3A_716 = arith.index_cast %get3A_715 : i32 to index
      %get3A_717 = arith.constant 0 : index
      %get3A_718 = tpu.vector_load %arg11[%get3A_716, %get3A_717] {strides = array<i32>} : memref<128x16xf32, #tpu.memory_space<vmem>>, vector<1x16xf32>,
      %get3A_719 = vector.shape_cast %get3A_718 : vector<1x16xf32> to vector<16xf32>
      %slice3A_720 = vector.extract_strided_slice %get3A_519 {offsets = [13], sizes = [1], strides = [1]} : vector<16xf32> to vector<1xf32>
      %squeeze3A_721 = vector.extract %slice3A_720[0] : f32 from vector<1xf32>
      %mul3A_722 = vector.broadcast %squeeze3A_721 : f32 to vector<16xf32>
      %mul3A_723 = arith.mulf %get3A_719, %mul3A_722 : vector<16xf32>
      %swap3A_724 = arith.constant 45 : i32
      %swap3A_725 = arith.index_cast %swap3A_724 : i32 to index
      %swap3A_726 = arith.constant 0 : index
      %swap3A_727 = tpu.vector_load %arg11[%swap3A_725, %swap3A_726] {strides = array<i32>} : memref<128x16xf32, #tpu.memory_space<vmem>>, vector<1x16xf32>,
      %swap3A_728 = vector.shape_cast %swap3A_727 : vector<1x16xf32> to vector<16xf32>
      %swap3A_729 = vector.shape_cast %mul3A_723 : vector<16xf32> to vector<1x16xf32>
      tpu.vector_store %arg11[%swap3A_725, %swap3A_726], %swap3A_729 {strides = array<i32>} : memref<128x16xf32, #tpu.memory_space<vmem>>, vector<1x16xf32>,
      %get3A_730 = arith.constant 46 : i32
      %get3A_731 = arith.index_cast %get3A_730 : i32 to index
      %get3A_732 = arith.constant 0 : index
      %get3A_733 = tpu.vector_load %arg11[%get3A_731, %get3A_732] {strides = array<i32>} : memref<128x16xf32, #tpu.memory_space<vmem>>, vector<1x16xf32>,
      %get3A_734 = vector.shape_cast %get3A_733 : vector<1x16xf32> to vector<16xf32>
      %slice3A_735 = vector.extract_strided_slice %get3A_519 {offsets = [14], sizes = [1], strides = [1]} : vector<16xf32> to vector<1xf32>
      %squeeze3A_736 = vector.extract %slice3A_735[0] : f32 from vector<1xf32>
      %mul3A_737 = vector.broadcast %squeeze3A_736 : f32 to vector<16xf32>
      %mul3A_738 = arith.mulf %get3A_734, %mul3A_737 : vector<16xf32>
      %swap3A_739 = arith.constant 46 : i32
      %swap3A_740 = arith.index_cast %swap3A_739 : i32 to index
      %swap3A_741 = arith.constant 0 : index
      %swap3A_742 = tpu.vector_load %arg11[%swap3A_740, %swap3A_741] {strides = array<i32>} : memref<128x16xf32, #tpu.memory_space<vmem>>, vector<1x16xf32>,
      %swap3A_743 = vector.shape_cast %swap3A_742 : vector<1x16xf32> to vector<16xf32>
      %swap3A_744 = vector.shape_cast %mul3A_738 : vector<16xf32> to vector<1x16xf32>
      tpu.vector_store %arg11[%swap3A_740, %swap3A_741], %swap3A_744 {strides = array<i32>} : memref<128x16xf32, #tpu.memory_space<vmem>>, vector<1x16xf32>,
      %get3A_745 = arith.constant 47 : i32
      %get3A_746 = arith.index_cast %get3A_745 : i32 to index
      %get3A_747 = arith.constant 0 : index
      %get3A_748 = tpu.vector_load %arg11[%get3A_746, %get3A_747] {strides = array<i32>} : memref<128x16xf32, #tpu.memory_space<vmem>>, vector<1x16xf32>,
      %get3A_749 = vector.shape_cast %get3A_748 : vector<1x16xf32> to vector<16xf32>
      %slice3A_750 = vector.extract_strided_slice %get3A_519 {offsets = [15], sizes = [1], strides = [1]} : vector<16xf32> to vector<1xf32>
      %squeeze3A_751 = vector.extract %slice3A_750[0] : f32 from vector<1xf32>
      %mul3A_752 = vector.broadcast %squeeze3A_751 : f32 to vector<16xf32>
      %mul3A_753 = arith.mulf %get3A_749, %mul3A_752 : vector<16xf32>
      %swap3A_754 = arith.constant 47 : i32
      %swap3A_755 = arith.index_cast %swap3A_754 : i32 to index
      %swap3A_756 = arith.constant 0 : index
      %swap3A_757 = tpu.vector_load %arg11[%swap3A_755, %swap3A_756] {strides = array<i32>} : memref<128x16xf32, #tpu.memory_space<vmem>>, vector<1x16xf32>,
      %swap3A_758 = vector.shape_cast %swap3A_757 : vector<1x16xf32> to vector<16xf32>
      %swap3A_759 = vector.shape_cast %mul3A_753 : vector<16xf32> to vector<1x16xf32>
      tpu.vector_store %arg11[%swap3A_755, %swap3A_756], %swap3A_759 {strides = array<i32>} : memref<128x16xf32, #tpu.memory_space<vmem>>, vector<1x16xf32>,
      %get3A_760 = arith.index_cast %scan3A_21 : i32 to index
      %get3A_761 = arith.constant 48 : index
      %get3A_762 = tpu.vector_load %arg10[%get3A_760, %get3A_761] {strides = array<i32>} : memref<160x128xf32, #tpu.memory_space<vmem>>, vector<1x16xf32>,
      %get3A_763 = vector.shape_cast %get3A_762 : vector<1x16xf32> to vector<16xf32>
      %get3A_764 = arith.constant 48 : i32
      %get3A_765 = arith.index_cast %get3A_764 : i32 to index
      %get3A_766 = arith.constant 0 : index
      %get3A_767 = tpu.vector_load %arg11[%get3A_765, %get3A_766] {strides = array<i32>} : memref<128x16xf32, #tpu.memory_space<vmem>>, vector<1x16xf32>,
      %get3A_768 = vector.shape_cast %get3A_767 : vector<1x16xf32> to vector<16xf32>
      %slice3A_769 = vector.extract_strided_slice %get3A_763 {offsets = [0], sizes = [1], strides = [1]} : vector<16xf32> to vector<1xf32>
      %squeeze3A_770 = vector.extract %slice3A_769[0] : f32 from vector<1xf32>
      %mul3A_771 = vector.broadcast %squeeze3A_770 : f32 to vector<16xf32>
      %mul3A_772 = arith.mulf %get3A_768, %mul3A_771 : vector<16xf32>
      %swap3A_773 = arith.constant 48 : i32
      %swap3A_774 = arith.index_cast %swap3A_773 : i32 to index
      %swap3A_775 = arith.constant 0 : index
      %swap3A_776 = tpu.vector_load %arg11[%swap3A_774, %swap3A_775] {strides = array<i32>} : memref<128x16xf32, #tpu.memory_space<vmem>>, vector<1x16xf32>,
      %swap3A_777 = vector.shape_cast %swap3A_776 : vector<1x16xf32> to vector<16xf32>
      %swap3A_778 = vector.shape_cast %mul3A_772 : vector<16xf32> to vector<1x16xf32>
      tpu.vector_store %arg11[%swap3A_774, %swap3A_775], %swap3A_778 {strides = array<i32>} : memref<128x16xf32, #tpu.memory_space<vmem>>, vector<1x16xf32>,
      %get3A_779 = arith.constant 49 : i32
      %get3A_780 = arith.index_cast %get3A_779 : i32 to index
      %get3A_781 = arith.constant 0 : index
      %get3A_782 = tpu.vector_load %arg11[%get3A_780, %get3A_781] {strides = array<i32>} : memref<128x16xf32, #tpu.memory_space<vmem>>, vector<1x16xf32>,
      %get3A_783 = vector.shape_cast %get3A_782 : vector<1x16xf32> to vector<16xf32>
      %slice3A_784 = vector.extract_strided_slice %get3A_763 {offsets = [1], sizes = [1], strides = [1]} : vector<16xf32> to vector<1xf32>
      %squeeze3A_785 = vector.extract %slice3A_784[0] : f32 from vector<1xf32>
      %mul3A_786 = vector.broadcast %squeeze3A_785 : f32 to vector<16xf32>
      %mul3A_787 = arith.mulf %get3A_783, %mul3A_786 : vector<16xf32>
      %swap3A_788 = arith.constant 49 : i32
      %swap3A_789 = arith.index_cast %swap3A_788 : i32 to index
      %swap3A_790 = arith.constant 0 : index
      %swap3A_791 = tpu.vector_load %arg11[%swap3A_789, %swap3A_790] {strides = array<i32>} : memref<128x16xf32, #tpu.memory_space<vmem>>, vector<1x16xf32>,
      %swap3A_792 = vector.shape_cast %swap3A_791 : vector<1x16xf32> to vector<16xf32>
      %swap3A_793 = vector.shape_cast %mul3A_787 : vector<16xf32> to vector<1x16xf32>
      tpu.vector_store %arg11[%swap3A_789, %swap3A_790], %swap3A_793 {strides = array<i32>} : memref<128x16xf32, #tpu.memory_space<vmem>>, vector<1x16xf32>,
      %get3A_794 = arith.constant 50 : i32
      %get3A_795 = arith.index_cast %get3A_794 : i32 to index
      %get3A_796 = arith.constant 0 : index
      %get3A_797 = tpu.vector_load %arg11[%get3A_795, %get3A_796] {strides = array<i32>} : memref<128x16xf32, #tpu.memory_space<vmem>>, vector<1x16xf32>,
      %get3A_798 = vector.shape_cast %get3A_797 : vector<1x16xf32> to vector<16xf32>
      %slice3A_799 = vector.extract_strided_slice %get3A_763 {offsets = [2], sizes = [1], strides = [1]} : vector<16xf32> to vector<1xf32>
      %squeeze3A_800 = vector.extract %slice3A_799[0] : f32 from vector<1xf32>
      %mul3A_801 = vector.broadcast %squeeze3A_800 : f32 to vector<16xf32>
      %mul3A_802 = arith.mulf %get3A_798, %mul3A_801 : vector<16xf32>
      %swap3A_803 = arith.constant 50 : i32
      %swap3A_804 = arith.index_cast %swap3A_803 : i32 to index
      %swap3A_805 = arith.constant 0 : index
      %swap3A_806 = tpu.vector_load %arg11[%swap3A_804, %swap3A_805] {strides = array<i32>} : memref<128x16xf32, #tpu.memory_space<vmem>>, vector<1x16xf32>,
      %swap3A_807 = vector.shape_cast %swap3A_806 : vector<1x16xf32> to vector<16xf32>
      %swap3A_808 = vector.shape_cast %mul3A_802 : vector<16xf32> to vector<1x16xf32>
      tpu.vector_store %arg11[%swap3A_804, %swap3A_805], %swap3A_808 {strides = array<i32>} : memref<128x16xf32, #tpu.memory_space<vmem>>, vector<1x16xf32>,
      %get3A_809 = arith.constant 51 : i32
      %get3A_810 = arith.index_cast %get3A_809 : i32 to index
      %get3A_811 = arith.constant 0 : index
      %get3A_812 = tpu.vector_load %arg11[%get3A_810, %get3A_811] {strides = array<i32>} : memref<128x16xf32, #tpu.memory_space<vmem>>, vector<1x16xf32>,
      %get3A_813 = vector.shape_cast %get3A_812 : vector<1x16xf32> to vector<16xf32>
      %slice3A_814 = vector.extract_strided_slice %get3A_763 {offsets = [3], sizes = [1], strides = [1]} : vector<16xf32> to vector<1xf32>
      %squeeze3A_815 = vector.extract %slice3A_814[0] : f32 from vector<1xf32>
      %mul3A_816 = vector.broadcast %squeeze3A_815 : f32 to vector<16xf32>
      %mul3A_817 = arith.mulf %get3A_813, %mul3A_816 : vector<16xf32>
      %swap3A_818 = arith.constant 51 : i32
      %swap3A_819 = arith.index_cast %swap3A_818 : i32 to index
      %swap3A_820 = arith.constant 0 : index
      %swap3A_821 = tpu.vector_load %arg11[%swap3A_819, %swap3A_820] {strides = array<i32>} : memref<128x16xf32, #tpu.memory_space<vmem>>, vector<1x16xf32>,
      %swap3A_822 = vector.shape_cast %swap3A_821 : vector<1x16xf32> to vector<16xf32>
      %swap3A_823 = vector.shape_cast %mul3A_817 : vector<16xf32> to vector<1x16xf32>
      tpu.vector_store %arg11[%swap3A_819, %swap3A_820], %swap3A_823 {strides = array<i32>} : memref<128x16xf32, #tpu.memory_space<vmem>>, vector<1x16xf32>,
      %get3A_824 = arith.constant 52 : i32
      %get3A_825 = arith.index_cast %get3A_824 : i32 to index
      %get3A_826 = arith.constant 0 : index
      %get3A_827 = tpu.vector_load %arg11[%get3A_825, %get3A_826] {strides = array<i32>} : memref<128x16xf32, #tpu.memory_space<vmem>>, vector<1x16xf32>,
      %get3A_828 = vector.shape_cast %get3A_827 : vector<1x16xf32> to vector<16xf32>
      %slice3A_829 = vector.extract_strided_slice %get3A_763 {offsets = [4], sizes = [1], strides = [1]} : vector<16xf32> to vector<1xf32>
      %squeeze3A_830 = vector.extract %slice3A_829[0] : f32 from vector<1xf32>
      %mul3A_831 = vector.broadcast %squeeze3A_830 : f32 to vector<16xf32>
      %mul3A_832 = arith.mulf %get3A_828, %mul3A_831 : vector<16xf32>
      %swap3A_833 = arith.constant 52 : i32
      %swap3A_834 = arith.index_cast %swap3A_833 : i32 to index
      %swap3A_835 = arith.constant 0 : index
      %swap3A_836 = tpu.vector_load %arg11[%swap3A_834, %swap3A_835] {strides = array<i32>} : memref<128x16xf32, #tpu.memory_space<vmem>>, vector<1x16xf32>,
      %swap3A_837 = vector.shape_cast %swap3A_836 : vector<1x16xf32> to vector<16xf32>
      %swap3A_838 = vector.shape_cast %mul3A_832 : vector<16xf32> to vector<1x16xf32>
      tpu.vector_store %arg11[%swap3A_834, %swap3A_835], %swap3A_838 {strides = array<i32>} : memref<128x16xf32, #tpu.memory_space<vmem>>, vector<1x16xf32>,
      %get3A_839 = arith.constant 53 : i32
      %get3A_840 = arith.index_cast %get3A_839 : i32 to index
      %get3A_841 = arith.constant 0 : index
      %get3A_842 = tpu.vector_load %arg11[%get3A_840, %get3A_841] {strides = array<i32>} : memref<128x16xf32, #tpu.memory_space<vmem>>, vector<1x16xf32>,
      %get3A_843 = vector.shape_cast %get3A_842 : vector<1x16xf32> to vector<16xf32>
      %slice3A_844 = vector.extract_strided_slice %get3A_763 {offsets = [5], sizes = [1], strides = [1]} : vector<16xf32> to vector<1xf32>
      %squeeze3A_845 = vector.extract %slice3A_844[0] : f32 from vector<1xf32>
      %mul3A_846 = vector.broadcast %squeeze3A_845 : f32 to vector<16xf32>
      %mul3A_847 = arith.mulf %get3A_843, %mul3A_846 : vector<16xf32>
      %swap3A_848 = arith.constant 53 : i32
      %swap3A_849 = arith.index_cast %swap3A_848 : i32 to index
      %swap3A_850 = arith.constant 0 : index
      %swap3A_851 = tpu.vector_load %arg11[%swap3A_849, %swap3A_850] {strides = array<i32>} : memref<128x16xf32, #tpu.memory_space<vmem>>, vector<1x16xf32>,
      %swap3A_852 = vector.shape_cast %swap3A_851 : vector<1x16xf32> to vector<16xf32>
      %swap3A_853 = vector.shape_cast %mul3A_847 : vector<16xf32> to vector<1x16xf32>
      tpu.vector_store %arg11[%swap3A_849, %swap3A_850], %swap3A_853 {strides = array<i32>} : memref<128x16xf32, #tpu.memory_space<vmem>>, vector<1x16xf32>,
      %get3A_854 = arith.constant 54 : i32
      %get3A_855 = arith.index_cast %get3A_854 : i32 to index
      %get3A_856 = arith.constant 0 : index
      %get3A_857 = tpu.vector_load %arg11[%get3A_855, %get3A_856] {strides = array<i32>} : memref<128x16xf32, #tpu.memory_space<vmem>>, vector<1x16xf32>,
      %get3A_858 = vector.shape_cast %get3A_857 : vector<1x16xf32> to vector<16xf32>
      %slice3A_859 = vector.extract_strided_slice %get3A_763 {offsets = [6], sizes = [1], strides = [1]} : vector<16xf32> to vector<1xf32>
      %squeeze3A_860 = vector.extract %slice3A_859[0] : f32 from vector<1xf32>
      %mul3A_861 = vector.broadcast %squeeze3A_860 : f32 to vector<16xf32>
      %mul3A_862 = arith.mulf %get3A_858, %mul3A_861 : vector<16xf32>
      %swap3A_863 = arith.constant 54 : i32
      %swap3A_864 = arith.index_cast %swap3A_863 : i32 to index
      %swap3A_865 = arith.constant 0 : index
      %swap3A_866 = tpu.vector_load %arg11[%swap3A_864, %swap3A_865] {strides = array<i32>} : memref<128x16xf32, #tpu.memory_space<vmem>>, vector<1x16xf32>,
      %swap3A_867 = vector.shape_cast %swap3A_866 : vector<1x16xf32> to vector<16xf32>
      %swap3A_868 = vector.shape_cast %mul3A_862 : vector<16xf32> to vector<1x16xf32>
      tpu.vector_store %arg11[%swap3A_864, %swap3A_865], %swap3A_868 {strides = array<i32>} : memref<128x16xf32, #tpu.memory_space<vmem>>, vector<1x16xf32>,
      %get3A_869 = arith.constant 55 : i32
      %get3A_870 = arith.index_cast %get3A_869 : i32 to index
      %get3A_871 = arith.constant 0 : index
      %get3A_872 = tpu.vector_load %arg11[%get3A_870, %get3A_871] {strides = array<i32>} : memref<128x16xf32, #tpu.memory_space<vmem>>, vector<1x16xf32>,
      %get3A_873 = vector.shape_cast %get3A_872 : vector<1x16xf32> to vector<16xf32>
      %slice3A_874 = vector.extract_strided_slice %get3A_763 {offsets = [7], sizes = [1], strides = [1]} : vector<16xf32> to vector<1xf32>
      %squeeze3A_875 = vector.extract %slice3A_874[0] : f32 from vector<1xf32>
      %mul3A_876 = vector.broadcast %squeeze3A_875 : f32 to vector<16xf32>
      %mul3A_877 = arith.mulf %get3A_873, %mul3A_876 : vector<16xf32>
      %swap3A_878 = arith.constant 55 : i32
      %swap3A_879 = arith.index_cast %swap3A_878 : i32 to index
      %swap3A_880 = arith.constant 0 : index
      %swap3A_881 = tpu.vector_load %arg11[%swap3A_879, %swap3A_880] {strides = array<i32>} : memref<128x16xf32, #tpu.memory_space<vmem>>, vector<1x16xf32>,
      %swap3A_882 = vector.shape_cast %swap3A_881 : vector<1x16xf32> to vector<16xf32>
      %swap3A_883 = vector.shape_cast %mul3A_877 : vector<16xf32> to vector<1x16xf32>
      tpu.vector_store %arg11[%swap3A_879, %swap3A_880], %swap3A_883 {strides = array<i32>} : memref<128x16xf32, #tpu.memory_space<vmem>>, vector<1x16xf32>,
      %get3A_884 = arith.constant 56 : i32
      %get3A_885 = arith.index_cast %get3A_884 : i32 to index
      %get3A_886 = arith.constant 0 : index
      %get3A_887 = tpu.vector_load %arg11[%get3A_885, %get3A_886] {strides = array<i32>} : memref<128x16xf32, #tpu.memory_space<vmem>>, vector<1x16xf32>,
      %get3A_888 = vector.shape_cast %get3A_887 : vector<1x16xf32> to vector<16xf32>
      %slice3A_889 = vector.extract_strided_slice %get3A_763 {offsets = [8], sizes = [1], strides = [1]} : vector<16xf32> to vector<1xf32>
      %squeeze3A_890 = vector.extract %slice3A_889[0] : f32 from vector<1xf32>
      %mul3A_891 = vector.broadcast %squeeze3A_890 : f32 to vector<16xf32>
      %mul3A_892 = arith.mulf %get3A_888, %mul3A_891 : vector<16xf32>
      %swap3A_893 = arith.constant 56 : i32
      %swap3A_894 = arith.index_cast %swap3A_893 : i32 to index
      %swap3A_895 = arith.constant 0 : index
      %swap3A_896 = tpu.vector_load %arg11[%swap3A_894, %swap3A_895] {strides = array<i32>} : memref<128x16xf32, #tpu.memory_space<vmem>>, vector<1x16xf32>,
      %swap3A_897 = vector.shape_cast %swap3A_896 : vector<1x16xf32> to vector<16xf32>
      %swap3A_898 = vector.shape_cast %mul3A_892 : vector<16xf32> to vector<1x16xf32>
      tpu.vector_store %arg11[%swap3A_894, %swap3A_895], %swap3A_898 {strides = array<i32>} : memref<128x16xf32, #tpu.memory_space<vmem>>, vector<1x16xf32>,
      %get3A_899 = arith.constant 57 : i32
      %get3A_900 = arith.index_cast %get3A_899 : i32 to index
      %get3A_901 = arith.constant 0 : index
      %get3A_902 = tpu.vector_load %arg11[%get3A_900, %get3A_901] {strides = array<i32>} : memref<128x16xf32, #tpu.memory_space<vmem>>, vector<1x16xf32>,
      %get3A_903 = vector.shape_cast %get3A_902 : vector<1x16xf32> to vector<16xf32>
      %slice3A_904 = vector.extract_strided_slice %get3A_763 {offsets = [9], sizes = [1], strides = [1]} : vector<16xf32> to vector<1xf32>
      %squeeze3A_905 = vector.extract %slice3A_904[0] : f32 from vector<1xf32>
      %mul3A_906 = vector.broadcast %squeeze3A_905 : f32 to vector<16xf32>
      %mul3A_907 = arith.mulf %get3A_903, %mul3A_906 : vector<16xf32>
      %swap3A_908 = arith.constant 57 : i32
      %swap3A_909 = arith.index_cast %swap3A_908 : i32 to index
      %swap3A_910 = arith.constant 0 : index
      %swap3A_911 = tpu.vector_load %arg11[%swap3A_909, %swap3A_910] {strides = array<i32>} : memref<128x16xf32, #tpu.memory_space<vmem>>, vector<1x16xf32>,
      %swap3A_912 = vector.shape_cast %swap3A_911 : vector<1x16xf32> to vector<16xf32>
      %swap3A_913 = vector.shape_cast %mul3A_907 : vector<16xf32> to vector<1x16xf32>
      tpu.vector_store %arg11[%swap3A_909, %swap3A_910], %swap3A_913 {strides = array<i32>} : memref<128x16xf32, #tpu.memory_space<vmem>>, vector<1x16xf32>,
      %get3A_914 = arith.constant 58 : i32
      %get3A_915 = arith.index_cast %get3A_914 : i32 to index
      %get3A_916 = arith.constant 0 : index
      %get3A_917 = tpu.vector_load %arg11[%get3A_915, %get3A_916] {strides = array<i32>} : memref<128x16xf32, #tpu.memory_space<vmem>>, vector<1x16xf32>,
      %get3A_918 = vector.shape_cast %get3A_917 : vector<1x16xf32> to vector<16xf32>
      %slice3A_919 = vector.extract_strided_slice %get3A_763 {offsets = [10], sizes = [1], strides = [1]} : vector<16xf32> to vector<1xf32>
      %squeeze3A_920 = vector.extract %slice3A_919[0] : f32 from vector<1xf32>
      %mul3A_921 = vector.broadcast %squeeze3A_920 : f32 to vector<16xf32>
      %mul3A_922 = arith.mulf %get3A_918, %mul3A_921 : vector<16xf32>
      %swap3A_923 = arith.constant 58 : i32
      %swap3A_924 = arith.index_cast %swap3A_923 : i32 to index
      %swap3A_925 = arith.constant 0 : index
      %swap3A_926 = tpu.vector_load %arg11[%swap3A_924, %swap3A_925] {strides = array<i32>} : memref<128x16xf32, #tpu.memory_space<vmem>>, vector<1x16xf32>,
      %swap3A_927 = vector.shape_cast %swap3A_926 : vector<1x16xf32> to vector<16xf32>
      %swap3A_928 = vector.shape_cast %mul3A_922 : vector<16xf32> to vector<1x16xf32>
      tpu.vector_store %arg11[%swap3A_924, %swap3A_925], %swap3A_928 {strides = array<i32>} : memref<128x16xf32, #tpu.memory_space<vmem>>, vector<1x16xf32>,
      %get3A_929 = arith.constant 59 : i32
      %get3A_930 = arith.index_cast %get3A_929 : i32 to index
      %get3A_931 = arith.constant 0 : index
      %get3A_932 = tpu.vector_load %arg11[%get3A_930, %get3A_931] {strides = array<i32>} : memref<128x16xf32, #tpu.memory_space<vmem>>, vector<1x16xf32>,
      %get3A_933 = vector.shape_cast %get3A_932 : vector<1x16xf32> to vector<16xf32>
      %slice3A_934 = vector.extract_strided_slice %get3A_763 {offsets = [11], sizes = [1], strides = [1]} : vector<16xf32> to vector<1xf32>
      %squeeze3A_935 = vector.extract %slice3A_934[0] : f32 from vector<1xf32>
      %mul3A_936 = vector.broadcast %squeeze3A_935 : f32 to vector<16xf32>
      %mul3A_937 = arith.mulf %get3A_933, %mul3A_936 : vector<16xf32>
      %swap3A_938 = arith.constant 59 : i32
      %swap3A_939 = arith.index_cast %swap3A_938 : i32 to index
      %swap3A_940 = arith.constant 0 : index
      %swap3A_941 = tpu.vector_load %arg11[%swap3A_939, %swap3A_940] {strides = array<i32>} : memref<128x16xf32, #tpu.memory_space<vmem>>, vector<1x16xf32>,
      %swap3A_942 = vector.shape_cast %swap3A_941 : vector<1x16xf32> to vector<16xf32>
      %swap3A_943 = vector.shape_cast %mul3A_937 : vector<16xf32> to vector<1x16xf32>
      tpu.vector_store %arg11[%swap3A_939, %swap3A_940], %swap3A_943 {strides = array<i32>} : memref<128x16xf32, #tpu.memory_space<vmem>>, vector<1x16xf32>,
      %get3A_944 = arith.constant 60 : i32
      %get3A_945 = arith.index_cast %get3A_944 : i32 to index
      %get3A_946 = arith.constant 0 : index
      %get3A_947 = tpu.vector_load %arg11[%get3A_945, %get3A_946] {strides = array<i32>} : memref<128x16xf32, #tpu.memory_space<vmem>>, vector<1x16xf32>,
      %get3A_948 = vector.shape_cast %get3A_947 : vector<1x16xf32> to vector<16xf32>
      %slice3A_949 = vector.extract_strided_slice %get3A_763 {offsets = [12], sizes = [1], strides = [1]} : vector<16xf32> to vector<1xf32>
      %squeeze3A_950 = vector.extract %slice3A_949[0] : f32 from vector<1xf32>
      %mul3A_951 = vector.broadcast %squeeze3A_950 : f32 to vector<16xf32>
      %mul3A_952 = arith.mulf %get3A_948, %mul3A_951 : vector<16xf32>
      %swap3A_953 = arith.constant 60 : i32
      %swap3A_954 = arith.index_cast %swap3A_953 : i32 to index
      %swap3A_955 = arith.constant 0 : index
      %swap3A_956 = tpu.vector_load %arg11[%swap3A_954, %swap3A_955] {strides = array<i32>} : memref<128x16xf32, #tpu.memory_space<vmem>>, vector<1x16xf32>,
      %swap3A_957 = vector.shape_cast %swap3A_956 : vector<1x16xf32> to vector<16xf32>
      %swap3A_958 = vector.shape_cast %mul3A_952 : vector<16xf32> to vector<1x16xf32>
      tpu.vector_store %arg11[%swap3A_954, %swap3A_955], %swap3A_958 {strides = array<i32>} : memref<128x16xf32, #tpu.memory_space<vmem>>, vector<1x16xf32>,
      %get3A_959 = arith.constant 61 : i32
      %get3A_960 = arith.index_cast %get3A_959 : i32 to index
      %get3A_961 = arith.constant 0 : index
      %get3A_962 = tpu.vector_load %arg11[%get3A_960, %get3A_961] {strides = array<i32>} : memref<128x16xf32, #tpu.memory_space<vmem>>, vector<1x16xf32>,
      %get3A_963 = vector.shape_cast %get3A_962 : vector<1x16xf32> to vector<16xf32>
      %slice3A_964 = vector.extract_strided_slice %get3A_763 {offsets = [13], sizes = [1], strides = [1]} : vector<16xf32> to vector<1xf32>
      %squeeze3A_965 = vector.extract %slice3A_964[0] : f32 from vector<1xf32>
      %mul3A_966 = vector.broadcast %squeeze3A_965 : f32 to vector<16xf32>
      %mul3A_967 = arith.mulf %get3A_963, %mul3A_966 : vector<16xf32>
      %swap3A_968 = arith.constant 61 : i32
      %swap3A_969 = arith.index_cast %swap3A_968 : i32 to index
      %swap3A_970 = arith.constant 0 : index
      %swap3A_971 = tpu.vector_load %arg11[%swap3A_969, %swap3A_970] {strides = array<i32>} : memref<128x16xf32, #tpu.memory_space<vmem>>, vector<1x16xf32>,
      %swap3A_972 = vector.shape_cast %swap3A_971 : vector<1x16xf32> to vector<16xf32>
      %swap3A_973 = vector.shape_cast %mul3A_967 : vector<16xf32> to vector<1x16xf32>
      tpu.vector_store %arg11[%swap3A_969, %swap3A_970], %swap3A_973 {strides = array<i32>} : memref<128x16xf32, #tpu.memory_space<vmem>>, vector<1x16xf32>,
      %get3A_974 = arith.constant 62 : i32
      %get3A_975 = arith.index_cast %get3A_974 : i32 to index
      %get3A_976 = arith.constant 0 : index
      %get3A_977 = tpu.vector_load %arg11[%get3A_975, %get3A_976] {strides = array<i32>} : memref<128x16xf32, #tpu.memory_space<vmem>>, vector<1x16xf32>,
      %get3A_978 = vector.shape_cast %get3A_977 : vector<1x16xf32> to vector<16xf32>
      %slice3A_979 = vector.extract_strided_slice %get3A_763 {offsets = [14], sizes = [1], strides = [1]} : vector<16xf32> to vector<1xf32>
      %squeeze3A_980 = vector.extract %slice3A_979[0] : f32 from vector<1xf32>
      %mul3A_981 = vector.broadcast %squeeze3A_980 : f32 to vector<16xf32>
      %mul3A_982 = arith.mulf %get3A_978, %mul3A_981 : vector<16xf32>
      %swap3A_983 = arith.constant 62 : i32
      %swap3A_984 = arith.index_cast %swap3A_983 : i32 to index
      %swap3A_985 = arith.constant 0 : index
      %swap3A_986 = tpu.vector_load %arg11[%swap3A_984, %swap3A_985] {strides = array<i32>} : memref<128x16xf32, #tpu.memory_space<vmem>>, vector<1x16xf32>,
      %swap3A_987 = vector.shape_cast %swap3A_986 : vector<1x16xf32> to vector<16xf32>
      %swap3A_988 = vector.shape_cast %mul3A_982 : vector<16xf32> to vector<1x16xf32>
      tpu.vector_store %arg11[%swap3A_984, %swap3A_985], %swap3A_988 {strides = array<i32>} : memref<128x16xf32, #tpu.memory_space<vmem>>, vector<1x16xf32>,
      %get3A_989 = arith.constant 63 : i32
      %get3A_990 = arith.index_cast %get3A_989 : i32 to index
      %get3A_991 = arith.constant 0 : index
      %get3A_992 = tpu.vector_load %arg11[%get3A_990, %get3A_991] {strides = array<i32>} : memref<128x16xf32, #tpu.memory_space<vmem>>, vector<1x16xf32>,
      %get3A_993 = vector.shape_cast %get3A_992 : vector<1x16xf32> to vector<16xf32>
      %slice3A_994 = vector.extract_strided_slice %get3A_763 {offsets = [15], sizes = [1], strides = [1]} : vector<16xf32> to vector<1xf32>
      %squeeze3A_995 = vector.extract %slice3A_994[0] : f32 from vector<1xf32>
      %mul3A_996 = vector.broadcast %squeeze3A_995 : f32 to vector<16xf32>
      %mul3A_997 = arith.mulf %get3A_993, %mul3A_996 : vector<16xf32>
      %swap3A_998 = arith.constant 63 : i32
      %swap3A_999 = arith.index_cast %swap3A_998 : i32 to index
      %swap3A_1000 = arith.constant 0 : index
      %swap3A_1001 = tpu.vector_load %arg11[%swap3A_999, %swap3A_1000] {strides = array<i32>} : memref<128x16xf32, #tpu.memory_space<vmem>>, vector<1x16xf32>,
      %swap3A_1002 = vector.shape_cast %swap3A_1001 : vector<1x16xf32> to vector<16xf32>
      %swap3A_1003 = vector.shape_cast %mul3A_997 : vector<16xf32> to vector<1x16xf32>
      tpu.vector_store %arg11[%swap3A_999, %swap3A_1000], %swap3A_1003 {strides = array<i32>} : memref<128x16xf32, #tpu.memory_space<vmem>>, vector<1x16xf32>,
      %get3A_1004 = arith.index_cast %scan3A_21 : i32 to index
      %get3A_1005 = arith.constant 64 : index
      %get3A_1006 = tpu.vector_load %arg10[%get3A_1004, %get3A_1005] {strides = array<i32>} : memref<160x128xf32, #tpu.memory_space<vmem>>, vector<1x16xf32>,
      %get3A_1007 = vector.shape_cast %get3A_1006 : vector<1x16xf32> to vector<16xf32>
      %get3A_1008 = arith.constant 64 : i32
      %get3A_1009 = arith.index_cast %get3A_1008 : i32 to index
      %get3A_1010 = arith.constant 0 : index
      %get3A_1011 = tpu.vector_load %arg11[%get3A_1009, %get3A_1010] {strides = array<i32>} : memref<128x16xf32, #tpu.memory_space<vmem>>, vector<1x16xf32>,
      %get3A_1012 = vector.shape_cast %get3A_1011 : vector<1x16xf32> to vector<16xf32>
      %slice3A_1013 = vector.extract_strided_slice %get3A_1007 {offsets = [0], sizes = [1], strides = [1]} : vector<16xf32> to vector<1xf32>
      %squeeze3A_1014 = vector.extract %slice3A_1013[0] : f32 from vector<1xf32>
      %mul3A_1015 = vector.broadcast %squeeze3A_1014 : f32 to vector<16xf32>
      %mul3A_1016 = arith.mulf %get3A_1012, %mul3A_1015 : vector<16xf32>
      %swap3A_1017 = arith.constant 64 : i32
      %swap3A_1018 = arith.index_cast %swap3A_1017 : i32 to index
      %swap3A_1019 = arith.constant 0 : index
      %swap3A_1020 = tpu.vector_load %arg11[%swap3A_1018, %swap3A_1019] {strides = array<i32>} : memref<128x16xf32, #tpu.memory_space<vmem>>, vector<1x16xf32>,
      %swap3A_1021 = vector.shape_cast %swap3A_1020 : vector<1x16xf32> to vector<16xf32>
      %swap3A_1022 = vector.shape_cast %mul3A_1016 : vector<16xf32> to vector<1x16xf32>
      tpu.vector_store %arg11[%swap3A_1018, %swap3A_1019], %swap3A_1022 {strides = array<i32>} : memref<128x16xf32, #tpu.memory_space<vmem>>, vector<1x16xf32>,
      %get3A_1023 = arith.constant 65 : i32
      %get3A_1024 = arith.index_cast %get3A_1023 : i32 to index
      %get3A_1025 = arith.constant 0 : index
      %get3A_1026 = tpu.vector_load %arg11[%get3A_1024, %get3A_1025] {strides = array<i32>} : memref<128x16xf32, #tpu.memory_space<vmem>>, vector<1x16xf32>,
      %get3A_1027 = vector.shape_cast %get3A_1026 : vector<1x16xf32> to vector<16xf32>
      %slice3A_1028 = vector.extract_strided_slice %get3A_1007 {offsets = [1], sizes = [1], strides = [1]} : vector<16xf32> to vector<1xf32>
      %squeeze3A_1029 = vector.extract %slice3A_1028[0] : f32 from vector<1xf32>
      %mul3A_1030 = vector.broadcast %squeeze3A_1029 : f32 to vector<16xf32>
      %mul3A_1031 = arith.mulf %get3A_1027, %mul3A_1030 : vector<16xf32>
      %swap3A_1032 = arith.constant 65 : i32
      %swap3A_1033 = arith.index_cast %swap3A_1032 : i32 to index
      %swap3A_1034 = arith.constant 0 : index
      %swap3A_1035 = tpu.vector_load %arg11[%swap3A_1033, %swap3A_1034] {strides = array<i32>} : memref<128x16xf32, #tpu.memory_space<vmem>>, vector<1x16xf32>,
      %swap3A_1036 = vector.shape_cast %swap3A_1035 : vector<1x16xf32> to vector<16xf32>
      %swap3A_1037 = vector.shape_cast %mul3A_1031 : vector<16xf32> to vector<1x16xf32>
      tpu.vector_store %arg11[%swap3A_1033, %swap3A_1034], %swap3A_1037 {strides = array<i32>} : memref<128x16xf32, #tpu.memory_space<vmem>>, vector<1x16xf32>,
      %get3A_1038 = arith.constant 66 : i32
      %get3A_1039 = arith.index_cast %get3A_1038 : i32 to index
      %get3A_1040 = arith.constant 0 : index
      %get3A_1041 = tpu.vector_load %arg11[%get3A_1039, %get3A_1040] {strides = array<i32>} : memref<128x16xf32, #tpu.memory_space<vmem>>, vector<1x16xf32>,
      %get3A_1042 = vector.shape_cast %get3A_1041 : vector<1x16xf32> to vector<16xf32>
      %slice3A_1043 = vector.extract_strided_slice %get3A_1007 {offsets = [2], sizes = [1], strides = [1]} : vector<16xf32> to vector<1xf32>
      %squeeze3A_1044 = vector.extract %slice3A_1043[0] : f32 from vector<1xf32>
      %mul3A_1045 = vector.broadcast %squeeze3A_1044 : f32 to vector<16xf32>
      %mul3A_1046 = arith.mulf %get3A_1042, %mul3A_1045 : vector<16xf32>
      %swap3A_1047 = arith.constant 66 : i32
      %swap3A_1048 = arith.index_cast %swap3A_1047 : i32 to index
      %swap3A_1049 = arith.constant 0 : index
      %swap3A_1050 = tpu.vector_load %arg11[%swap3A_1048, %swap3A_1049] {strides = array<i32>} : memref<128x16xf32, #tpu.memory_space<vmem>>, vector<1x16xf32>,
      %swap3A_1051 = vector.shape_cast %swap3A_1050 : vector<1x16xf32> to vector<16xf32>
      %swap3A_1052 = vector.shape_cast %mul3A_1046 : vector<16xf32> to vector<1x16xf32>
      tpu.vector_store %arg11[%swap3A_1048, %swap3A_1049], %swap3A_1052 {strides = array<i32>} : memref<128x16xf32, #tpu.memory_space<vmem>>, vector<1x16xf32>,
      %get3A_1053 = arith.constant 67 : i32
      %get3A_1054 = arith.index_cast %get3A_1053 : i32 to index
      %get3A_1055 = arith.constant 0 : index
      %get3A_1056 = tpu.vector_load %arg11[%get3A_1054, %get3A_1055] {strides = array<i32>} : memref<128x16xf32, #tpu.memory_space<vmem>>, vector<1x16xf32>,
      %get3A_1057 = vector.shape_cast %get3A_1056 : vector<1x16xf32> to vector<16xf32>
      %slice3A_1058 = vector.extract_strided_slice %get3A_1007 {offsets = [3], sizes = [1], strides = [1]} : vector<16xf32> to vector<1xf32>
      %squeeze3A_1059 = vector.extract %slice3A_1058[0] : f32 from vector<1xf32>
      %mul3A_1060 = vector.broadcast %squeeze3A_1059 : f32 to vector<16xf32>
      %mul3A_1061 = arith.mulf %get3A_1057, %mul3A_1060 : vector<16xf32>
      %swap3A_1062 = arith.constant 67 : i32
      %swap3A_1063 = arith.index_cast %swap3A_1062 : i32 to index
      %swap3A_1064 = arith.constant 0 : index
      %swap3A_1065 = tpu.vector_load %arg11[%swap3A_1063, %swap3A_1064] {strides = array<i32>} : memref<128x16xf32, #tpu.memory_space<vmem>>, vector<1x16xf32>,
      %swap3A_1066 = vector.shape_cast %swap3A_1065 : vector<1x16xf32> to vector<16xf32>
      %swap3A_1067 = vector.shape_cast %mul3A_1061 : vector<16xf32> to vector<1x16xf32>
      tpu.vector_store %arg11[%swap3A_1063, %swap3A_1064], %swap3A_1067 {strides = array<i32>} : memref<128x16xf32, #tpu.memory_space<vmem>>, vector<1x16xf32>,
      %get3A_1068 = arith.constant 68 : i32
      %get3A_1069 = arith.index_cast %get3A_1068 : i32 to index
      %get3A_1070 = arith.constant 0 : index
      %get3A_1071 = tpu.vector_load %arg11[%get3A_1069, %get3A_1070] {strides = array<i32>} : memref<128x16xf32, #tpu.memory_space<vmem>>, vector<1x16xf32>,
      %get3A_1072 = vector.shape_cast %get3A_1071 : vector<1x16xf32> to vector<16xf32>
      %slice3A_1073 = vector.extract_strided_slice %get3A_1007 {offsets = [4], sizes = [1], strides = [1]} : vector<16xf32> to vector<1xf32>
      %squeeze3A_1074 = vector.extract %slice3A_1073[0] : f32 from vector<1xf32>
      %mul3A_1075 = vector.broadcast %squeeze3A_1074 : f32 to vector<16xf32>
      %mul3A_1076 = arith.mulf %get3A_1072, %mul3A_1075 : vector<16xf32>
      %swap3A_1077 = arith.constant 68 : i32
      %swap3A_1078 = arith.index_cast %swap3A_1077 : i32 to index
      %swap3A_1079 = arith.constant 0 : index
      %swap3A_1080 = tpu.vector_load %arg11[%swap3A_1078, %swap3A_1079] {strides = array<i32>} : memref<128x16xf32, #tpu.memory_space<vmem>>, vector<1x16xf32>,
      %swap3A_1081 = vector.shape_cast %swap3A_1080 : vector<1x16xf32> to vector<16xf32>
      %swap3A_1082 = vector.shape_cast %mul3A_1076 : vector<16xf32> to vector<1x16xf32>
      tpu.vector_store %arg11[%swap3A_1078, %swap3A_1079], %swap3A_1082 {strides = array<i32>} : memref<128x16xf32, #tpu.memory_space<vmem>>, vector<1x16xf32>,
      %get3A_1083 = arith.constant 69 : i32
      %get3A_1084 = arith.index_cast %get3A_1083 : i32 to index
      %get3A_1085 = arith.constant 0 : index
      %get3A_1086 = tpu.vector_load %arg11[%get3A_1084, %get3A_1085] {strides = array<i32>} : memref<128x16xf32, #tpu.memory_space<vmem>>, vector<1x16xf32>,
      %get3A_1087 = vector.shape_cast %get3A_1086 : vector<1x16xf32> to vector<16xf32>
      %slice3A_1088 = vector.extract_strided_slice %get3A_1007 {offsets = [5], sizes = [1], strides = [1]} : vector<16xf32> to vector<1xf32>
      %squeeze3A_1089 = vector.extract %slice3A_1088[0] : f32 from vector<1xf32>
      %mul3A_1090 = vector.broadcast %squeeze3A_1089 : f32 to vector<16xf32>
      %mul3A_1091 = arith.mulf %get3A_1087, %mul3A_1090 : vector<16xf32>
      %swap3A_1092 = arith.constant 69 : i32
      %swap3A_1093 = arith.index_cast %swap3A_1092 : i32 to index
      %swap3A_1094 = arith.constant 0 : index
      %swap3A_1095 = tpu.vector_load %arg11[%swap3A_1093, %swap3A_1094] {strides = array<i32>} : memref<128x16xf32, #tpu.memory_space<vmem>>, vector<1x16xf32>,
      %swap3A_1096 = vector.shape_cast %swap3A_1095 : vector<1x16xf32> to vector<16xf32>
      %swap3A_1097 = vector.shape_cast %mul3A_1091 : vector<16xf32> to vector<1x16xf32>
      tpu.vector_store %arg11[%swap3A_1093, %swap3A_1094], %swap3A_1097 {strides = array<i32>} : memref<128x16xf32, #tpu.memory_space<vmem>>, vector<1x16xf32>,
      %get3A_1098 = arith.constant 70 : i32
      %get3A_1099 = arith.index_cast %get3A_1098 : i32 to index
      %get3A_1100 = arith.constant 0 : index
      %get3A_1101 = tpu.vector_load %arg11[%get3A_1099, %get3A_1100] {strides = array<i32>} : memref<128x16xf32, #tpu.memory_space<vmem>>, vector<1x16xf32>,
      %get3A_1102 = vector.shape_cast %get3A_1101 : vector<1x16xf32> to vector<16xf32>
      %slice3A_1103 = vector.extract_strided_slice %get3A_1007 {offsets = [6], sizes = [1], strides = [1]} : vector<16xf32> to vector<1xf32>
      %squeeze3A_1104 = vector.extract %slice3A_1103[0] : f32 from vector<1xf32>
      %mul3A_1105 = vector.broadcast %squeeze3A_1104 : f32 to vector<16xf32>
      %mul3A_1106 = arith.mulf %get3A_1102, %mul3A_1105 : vector<16xf32>
      %swap3A_1107 = arith.constant 70 : i32
      %swap3A_1108 = arith.index_cast %swap3A_1107 : i32 to index
      %swap3A_1109 = arith.constant 0 : index
      %swap3A_1110 = tpu.vector_load %arg11[%swap3A_1108, %swap3A_1109] {strides = array<i32>} : memref<128x16xf32, #tpu.memory_space<vmem>>, vector<1x16xf32>,
      %swap3A_1111 = vector.shape_cast %swap3A_1110 : vector<1x16xf32> to vector<16xf32>
      %swap3A_1112 = vector.shape_cast %mul3A_1106 : vector<16xf32> to vector<1x16xf32>
      tpu.vector_store %arg11[%swap3A_1108, %swap3A_1109], %swap3A_1112 {strides = array<i32>} : memref<128x16xf32, #tpu.memory_space<vmem>>, vector<1x16xf32>,
      %get3A_1113 = arith.constant 71 : i32
      %get3A_1114 = arith.index_cast %get3A_1113 : i32 to index
      %get3A_1115 = arith.constant 0 : index
      %get3A_1116 = tpu.vector_load %arg11[%get3A_1114, %get3A_1115] {strides = array<i32>} : memref<128x16xf32, #tpu.memory_space<vmem>>, vector<1x16xf32>,
      %get3A_1117 = vector.shape_cast %get3A_1116 : vector<1x16xf32> to vector<16xf32>
      %slice3A_1118 = vector.extract_strided_slice %get3A_1007 {offsets = [7], sizes = [1], strides = [1]} : vector<16xf32> to vector<1xf32>
      %squeeze3A_1119 = vector.extract %slice3A_1118[0] : f32 from vector<1xf32>
      %mul3A_1120 = vector.broadcast %squeeze3A_1119 : f32 to vector<16xf32>
      %mul3A_1121 = arith.mulf %get3A_1117, %mul3A_1120 : vector<16xf32>
      %swap3A_1122 = arith.constant 71 : i32
      %swap3A_1123 = arith.index_cast %swap3A_1122 : i32 to index
      %swap3A_1124 = arith.constant 0 : index
      %swap3A_1125 = tpu.vector_load %arg11[%swap3A_1123, %swap3A_1124] {strides = array<i32>} : memref<128x16xf32, #tpu.memory_space<vmem>>, vector<1x16xf32>,
      %swap3A_1126 = vector.shape_cast %swap3A_1125 : vector<1x16xf32> to vector<16xf32>
      %swap3A_1127 = vector.shape_cast %mul3A_1121 : vector<16xf32> to vector<1x16xf32>
      tpu.vector_store %arg11[%swap3A_1123, %swap3A_1124], %swap3A_1127 {strides = array<i32>} : memref<128x16xf32, #tpu.memory_space<vmem>>, vector<1x16xf32>,
      %get3A_1128 = arith.constant 72 : i32
      %get3A_1129 = arith.index_cast %get3A_1128 : i32 to index
      %get3A_1130 = arith.constant 0 : index
      %get3A_1131 = tpu.vector_load %arg11[%get3A_1129, %get3A_1130] {strides = array<i32>} : memref<128x16xf32, #tpu.memory_space<vmem>>, vector<1x16xf32>,
      %get3A_1132 = vector.shape_cast %get3A_1131 : vector<1x16xf32> to vector<16xf32>
      %slice3A_1133 = vector.extract_strided_slice %get3A_1007 {offsets = [8], sizes = [1], strides = [1]} : vector<16xf32> to vector<1xf32>
      %squeeze3A_1134 = vector.extract %slice3A_1133[0] : f32 from vector<1xf32>
      %mul3A_1135 = vector.broadcast %squeeze3A_1134 : f32 to vector<16xf32>
      %mul3A_1136 = arith.mulf %get3A_1132, %mul3A_1135 : vector<16xf32>
      %swap3A_1137 = arith.constant 72 : i32
      %swap3A_1138 = arith.index_cast %swap3A_1137 : i32 to index
      %swap3A_1139 = arith.constant 0 : index
      %swap3A_1140 = tpu.vector_load %arg11[%swap3A_1138, %swap3A_1139] {strides = array<i32>} : memref<128x16xf32, #tpu.memory_space<vmem>>, vector<1x16xf32>,
      %swap3A_1141 = vector.shape_cast %swap3A_1140 : vector<1x16xf32> to vector<16xf32>
      %swap3A_1142 = vector.shape_cast %mul3A_1136 : vector<16xf32> to vector<1x16xf32>
      tpu.vector_store %arg11[%swap3A_1138, %swap3A_1139], %swap3A_1142 {strides = array<i32>} : memref<128x16xf32, #tpu.memory_space<vmem>>, vector<1x16xf32>,
      %get3A_1143 = arith.constant 73 : i32
      %get3A_1144 = arith.index_cast %get3A_1143 : i32 to index
      %get3A_1145 = arith.constant 0 : index
      %get3A_1146 = tpu.vector_load %arg11[%get3A_1144, %get3A_1145] {strides = array<i32>} : memref<128x16xf32, #tpu.memory_space<vmem>>, vector<1x16xf32>,
      %get3A_1147 = vector.shape_cast %get3A_1146 : vector<1x16xf32> to vector<16xf32>
      %slice3A_1148 = vector.extract_strided_slice %get3A_1007 {offsets = [9], sizes = [1], strides = [1]} : vector<16xf32> to vector<1xf32>
      %squeeze3A_1149 = vector.extract %slice3A_1148[0] : f32 from vector<1xf32>
      %mul3A_1150 = vector.broadcast %squeeze3A_1149 : f32 to vector<16xf32>
      %mul3A_1151 = arith.mulf %get3A_1147, %mul3A_1150 : vector<16xf32>
      %swap3A_1152 = arith.constant 73 : i32
      %swap3A_1153 = arith.index_cast %swap3A_1152 : i32 to index
      %swap3A_1154 = arith.constant 0 : index
      %swap3A_1155 = tpu.vector_load %arg11[%swap3A_1153, %swap3A_1154] {strides = array<i32>} : memref<128x16xf32, #tpu.memory_space<vmem>>, vector<1x16xf32>,
      %swap3A_1156 = vector.shape_cast %swap3A_1155 : vector<1x16xf32> to vector<16xf32>
      %swap3A_1157 = vector.shape_cast %mul3A_1151 : vector<16xf32> to vector<1x16xf32>
      tpu.vector_store %arg11[%swap3A_1153, %swap3A_1154], %swap3A_1157 {strides = array<i32>} : memref<128x16xf32, #tpu.memory_space<vmem>>, vector<1x16xf32>,
      %get3A_1158 = arith.constant 74 : i32
      %get3A_1159 = arith.index_cast %get3A_1158 : i32 to index
      %get3A_1160 = arith.constant 0 : index
      %get3A_1161 = tpu.vector_load %arg11[%get3A_1159, %get3A_1160] {strides = array<i32>} : memref<128x16xf32, #tpu.memory_space<vmem>>, vector<1x16xf32>,
      %get3A_1162 = vector.shape_cast %get3A_1161 : vector<1x16xf32> to vector<16xf32>
      %slice3A_1163 = vector.extract_strided_slice %get3A_1007 {offsets = [10], sizes = [1], strides = [1]} : vector<16xf32> to vector<1xf32>
      %squeeze3A_1164 = vector.extract %slice3A_1163[0] : f32 from vector<1xf32>
      %mul3A_1165 = vector.broadcast %squeeze3A_1164 : f32 to vector<16xf32>
      %mul3A_1166 = arith.mulf %get3A_1162, %mul3A_1165 : vector<16xf32>
      %swap3A_1167 = arith.constant 74 : i32
      %swap3A_1168 = arith.index_cast %swap3A_1167 : i32 to index
      %swap3A_1169 = arith.constant 0 : index
      %swap3A_1170 = tpu.vector_load %arg11[%swap3A_1168, %swap3A_1169] {strides = array<i32>} : memref<128x16xf32, #tpu.memory_space<vmem>>, vector<1x16xf32>,
      %swap3A_1171 = vector.shape_cast %swap3A_1170 : vector<1x16xf32> to vector<16xf32>
      %swap3A_1172 = vector.shape_cast %mul3A_1166 : vector<16xf32> to vector<1x16xf32>
      tpu.vector_store %arg11[%swap3A_1168, %swap3A_1169], %swap3A_1172 {strides = array<i32>} : memref<128x16xf32, #tpu.memory_space<vmem>>, vector<1x16xf32>,
      %get3A_1173 = arith.constant 75 : i32
      %get3A_1174 = arith.index_cast %get3A_1173 : i32 to index
      %get3A_1175 = arith.constant 0 : index
      %get3A_1176 = tpu.vector_load %arg11[%get3A_1174, %get3A_1175] {strides = array<i32>} : memref<128x16xf32, #tpu.memory_space<vmem>>, vector<1x16xf32>,
      %get3A_1177 = vector.shape_cast %get3A_1176 : vector<1x16xf32> to vector<16xf32>
      %slice3A_1178 = vector.extract_strided_slice %get3A_1007 {offsets = [11], sizes = [1], strides = [1]} : vector<16xf32> to vector<1xf32>
      %squeeze3A_1179 = vector.extract %slice3A_1178[0] : f32 from vector<1xf32>
      %mul3A_1180 = vector.broadcast %squeeze3A_1179 : f32 to vector<16xf32>
      %mul3A_1181 = arith.mulf %get3A_1177, %mul3A_1180 : vector<16xf32>
      %swap3A_1182 = arith.constant 75 : i32
      %swap3A_1183 = arith.index_cast %swap3A_1182 : i32 to index
      %swap3A_1184 = arith.constant 0 : index
      %swap3A_1185 = tpu.vector_load %arg11[%swap3A_1183, %swap3A_1184] {strides = array<i32>} : memref<128x16xf32, #tpu.memory_space<vmem>>, vector<1x16xf32>,
      %swap3A_1186 = vector.shape_cast %swap3A_1185 : vector<1x16xf32> to vector<16xf32>
      %swap3A_1187 = vector.shape_cast %mul3A_1181 : vector<16xf32> to vector<1x16xf32>
      tpu.vector_store %arg11[%swap3A_1183, %swap3A_1184], %swap3A_1187 {strides = array<i32>} : memref<128x16xf32, #tpu.memory_space<vmem>>, vector<1x16xf32>,
      %get3A_1188 = arith.constant 76 : i32
      %get3A_1189 = arith.index_cast %get3A_1188 : i32 to index
      %get3A_1190 = arith.constant 0 : index
      %get3A_1191 = tpu.vector_load %arg11[%get3A_1189, %get3A_1190] {strides = array<i32>} : memref<128x16xf32, #tpu.memory_space<vmem>>, vector<1x16xf32>,
      %get3A_1192 = vector.shape_cast %get3A_1191 : vector<1x16xf32> to vector<16xf32>
      %slice3A_1193 = vector.extract_strided_slice %get3A_1007 {offsets = [12], sizes = [1], strides = [1]} : vector<16xf32> to vector<1xf32>
      %squeeze3A_1194 = vector.extract %slice3A_1193[0] : f32 from vector<1xf32>
      %mul3A_1195 = vector.broadcast %squeeze3A_1194 : f32 to vector<16xf32>
      %mul3A_1196 = arith.mulf %get3A_1192, %mul3A_1195 : vector<16xf32>
      %swap3A_1197 = arith.constant 76 : i32
      %swap3A_1198 = arith.index_cast %swap3A_1197 : i32 to index
      %swap3A_1199 = arith.constant 0 : index
      %swap3A_1200 = tpu.vector_load %arg11[%swap3A_1198, %swap3A_1199] {strides = array<i32>} : memref<128x16xf32, #tpu.memory_space<vmem>>, vector<1x16xf32>,
      %swap3A_1201 = vector.shape_cast %swap3A_1200 : vector<1x16xf32> to vector<16xf32>
      %swap3A_1202 = vector.shape_cast %mul3A_1196 : vector<16xf32> to vector<1x16xf32>
      tpu.vector_store %arg11[%swap3A_1198, %swap3A_1199], %swap3A_1202 {strides = array<i32>} : memref<128x16xf32, #tpu.memory_space<vmem>>, vector<1x16xf32>,
      %get3A_1203 = arith.constant 77 : i32
      %get3A_1204 = arith.index_cast %get3A_1203 : i32 to index
      %get3A_1205 = arith.constant 0 : index
      %get3A_1206 = tpu.vector_load %arg11[%get3A_1204, %get3A_1205] {strides = array<i32>} : memref<128x16xf32, #tpu.memory_space<vmem>>, vector<1x16xf32>,
      %get3A_1207 = vector.shape_cast %get3A_1206 : vector<1x16xf32> to vector<16xf32>
      %slice3A_1208 = vector.extract_strided_slice %get3A_1007 {offsets = [13], sizes = [1], strides = [1]} : vector<16xf32> to vector<1xf32>
      %squeeze3A_1209 = vector.extract %slice3A_1208[0] : f32 from vector<1xf32>
      %mul3A_1210 = vector.broadcast %squeeze3A_1209 : f32 to vector<16xf32>
      %mul3A_1211 = arith.mulf %get3A_1207, %mul3A_1210 : vector<16xf32>
      %swap3A_1212 = arith.constant 77 : i32
      %swap3A_1213 = arith.index_cast %swap3A_1212 : i32 to index
      %swap3A_1214 = arith.constant 0 : index
      %swap3A_1215 = tpu.vector_load %arg11[%swap3A_1213, %swap3A_1214] {strides = array<i32>} : memref<128x16xf32, #tpu.memory_space<vmem>>, vector<1x16xf32>,
      %swap3A_1216 = vector.shape_cast %swap3A_1215 : vector<1x16xf32> to vector<16xf32>
      %swap3A_1217 = vector.shape_cast %mul3A_1211 : vector<16xf32> to vector<1x16xf32>
      tpu.vector_store %arg11[%swap3A_1213, %swap3A_1214], %swap3A_1217 {strides = array<i32>} : memref<128x16xf32, #tpu.memory_space<vmem>>, vector<1x16xf32>,
      %get3A_1218 = arith.constant 78 : i32
      %get3A_1219 = arith.index_cast %get3A_1218 : i32 to index
      %get3A_1220 = arith.constant 0 : index
      %get3A_1221 = tpu.vector_load %arg11[%get3A_1219, %get3A_1220] {strides = array<i32>} : memref<128x16xf32, #tpu.memory_space<vmem>>, vector<1x16xf32>,
      %get3A_1222 = vector.shape_cast %get3A_1221 : vector<1x16xf32> to vector<16xf32>
      %slice3A_1223 = vector.extract_strided_slice %get3A_1007 {offsets = [14], sizes = [1], strides = [1]} : vector<16xf32> to vector<1xf32>
      %squeeze3A_1224 = vector.extract %slice3A_1223[0] : f32 from vector<1xf32>
      %mul3A_1225 = vector.broadcast %squeeze3A_1224 : f32 to vector<16xf32>
      %mul3A_1226 = arith.mulf %get3A_1222, %mul3A_1225 : vector<16xf32>
      %swap3A_1227 = arith.constant 78 : i32
      %swap3A_1228 = arith.index_cast %swap3A_1227 : i32 to index
      %swap3A_1229 = arith.constant 0 : index
      %swap3A_1230 = tpu.vector_load %arg11[%swap3A_1228, %swap3A_1229] {strides = array<i32>} : memref<128x16xf32, #tpu.memory_space<vmem>>, vector<1x16xf32>,
      %swap3A_1231 = vector.shape_cast %swap3A_1230 : vector<1x16xf32> to vector<16xf32>
      %swap3A_1232 = vector.shape_cast %mul3A_1226 : vector<16xf32> to vector<1x16xf32>
      tpu.vector_store %arg11[%swap3A_1228, %swap3A_1229], %swap3A_1232 {strides = array<i32>} : memref<128x16xf32, #tpu.memory_space<vmem>>, vector<1x16xf32>,
      %get3A_1233 = arith.constant 79 : i32
      %get3A_1234 = arith.index_cast %get3A_1233 : i32 to index
      %get3A_1235 = arith.constant 0 : index
      %get3A_1236 = tpu.vector_load %arg11[%get3A_1234, %get3A_1235] {strides = array<i32>} : memref<128x16xf32, #tpu.memory_space<vmem>>, vector<1x16xf32>,
      %get3A_1237 = vector.shape_cast %get3A_1236 : vector<1x16xf32> to vector<16xf32>
      %slice3A_1238 = vector.extract_strided_slice %get3A_1007 {offsets = [15], sizes = [1], strides = [1]} : vector<16xf32> to vector<1xf32>
      %squeeze3A_1239 = vector.extract %slice3A_1238[0] : f32 from vector<1xf32>
      %mul3A_1240 = vector.broadcast %squeeze3A_1239 : f32 to vector<16xf32>
      %mul3A_1241 = arith.mulf %get3A_1237, %mul3A_1240 : vector<16xf32>
      %swap3A_1242 = arith.constant 79 : i32
      %swap3A_1243 = arith.index_cast %swap3A_1242 : i32 to index
      %swap3A_1244 = arith.constant 0 : index
      %swap3A_1245 = tpu.vector_load %arg11[%swap3A_1243, %swap3A_1244] {strides = array<i32>} : memref<128x16xf32, #tpu.memory_space<vmem>>, vector<1x16xf32>,
      %swap3A_1246 = vector.shape_cast %swap3A_1245 : vector<1x16xf32> to vector<16xf32>
      %swap3A_1247 = vector.shape_cast %mul3A_1241 : vector<16xf32> to vector<1x16xf32>
      tpu.vector_store %arg11[%swap3A_1243, %swap3A_1244], %swap3A_1247 {strides = array<i32>} : memref<128x16xf32, #tpu.memory_space<vmem>>, vector<1x16xf32>,
      %get3A_1248 = arith.index_cast %scan3A_21 : i32 to index
      %get3A_1249 = arith.constant 80 : index
      %get3A_1250 = tpu.vector_load %arg10[%get3A_1248, %get3A_1249] {strides = array<i32>} : memref<160x128xf32, #tpu.memory_space<vmem>>, vector<1x16xf32>,
      %get3A_1251 = vector.shape_cast %get3A_1250 : vector<1x16xf32> to vector<16xf32>
      %get3A_1252 = arith.constant 80 : i32
      %get3A_1253 = arith.index_cast %get3A_1252 : i32 to index
      %get3A_1254 = arith.constant 0 : index
      %get3A_1255 = tpu.vector_load %arg11[%get3A_1253, %get3A_1254] {strides = array<i32>} : memref<128x16xf32, #tpu.memory_space<vmem>>, vector<1x16xf32>,
      %get3A_1256 = vector.shape_cast %get3A_1255 : vector<1x16xf32> to vector<16xf32>
      %slice3A_1257 = vector.extract_strided_slice %get3A_1251 {offsets = [0], sizes = [1], strides = [1]} : vector<16xf32> to vector<1xf32>
      %squeeze3A_1258 = vector.extract %slice3A_1257[0] : f32 from vector<1xf32>
      %mul3A_1259 = vector.broadcast %squeeze3A_1258 : f32 to vector<16xf32>
      %mul3A_1260 = arith.mulf %get3A_1256, %mul3A_1259 : vector<16xf32>
      %swap3A_1261 = arith.constant 80 : i32
      %swap3A_1262 = arith.index_cast %swap3A_1261 : i32 to index
      %swap3A_1263 = arith.constant 0 : index
      %swap3A_1264 = tpu.vector_load %arg11[%swap3A_1262, %swap3A_1263] {strides = array<i32>} : memref<128x16xf32, #tpu.memory_space<vmem>>, vector<1x16xf32>,
      %swap3A_1265 = vector.shape_cast %swap3A_1264 : vector<1x16xf32> to vector<16xf32>
      %swap3A_1266 = vector.shape_cast %mul3A_1260 : vector<16xf32> to vector<1x16xf32>
      tpu.vector_store %arg11[%swap3A_1262, %swap3A_1263], %swap3A_1266 {strides = array<i32>} : memref<128x16xf32, #tpu.memory_space<vmem>>, vector<1x16xf32>,
      %get3A_1267 = arith.constant 81 : i32
      %get3A_1268 = arith.index_cast %get3A_1267 : i32 to index
      %get3A_1269 = arith.constant 0 : index
      %get3A_1270 = tpu.vector_load %arg11[%get3A_1268, %get3A_1269] {strides = array<i32>} : memref<128x16xf32, #tpu.memory_space<vmem>>, vector<1x16xf32>,
      %get3A_1271 = vector.shape_cast %get3A_1270 : vector<1x16xf32> to vector<16xf32>
      %slice3A_1272 = vector.extract_strided_slice %get3A_1251 {offsets = [1], sizes = [1], strides = [1]} : vector<16xf32> to vector<1xf32>
      %squeeze3A_1273 = vector.extract %slice3A_1272[0] : f32 from vector<1xf32>
      %mul3A_1274 = vector.broadcast %squeeze3A_1273 : f32 to vector<16xf32>
      %mul3A_1275 = arith.mulf %get3A_1271, %mul3A_1274 : vector<16xf32>
      %swap3A_1276 = arith.constant 81 : i32
      %swap3A_1277 = arith.index_cast %swap3A_1276 : i32 to index
      %swap3A_1278 = arith.constant 0 : index
      %swap3A_1279 = tpu.vector_load %arg11[%swap3A_1277, %swap3A_1278] {strides = array<i32>} : memref<128x16xf32, #tpu.memory_space<vmem>>, vector<1x16xf32>,
      %swap3A_1280 = vector.shape_cast %swap3A_1279 : vector<1x16xf32> to vector<16xf32>
      %swap3A_1281 = vector.shape_cast %mul3A_1275 : vector<16xf32> to vector<1x16xf32>
      tpu.vector_store %arg11[%swap3A_1277, %swap3A_1278], %swap3A_1281 {strides = array<i32>} : memref<128x16xf32, #tpu.memory_space<vmem>>, vector<1x16xf32>,
      %get3A_1282 = arith.constant 82 : i32
      %get3A_1283 = arith.index_cast %get3A_1282 : i32 to index
      %get3A_1284 = arith.constant 0 : index
      %get3A_1285 = tpu.vector_load %arg11[%get3A_1283, %get3A_1284] {strides = array<i32>} : memref<128x16xf32, #tpu.memory_space<vmem>>, vector<1x16xf32>,
      %get3A_1286 = vector.shape_cast %get3A_1285 : vector<1x16xf32> to vector<16xf32>
      %slice3A_1287 = vector.extract_strided_slice %get3A_1251 {offsets = [2], sizes = [1], strides = [1]} : vector<16xf32> to vector<1xf32>
      %squeeze3A_1288 = vector.extract %slice3A_1287[0] : f32 from vector<1xf32>
      %mul3A_1289 = vector.broadcast %squeeze3A_1288 : f32 to vector<16xf32>
      %mul3A_1290 = arith.mulf %get3A_1286, %mul3A_1289 : vector<16xf32>
      %swap3A_1291 = arith.constant 82 : i32
      %swap3A_1292 = arith.index_cast %swap3A_1291 : i32 to index
      %swap3A_1293 = arith.constant 0 : index
      %swap3A_1294 = tpu.vector_load %arg11[%swap3A_1292, %swap3A_1293] {strides = array<i32>} : memref<128x16xf32, #tpu.memory_space<vmem>>, vector<1x16xf32>,
      %swap3A_1295 = vector.shape_cast %swap3A_1294 : vector<1x16xf32> to vector<16xf32>
      %swap3A_1296 = vector.shape_cast %mul3A_1290 : vector<16xf32> to vector<1x16xf32>
      tpu.vector_store %arg11[%swap3A_1292, %swap3A_1293], %swap3A_1296 {strides = array<i32>} : memref<128x16xf32, #tpu.memory_space<vmem>>, vector<1x16xf32>,
      %get3A_1297 = arith.constant 83 : i32
      %get3A_1298 = arith.index_cast %get3A_1297 : i32 to index
      %get3A_1299 = arith.constant 0 : index
      %get3A_1300 = tpu.vector_load %arg11[%get3A_1298, %get3A_1299] {strides = array<i32>} : memref<128x16xf32, #tpu.memory_space<vmem>>, vector<1x16xf32>,
      %get3A_1301 = vector.shape_cast %get3A_1300 : vector<1x16xf32> to vector<16xf32>
      %slice3A_1302 = vector.extract_strided_slice %get3A_1251 {offsets = [3], sizes = [1], strides = [1]} : vector<16xf32> to vector<1xf32>
      %squeeze3A_1303 = vector.extract %slice3A_1302[0] : f32 from vector<1xf32>
      %mul3A_1304 = vector.broadcast %squeeze3A_1303 : f32 to vector<16xf32>
      %mul3A_1305 = arith.mulf %get3A_1301, %mul3A_1304 : vector<16xf32>
      %swap3A_1306 = arith.constant 83 : i32
      %swap3A_1307 = arith.index_cast %swap3A_1306 : i32 to index
      %swap3A_1308 = arith.constant 0 : index
      %swap3A_1309 = tpu.vector_load %arg11[%swap3A_1307, %swap3A_1308] {strides = array<i32>} : memref<128x16xf32, #tpu.memory_space<vmem>>, vector<1x16xf32>,
      %swap3A_1310 = vector.shape_cast %swap3A_1309 : vector<1x16xf32> to vector<16xf32>
      %swap3A_1311 = vector.shape_cast %mul3A_1305 : vector<16xf32> to vector<1x16xf32>
      tpu.vector_store %arg11[%swap3A_1307, %swap3A_1308], %swap3A_1311 {strides = array<i32>} : memref<128x16xf32, #tpu.memory_space<vmem>>, vector<1x16xf32>,
      %get3A_1312 = arith.constant 84 : i32
      %get3A_1313 = arith.index_cast %get3A_1312 : i32 to index
      %get3A_1314 = arith.constant 0 : index
      %get3A_1315 = tpu.vector_load %arg11[%get3A_1313, %get3A_1314] {strides = array<i32>} : memref<128x16xf32, #tpu.memory_space<vmem>>, vector<1x16xf32>,
      %get3A_1316 = vector.shape_cast %get3A_1315 : vector<1x16xf32> to vector<16xf32>
      %slice3A_1317 = vector.extract_strided_slice %get3A_1251 {offsets = [4], sizes = [1], strides = [1]} : vector<16xf32> to vector<1xf32>
      %squeeze3A_1318 = vector.extract %slice3A_1317[0] : f32 from vector<1xf32>
      %mul3A_1319 = vector.broadcast %squeeze3A_1318 : f32 to vector<16xf32>
      %mul3A_1320 = arith.mulf %get3A_1316, %mul3A_1319 : vector<16xf32>
      %swap3A_1321 = arith.constant 84 : i32
      %swap3A_1322 = arith.index_cast %swap3A_1321 : i32 to index
      %swap3A_1323 = arith.constant 0 : index
      %swap3A_1324 = tpu.vector_load %arg11[%swap3A_1322, %swap3A_1323] {strides = array<i32>} : memref<128x16xf32, #tpu.memory_space<vmem>>, vector<1x16xf32>,
      %swap3A_1325 = vector.shape_cast %swap3A_1324 : vector<1x16xf32> to vector<16xf32>
      %swap3A_1326 = vector.shape_cast %mul3A_1320 : vector<16xf32> to vector<1x16xf32>
      tpu.vector_store %arg11[%swap3A_1322, %swap3A_1323], %swap3A_1326 {strides = array<i32>} : memref<128x16xf32, #tpu.memory_space<vmem>>, vector<1x16xf32>,
      %get3A_1327 = arith.constant 85 : i32
      %get3A_1328 = arith.index_cast %get3A_1327 : i32 to index
      %get3A_1329 = arith.constant 0 : index
      %get3A_1330 = tpu.vector_load %arg11[%get3A_1328, %get3A_1329] {strides = array<i32>} : memref<128x16xf32, #tpu.memory_space<vmem>>, vector<1x16xf32>,
      %get3A_1331 = vector.shape_cast %get3A_1330 : vector<1x16xf32> to vector<16xf32>
      %slice3A_1332 = vector.extract_strided_slice %get3A_1251 {offsets = [5], sizes = [1], strides = [1]} : vector<16xf32> to vector<1xf32>
      %squeeze3A_1333 = vector.extract %slice3A_1332[0] : f32 from vector<1xf32>
      %mul3A_1334 = vector.broadcast %squeeze3A_1333 : f32 to vector<16xf32>
      %mul3A_1335 = arith.mulf %get3A_1331, %mul3A_1334 : vector<16xf32>
      %swap3A_1336 = arith.constant 85 : i32
      %swap3A_1337 = arith.index_cast %swap3A_1336 : i32 to index
      %swap3A_1338 = arith.constant 0 : index
      %swap3A_1339 = tpu.vector_load %arg11[%swap3A_1337, %swap3A_1338] {strides = array<i32>} : memref<128x16xf32, #tpu.memory_space<vmem>>, vector<1x16xf32>,
      %swap3A_1340 = vector.shape_cast %swap3A_1339 : vector<1x16xf32> to vector<16xf32>
      %swap3A_1341 = vector.shape_cast %mul3A_1335 : vector<16xf32> to vector<1x16xf32>
      tpu.vector_store %arg11[%swap3A_1337, %swap3A_1338], %swap3A_1341 {strides = array<i32>} : memref<128x16xf32, #tpu.memory_space<vmem>>, vector<1x16xf32>,
      %get3A_1342 = arith.constant 86 : i32
      %get3A_1343 = arith.index_cast %get3A_1342 : i32 to index
      %get3A_1344 = arith.constant 0 : index
      %get3A_1345 = tpu.vector_load %arg11[%get3A_1343, %get3A_1344] {strides = array<i32>} : memref<128x16xf32, #tpu.memory_space<vmem>>, vector<1x16xf32>,
      %get3A_1346 = vector.shape_cast %get3A_1345 : vector<1x16xf32> to vector<16xf32>
      %slice3A_1347 = vector.extract_strided_slice %get3A_1251 {offsets = [6], sizes = [1], strides = [1]} : vector<16xf32> to vector<1xf32>
      %squeeze3A_1348 = vector.extract %slice3A_1347[0] : f32 from vector<1xf32>
      %mul3A_1349 = vector.broadcast %squeeze3A_1348 : f32 to vector<16xf32>
      %mul3A_1350 = arith.mulf %get3A_1346, %mul3A_1349 : vector<16xf32>
      %swap3A_1351 = arith.constant 86 : i32
      %swap3A_1352 = arith.index_cast %swap3A_1351 : i32 to index
      %swap3A_1353 = arith.constant 0 : index
      %swap3A_1354 = tpu.vector_load %arg11[%swap3A_1352, %swap3A_1353] {strides = array<i32>} : memref<128x16xf32, #tpu.memory_space<vmem>>, vector<1x16xf32>,
      %swap3A_1355 = vector.shape_cast %swap3A_1354 : vector<1x16xf32> to vector<16xf32>
      %swap3A_1356 = vector.shape_cast %mul3A_1350 : vector<16xf32> to vector<1x16xf32>
      tpu.vector_store %arg11[%swap3A_1352, %swap3A_1353], %swap3A_1356 {strides = array<i32>} : memref<128x16xf32, #tpu.memory_space<vmem>>, vector<1x16xf32>,
      %get3A_1357 = arith.constant 87 : i32
      %get3A_1358 = arith.index_cast %get3A_1357 : i32 to index
      %get3A_1359 = arith.constant 0 : index
      %get3A_1360 = tpu.vector_load %arg11[%get3A_1358, %get3A_1359] {strides = array<i32>} : memref<128x16xf32, #tpu.memory_space<vmem>>, vector<1x16xf32>,
      %get3A_1361 = vector.shape_cast %get3A_1360 : vector<1x16xf32> to vector<16xf32>
      %slice3A_1362 = vector.extract_strided_slice %get3A_1251 {offsets = [7], sizes = [1], strides = [1]} : vector<16xf32> to vector<1xf32>
      %squeeze3A_1363 = vector.extract %slice3A_1362[0] : f32 from vector<1xf32>
      %mul3A_1364 = vector.broadcast %squeeze3A_1363 : f32 to vector<16xf32>
      %mul3A_1365 = arith.mulf %get3A_1361, %mul3A_1364 : vector<16xf32>
      %swap3A_1366 = arith.constant 87 : i32
      %swap3A_1367 = arith.index_cast %swap3A_1366 : i32 to index
      %swap3A_1368 = arith.constant 0 : index
      %swap3A_1369 = tpu.vector_load %arg11[%swap3A_1367, %swap3A_1368] {strides = array<i32>} : memref<128x16xf32, #tpu.memory_space<vmem>>, vector<1x16xf32>,
      %swap3A_1370 = vector.shape_cast %swap3A_1369 : vector<1x16xf32> to vector<16xf32>
      %swap3A_1371 = vector.shape_cast %mul3A_1365 : vector<16xf32> to vector<1x16xf32>
      tpu.vector_store %arg11[%swap3A_1367, %swap3A_1368], %swap3A_1371 {strides = array<i32>} : memref<128x16xf32, #tpu.memory_space<vmem>>, vector<1x16xf32>,
      %get3A_1372 = arith.constant 88 : i32
      %get3A_1373 = arith.index_cast %get3A_1372 : i32 to index
      %get3A_1374 = arith.constant 0 : index
      %get3A_1375 = tpu.vector_load %arg11[%get3A_1373, %get3A_1374] {strides = array<i32>} : memref<128x16xf32, #tpu.memory_space<vmem>>, vector<1x16xf32>,
      %get3A_1376 = vector.shape_cast %get3A_1375 : vector<1x16xf32> to vector<16xf32>
      %slice3A_1377 = vector.extract_strided_slice %get3A_1251 {offsets = [8], sizes = [1], strides = [1]} : vector<16xf32> to vector<1xf32>
      %squeeze3A_1378 = vector.extract %slice3A_1377[0] : f32 from vector<1xf32>
      %mul3A_1379 = vector.broadcast %squeeze3A_1378 : f32 to vector<16xf32>
      %mul3A_1380 = arith.mulf %get3A_1376, %mul3A_1379 : vector<16xf32>
      %swap3A_1381 = arith.constant 88 : i32
      %swap3A_1382 = arith.index_cast %swap3A_1381 : i32 to index
      %swap3A_1383 = arith.constant 0 : index
      %swap3A_1384 = tpu.vector_load %arg11[%swap3A_1382, %swap3A_1383] {strides = array<i32>} : memref<128x16xf32, #tpu.memory_space<vmem>>, vector<1x16xf32>,
      %swap3A_1385 = vector.shape_cast %swap3A_1384 : vector<1x16xf32> to vector<16xf32>
      %swap3A_1386 = vector.shape_cast %mul3A_1380 : vector<16xf32> to vector<1x16xf32>
      tpu.vector_store %arg11[%swap3A_1382, %swap3A_1383], %swap3A_1386 {strides = array<i32>} : memref<128x16xf32, #tpu.memory_space<vmem>>, vector<1x16xf32>,
      %get3A_1387 = arith.constant 89 : i32
      %get3A_1388 = arith.index_cast %get3A_1387 : i32 to index
      %get3A_1389 = arith.constant 0 : index
      %get3A_1390 = tpu.vector_load %arg11[%get3A_1388, %get3A_1389] {strides = array<i32>} : memref<128x16xf32, #tpu.memory_space<vmem>>, vector<1x16xf32>,
      %get3A_1391 = vector.shape_cast %get3A_1390 : vector<1x16xf32> to vector<16xf32>
      %slice3A_1392 = vector.extract_strided_slice %get3A_1251 {offsets = [9], sizes = [1], strides = [1]} : vector<16xf32> to vector<1xf32>
      %squeeze3A_1393 = vector.extract %slice3A_1392[0] : f32 from vector<1xf32>
      %mul3A_1394 = vector.broadcast %squeeze3A_1393 : f32 to vector<16xf32>
      %mul3A_1395 = arith.mulf %get3A_1391, %mul3A_1394 : vector<16xf32>
      %swap3A_1396 = arith.constant 89 : i32
      %swap3A_1397 = arith.index_cast %swap3A_1396 : i32 to index
      %swap3A_1398 = arith.constant 0 : index
      %swap3A_1399 = tpu.vector_load %arg11[%swap3A_1397, %swap3A_1398] {strides = array<i32>} : memref<128x16xf32, #tpu.memory_space<vmem>>, vector<1x16xf32>,
      %swap3A_1400 = vector.shape_cast %swap3A_1399 : vector<1x16xf32> to vector<16xf32>
      %swap3A_1401 = vector.shape_cast %mul3A_1395 : vector<16xf32> to vector<1x16xf32>
      tpu.vector_store %arg11[%swap3A_1397, %swap3A_1398], %swap3A_1401 {strides = array<i32>} : memref<128x16xf32, #tpu.memory_space<vmem>>, vector<1x16xf32>,
      %get3A_1402 = arith.constant 90 : i32
      %get3A_1403 = arith.index_cast %get3A_1402 : i32 to index
      %get3A_1404 = arith.constant 0 : index
      %get3A_1405 = tpu.vector_load %arg11[%get3A_1403, %get3A_1404] {strides = array<i32>} : memref<128x16xf32, #tpu.memory_space<vmem>>, vector<1x16xf32>,
      %get3A_1406 = vector.shape_cast %get3A_1405 : vector<1x16xf32> to vector<16xf32>
      %slice3A_1407 = vector.extract_strided_slice %get3A_1251 {offsets = [10], sizes = [1], strides = [1]} : vector<16xf32> to vector<1xf32>
      %squeeze3A_1408 = vector.extract %slice3A_1407[0] : f32 from vector<1xf32>
      %mul3A_1409 = vector.broadcast %squeeze3A_1408 : f32 to vector<16xf32>
      %mul3A_1410 = arith.mulf %get3A_1406, %mul3A_1409 : vector<16xf32>
      %swap3A_1411 = arith.constant 90 : i32
      %swap3A_1412 = arith.index_cast %swap3A_1411 : i32 to index
      %swap3A_1413 = arith.constant 0 : index
      %swap3A_1414 = tpu.vector_load %arg11[%swap3A_1412, %swap3A_1413] {strides = array<i32>} : memref<128x16xf32, #tpu.memory_space<vmem>>, vector<1x16xf32>,
      %swap3A_1415 = vector.shape_cast %swap3A_1414 : vector<1x16xf32> to vector<16xf32>
      %swap3A_1416 = vector.shape_cast %mul3A_1410 : vector<16xf32> to vector<1x16xf32>
      tpu.vector_store %arg11[%swap3A_1412, %swap3A_1413], %swap3A_1416 {strides = array<i32>} : memref<128x16xf32, #tpu.memory_space<vmem>>, vector<1x16xf32>,
      %get3A_1417 = arith.constant 91 : i32
      %get3A_1418 = arith.index_cast %get3A_1417 : i32 to index
      %get3A_1419 = arith.constant 0 : index
      %get3A_1420 = tpu.vector_load %arg11[%get3A_1418, %get3A_1419] {strides = array<i32>} : memref<128x16xf32, #tpu.memory_space<vmem>>, vector<1x16xf32>,
      %get3A_1421 = vector.shape_cast %get3A_1420 : vector<1x16xf32> to vector<16xf32>
      %slice3A_1422 = vector.extract_strided_slice %get3A_1251 {offsets = [11], sizes = [1], strides = [1]} : vector<16xf32> to vector<1xf32>
      %squeeze3A_1423 = vector.extract %slice3A_1422[0] : f32 from vector<1xf32>
      %mul3A_1424 = vector.broadcast %squeeze3A_1423 : f32 to vector<16xf32>
      %mul3A_1425 = arith.mulf %get3A_1421, %mul3A_1424 : vector<16xf32>
      %swap3A_1426 = arith.constant 91 : i32
      %swap3A_1427 = arith.index_cast %swap3A_1426 : i32 to index
      %swap3A_1428 = arith.constant 0 : index
      %swap3A_1429 = tpu.vector_load %arg11[%swap3A_1427, %swap3A_1428] {strides = array<i32>} : memref<128x16xf32, #tpu.memory_space<vmem>>, vector<1x16xf32>,
      %swap3A_1430 = vector.shape_cast %swap3A_1429 : vector<1x16xf32> to vector<16xf32>
      %swap3A_1431 = vector.shape_cast %mul3A_1425 : vector<16xf32> to vector<1x16xf32>
      tpu.vector_store %arg11[%swap3A_1427, %swap3A_1428], %swap3A_1431 {strides = array<i32>} : memref<128x16xf32, #tpu.memory_space<vmem>>, vector<1x16xf32>,
      %get3A_1432 = arith.constant 92 : i32
      %get3A_1433 = arith.index_cast %get3A_1432 : i32 to index
      %get3A_1434 = arith.constant 0 : index
      %get3A_1435 = tpu.vector_load %arg11[%get3A_1433, %get3A_1434] {strides = array<i32>} : memref<128x16xf32, #tpu.memory_space<vmem>>, vector<1x16xf32>,
      %get3A_1436 = vector.shape_cast %get3A_1435 : vector<1x16xf32> to vector<16xf32>
      %slice3A_1437 = vector.extract_strided_slice %get3A_1251 {offsets = [12], sizes = [1], strides = [1]} : vector<16xf32> to vector<1xf32>
      %squeeze3A_1438 = vector.extract %slice3A_1437[0] : f32 from vector<1xf32>
      %mul3A_1439 = vector.broadcast %squeeze3A_1438 : f32 to vector<16xf32>
      %mul3A_1440 = arith.mulf %get3A_1436, %mul3A_1439 : vector<16xf32>
      %swap3A_1441 = arith.constant 92 : i32
      %swap3A_1442 = arith.index_cast %swap3A_1441 : i32 to index
      %swap3A_1443 = arith.constant 0 : index
      %swap3A_1444 = tpu.vector_load %arg11[%swap3A_1442, %swap3A_1443] {strides = array<i32>} : memref<128x16xf32, #tpu.memory_space<vmem>>, vector<1x16xf32>,
      %swap3A_1445 = vector.shape_cast %swap3A_1444 : vector<1x16xf32> to vector<16xf32>
      %swap3A_1446 = vector.shape_cast %mul3A_1440 : vector<16xf32> to vector<1x16xf32>
      tpu.vector_store %arg11[%swap3A_1442, %swap3A_1443], %swap3A_1446 {strides = array<i32>} : memref<128x16xf32, #tpu.memory_space<vmem>>, vector<1x16xf32>,
      %get3A_1447 = arith.constant 93 : i32
      %get3A_1448 = arith.index_cast %get3A_1447 : i32 to index
      %get3A_1449 = arith.constant 0 : index
      %get3A_1450 = tpu.vector_load %arg11[%get3A_1448, %get3A_1449] {strides = array<i32>} : memref<128x16xf32, #tpu.memory_space<vmem>>, vector<1x16xf32>,
      %get3A_1451 = vector.shape_cast %get3A_1450 : vector<1x16xf32> to vector<16xf32>
      %slice3A_1452 = vector.extract_strided_slice %get3A_1251 {offsets = [13], sizes = [1], strides = [1]} : vector<16xf32> to vector<1xf32>
      %squeeze3A_1453 = vector.extract %slice3A_1452[0] : f32 from vector<1xf32>
      %mul3A_1454 = vector.broadcast %squeeze3A_1453 : f32 to vector<16xf32>
      %mul3A_1455 = arith.mulf %get3A_1451, %mul3A_1454 : vector<16xf32>
      %swap3A_1456 = arith.constant 93 : i32
      %swap3A_1457 = arith.index_cast %swap3A_1456 : i32 to index
      %swap3A_1458 = arith.constant 0 : index
      %swap3A_1459 = tpu.vector_load %arg11[%swap3A_1457, %swap3A_1458] {strides = array<i32>} : memref<128x16xf32, #tpu.memory_space<vmem>>, vector<1x16xf32>,
      %swap3A_1460 = vector.shape_cast %swap3A_1459 : vector<1x16xf32> to vector<16xf32>
      %swap3A_1461 = vector.shape_cast %mul3A_1455 : vector<16xf32> to vector<1x16xf32>
      tpu.vector_store %arg11[%swap3A_1457, %swap3A_1458], %swap3A_1461 {strides = array<i32>} : memref<128x16xf32, #tpu.memory_space<vmem>>, vector<1x16xf32>,
      %get3A_1462 = arith.constant 94 : i32
      %get3A_1463 = arith.index_cast %get3A_1462 : i32 to index
      %get3A_1464 = arith.constant 0 : index
      %get3A_1465 = tpu.vector_load %arg11[%get3A_1463, %get3A_1464] {strides = array<i32>} : memref<128x16xf32, #tpu.memory_space<vmem>>, vector<1x16xf32>,
      %get3A_1466 = vector.shape_cast %get3A_1465 : vector<1x16xf32> to vector<16xf32>
      %slice3A_1467 = vector.extract_strided_slice %get3A_1251 {offsets = [14], sizes = [1], strides = [1]} : vector<16xf32> to vector<1xf32>
      %squeeze3A_1468 = vector.extract %slice3A_1467[0] : f32 from vector<1xf32>
      %mul3A_1469 = vector.broadcast %squeeze3A_1468 : f32 to vector<16xf32>
      %mul3A_1470 = arith.mulf %get3A_1466, %mul3A_1469 : vector<16xf32>
      %swap3A_1471 = arith.constant 94 : i32
      %swap3A_1472 = arith.index_cast %swap3A_1471 : i32 to index
      %swap3A_1473 = arith.constant 0 : index
      %swap3A_1474 = tpu.vector_load %arg11[%swap3A_1472, %swap3A_1473] {strides = array<i32>} : memref<128x16xf32, #tpu.memory_space<vmem>>, vector<1x16xf32>,
      %swap3A_1475 = vector.shape_cast %swap3A_1474 : vector<1x16xf32> to vector<16xf32>
      %swap3A_1476 = vector.shape_cast %mul3A_1470 : vector<16xf32> to vector<1x16xf32>
      tpu.vector_store %arg11[%swap3A_1472, %swap3A_1473], %swap3A_1476 {strides = array<i32>} : memref<128x16xf32, #tpu.memory_space<vmem>>, vector<1x16xf32>,
      %get3A_1477 = arith.constant 95 : i32
      %get3A_1478 = arith.index_cast %get3A_1477 : i32 to index
      %get3A_1479 = arith.constant 0 : index
      %get3A_1480 = tpu.vector_load %arg11[%get3A_1478, %get3A_1479] {strides = array<i32>} : memref<128x16xf32, #tpu.memory_space<vmem>>, vector<1x16xf32>,
      %get3A_1481 = vector.shape_cast %get3A_1480 : vector<1x16xf32> to vector<16xf32>
      %slice3A_1482 = vector.extract_strided_slice %get3A_1251 {offsets = [15], sizes = [1], strides = [1]} : vector<16xf32> to vector<1xf32>
      %squeeze3A_1483 = vector.extract %slice3A_1482[0] : f32 from vector<1xf32>
      %mul3A_1484 = vector.broadcast %squeeze3A_1483 : f32 to vector<16xf32>
      %mul3A_1485 = arith.mulf %get3A_1481, %mul3A_1484 : vector<16xf32>
      %swap3A_1486 = arith.constant 95 : i32
      %swap3A_1487 = arith.index_cast %swap3A_1486 : i32 to index
      %swap3A_1488 = arith.constant 0 : index
      %swap3A_1489 = tpu.vector_load %arg11[%swap3A_1487, %swap3A_1488] {strides = array<i32>} : memref<128x16xf32, #tpu.memory_space<vmem>>, vector<1x16xf32>,
      %swap3A_1490 = vector.shape_cast %swap3A_1489 : vector<1x16xf32> to vector<16xf32>
      %swap3A_1491 = vector.shape_cast %mul3A_1485 : vector<16xf32> to vector<1x16xf32>
      tpu.vector_store %arg11[%swap3A_1487, %swap3A_1488], %swap3A_1491 {strides = array<i32>} : memref<128x16xf32, #tpu.memory_space<vmem>>, vector<1x16xf32>,
      %get3A_1492 = arith.index_cast %scan3A_21 : i32 to index
      %get3A_1493 = arith.constant 96 : index
      %get3A_1494 = tpu.vector_load %arg10[%get3A_1492, %get3A_1493] {strides = array<i32>} : memref<160x128xf32, #tpu.memory_space<vmem>>, vector<1x16xf32>,
      %get3A_1495 = vector.shape_cast %get3A_1494 : vector<1x16xf32> to vector<16xf32>
      %get3A_1496 = arith.constant 96 : i32
      %get3A_1497 = arith.index_cast %get3A_1496 : i32 to index
      %get3A_1498 = arith.constant 0 : index
      %get3A_1499 = tpu.vector_load %arg11[%get3A_1497, %get3A_1498] {strides = array<i32>} : memref<128x16xf32, #tpu.memory_space<vmem>>, vector<1x16xf32>,
      %get3A_1500 = vector.shape_cast %get3A_1499 : vector<1x16xf32> to vector<16xf32>
      %slice3A_1501 = vector.extract_strided_slice %get3A_1495 {offsets = [0], sizes = [1], strides = [1]} : vector<16xf32> to vector<1xf32>
      %squeeze3A_1502 = vector.extract %slice3A_1501[0] : f32 from vector<1xf32>
      %mul3A_1503 = vector.broadcast %squeeze3A_1502 : f32 to vector<16xf32>
      %mul3A_1504 = arith.mulf %get3A_1500, %mul3A_1503 : vector<16xf32>
      %swap3A_1505 = arith.constant 96 : i32
      %swap3A_1506 = arith.index_cast %swap3A_1505 : i32 to index
      %swap3A_1507 = arith.constant 0 : index
      %swap3A_1508 = tpu.vector_load %arg11[%swap3A_1506, %swap3A_1507] {strides = array<i32>} : memref<128x16xf32, #tpu.memory_space<vmem>>, vector<1x16xf32>,
      %swap3A_1509 = vector.shape_cast %swap3A_1508 : vector<1x16xf32> to vector<16xf32>
      %swap3A_1510 = vector.shape_cast %mul3A_1504 : vector<16xf32> to vector<1x16xf32>
      tpu.vector_store %arg11[%swap3A_1506, %swap3A_1507], %swap3A_1510 {strides = array<i32>} : memref<128x16xf32, #tpu.memory_space<vmem>>, vector<1x16xf32>,
      %get3A_1511 = arith.constant 97 : i32
      %get3A_1512 = arith.index_cast %get3A_1511 : i32 to index
      %get3A_1513 = arith.constant 0 : index
      %get3A_1514 = tpu.vector_load %arg11[%get3A_1512, %get3A_1513] {strides = array<i32>} : memref<128x16xf32, #tpu.memory_space<vmem>>, vector<1x16xf32>,
      %get3A_1515 = vector.shape_cast %get3A_1514 : vector<1x16xf32> to vector<16xf32>
      %slice3A_1516 = vector.extract_strided_slice %get3A_1495 {offsets = [1], sizes = [1], strides = [1]} : vector<16xf32> to vector<1xf32>
      %squeeze3A_1517 = vector.extract %slice3A_1516[0] : f32 from vector<1xf32>
      %mul3A_1518 = vector.broadcast %squeeze3A_1517 : f32 to vector<16xf32>
      %mul3A_1519 = arith.mulf %get3A_1515, %mul3A_1518 : vector<16xf32>
      %swap3A_1520 = arith.constant 97 : i32
      %swap3A_1521 = arith.index_cast %swap3A_1520 : i32 to index
      %swap3A_1522 = arith.constant 0 : index
      %swap3A_1523 = tpu.vector_load %arg11[%swap3A_1521, %swap3A_1522] {strides = array<i32>} : memref<128x16xf32, #tpu.memory_space<vmem>>, vector<1x16xf32>,
      %swap3A_1524 = vector.shape_cast %swap3A_1523 : vector<1x16xf32> to vector<16xf32>
      %swap3A_1525 = vector.shape_cast %mul3A_1519 : vector<16xf32> to vector<1x16xf32>
      tpu.vector_store %arg11[%swap3A_1521, %swap3A_1522], %swap3A_1525 {strides = array<i32>} : memref<128x16xf32, #tpu.memory_space<vmem>>, vector<1x16xf32>,
      %get3A_1526 = arith.constant 98 : i32
      %get3A_1527 = arith.index_cast %get3A_1526 : i32 to index
      %get3A_1528 = arith.constant 0 : index
      %get3A_1529 = tpu.vector_load %arg11[%get3A_1527, %get3A_1528] {strides = array<i32>} : memref<128x16xf32, #tpu.memory_space<vmem>>, vector<1x16xf32>,
      %get3A_1530 = vector.shape_cast %get3A_1529 : vector<1x16xf32> to vector<16xf32>
      %slice3A_1531 = vector.extract_strided_slice %get3A_1495 {offsets = [2], sizes = [1], strides = [1]} : vector<16xf32> to vector<1xf32>
      %squeeze3A_1532 = vector.extract %slice3A_1531[0] : f32 from vector<1xf32>
      %mul3A_1533 = vector.broadcast %squeeze3A_1532 : f32 to vector<16xf32>
      %mul3A_1534 = arith.mulf %get3A_1530, %mul3A_1533 : vector<16xf32>
      %swap3A_1535 = arith.constant 98 : i32
      %swap3A_1536 = arith.index_cast %swap3A_1535 : i32 to index
      %swap3A_1537 = arith.constant 0 : index
      %swap3A_1538 = tpu.vector_load %arg11[%swap3A_1536, %swap3A_1537] {strides = array<i32>} : memref<128x16xf32, #tpu.memory_space<vmem>>, vector<1x16xf32>,
      %swap3A_1539 = vector.shape_cast %swap3A_1538 : vector<1x16xf32> to vector<16xf32>
      %swap3A_1540 = vector.shape_cast %mul3A_1534 : vector<16xf32> to vector<1x16xf32>
      tpu.vector_store %arg11[%swap3A_1536, %swap3A_1537], %swap3A_1540 {strides = array<i32>} : memref<128x16xf32, #tpu.memory_space<vmem>>, vector<1x16xf32>,
      %get3A_1541 = arith.constant 99 : i32
      %get3A_1542 = arith.index_cast %get3A_1541 : i32 to index
      %get3A_1543 = arith.constant 0 : index
      %get3A_1544 = tpu.vector_load %arg11[%get3A_1542, %get3A_1543] {strides = array<i32>} : memref<128x16xf32, #tpu.memory_space<vmem>>, vector<1x16xf32>,
      %get3A_1545 = vector.shape_cast %get3A_1544 : vector<1x16xf32> to vector<16xf32>
      %slice3A_1546 = vector.extract_strided_slice %get3A_1495 {offsets = [3], sizes = [1], strides = [1]} : vector<16xf32> to vector<1xf32>
      %squeeze3A_1547 = vector.extract %slice3A_1546[0] : f32 from vector<1xf32>
      %mul3A_1548 = vector.broadcast %squeeze3A_1547 : f32 to vector<16xf32>
      %mul3A_1549 = arith.mulf %get3A_1545, %mul3A_1548 : vector<16xf32>
      %swap3A_1550 = arith.constant 99 : i32
      %swap3A_1551 = arith.index_cast %swap3A_1550 : i32 to index
      %swap3A_1552 = arith.constant 0 : index
      %swap3A_1553 = tpu.vector_load %arg11[%swap3A_1551, %swap3A_1552] {strides = array<i32>} : memref<128x16xf32, #tpu.memory_space<vmem>>, vector<1x16xf32>,
      %swap3A_1554 = vector.shape_cast %swap3A_1553 : vector<1x16xf32> to vector<16xf32>
      %swap3A_1555 = vector.shape_cast %mul3A_1549 : vector<16xf32> to vector<1x16xf32>
      tpu.vector_store %arg11[%swap3A_1551, %swap3A_1552], %swap3A_1555 {strides = array<i32>} : memref<128x16xf32, #tpu.memory_space<vmem>>, vector<1x16xf32>,
      %get3A_1556 = arith.constant 100 : i32
      %get3A_1557 = arith.index_cast %get3A_1556 : i32 to index
      %get3A_1558 = arith.constant 0 : index
      %get3A_1559 = tpu.vector_load %arg11[%get3A_1557, %get3A_1558] {strides = array<i32>} : memref<128x16xf32, #tpu.memory_space<vmem>>, vector<1x16xf32>,
      %get3A_1560 = vector.shape_cast %get3A_1559 : vector<1x16xf32> to vector<16xf32>
      %slice3A_1561 = vector.extract_strided_slice %get3A_1495 {offsets = [4], sizes = [1], strides = [1]} : vector<16xf32> to vector<1xf32>
      %squeeze3A_1562 = vector.extract %slice3A_1561[0] : f32 from vector<1xf32>
      %mul3A_1563 = vector.broadcast %squeeze3A_1562 : f32 to vector<16xf32>
      %mul3A_1564 = arith.mulf %get3A_1560, %mul3A_1563 : vector<16xf32>
      %swap3A_1565 = arith.constant 100 : i32
      %swap3A_1566 = arith.index_cast %swap3A_1565 : i32 to index
      %swap3A_1567 = arith.constant 0 : index
      %swap3A_1568 = tpu.vector_load %arg11[%swap3A_1566, %swap3A_1567] {strides = array<i32>} : memref<128x16xf32, #tpu.memory_space<vmem>>, vector<1x16xf32>,
      %swap3A_1569 = vector.shape_cast %swap3A_1568 : vector<1x16xf32> to vector<16xf32>
      %swap3A_1570 = vector.shape_cast %mul3A_1564 : vector<16xf32> to vector<1x16xf32>
      tpu.vector_store %arg11[%swap3A_1566, %swap3A_1567], %swap3A_1570 {strides = array<i32>} : memref<128x16xf32, #tpu.memory_space<vmem>>, vector<1x16xf32>,
      %get3A_1571 = arith.constant 101 : i32
      %get3A_1572 = arith.index_cast %get3A_1571 : i32 to index
      %get3A_1573 = arith.constant 0 : index
      %get3A_1574 = tpu.vector_load %arg11[%get3A_1572, %get3A_1573] {strides = array<i32>} : memref<128x16xf32, #tpu.memory_space<vmem>>, vector<1x16xf32>,
      %get3A_1575 = vector.shape_cast %get3A_1574 : vector<1x16xf32> to vector<16xf32>
      %slice3A_1576 = vector.extract_strided_slice %get3A_1495 {offsets = [5], sizes = [1], strides = [1]} : vector<16xf32> to vector<1xf32>
      %squeeze3A_1577 = vector.extract %slice3A_1576[0] : f32 from vector<1xf32>
      %mul3A_1578 = vector.broadcast %squeeze3A_1577 : f32 to vector<16xf32>
      %mul3A_1579 = arith.mulf %get3A_1575, %mul3A_1578 : vector<16xf32>
      %swap3A_1580 = arith.constant 101 : i32
      %swap3A_1581 = arith.index_cast %swap3A_1580 : i32 to index
      %swap3A_1582 = arith.constant 0 : index
      %swap3A_1583 = tpu.vector_load %arg11[%swap3A_1581, %swap3A_1582] {strides = array<i32>} : memref<128x16xf32, #tpu.memory_space<vmem>>, vector<1x16xf32>,
      %swap3A_1584 = vector.shape_cast %swap3A_1583 : vector<1x16xf32> to vector<16xf32>
      %swap3A_1585 = vector.shape_cast %mul3A_1579 : vector<16xf32> to vector<1x16xf32>
      tpu.vector_store %arg11[%swap3A_1581, %swap3A_1582], %swap3A_1585 {strides = array<i32>} : memref<128x16xf32, #tpu.memory_space<vmem>>, vector<1x16xf32>,
      %get3A_1586 = arith.constant 102 : i32
      %get3A_1587 = arith.index_cast %get3A_1586 : i32 to index
      %get3A_1588 = arith.constant 0 : index
      %get3A_1589 = tpu.vector_load %arg11[%get3A_1587, %get3A_1588] {strides = array<i32>} : memref<128x16xf32, #tpu.memory_space<vmem>>, vector<1x16xf32>,
      %get3A_1590 = vector.shape_cast %get3A_1589 : vector<1x16xf32> to vector<16xf32>
      %slice3A_1591 = vector.extract_strided_slice %get3A_1495 {offsets = [6], sizes = [1], strides = [1]} : vector<16xf32> to vector<1xf32>
      %squeeze3A_1592 = vector.extract %slice3A_1591[0] : f32 from vector<1xf32>
      %mul3A_1593 = vector.broadcast %squeeze3A_1592 : f32 to vector<16xf32>
      %mul3A_1594 = arith.mulf %get3A_1590, %mul3A_1593 : vector<16xf32>
      %swap3A_1595 = arith.constant 102 : i32
      %swap3A_1596 = arith.index_cast %swap3A_1595 : i32 to index
      %swap3A_1597 = arith.constant 0 : index
      %swap3A_1598 = tpu.vector_load %arg11[%swap3A_1596, %swap3A_1597] {strides = array<i32>} : memref<128x16xf32, #tpu.memory_space<vmem>>, vector<1x16xf32>,
      %swap3A_1599 = vector.shape_cast %swap3A_1598 : vector<1x16xf32> to vector<16xf32>
      %swap3A_1600 = vector.shape_cast %mul3A_1594 : vector<16xf32> to vector<1x16xf32>
      tpu.vector_store %arg11[%swap3A_1596, %swap3A_1597], %swap3A_1600 {strides = array<i32>} : memref<128x16xf32, #tpu.memory_space<vmem>>, vector<1x16xf32>,
      %get3A_1601 = arith.constant 103 : i32
      %get3A_1602 = arith.index_cast %get3A_1601 : i32 to index
      %get3A_1603 = arith.constant 0 : index
      %get3A_1604 = tpu.vector_load %arg11[%get3A_1602, %get3A_1603] {strides = array<i32>} : memref<128x16xf32, #tpu.memory_space<vmem>>, vector<1x16xf32>,
      %get3A_1605 = vector.shape_cast %get3A_1604 : vector<1x16xf32> to vector<16xf32>
      %slice3A_1606 = vector.extract_strided_slice %get3A_1495 {offsets = [7], sizes = [1], strides = [1]} : vector<16xf32> to vector<1xf32>
      %squeeze3A_1607 = vector.extract %slice3A_1606[0] : f32 from vector<1xf32>
      %mul3A_1608 = vector.broadcast %squeeze3A_1607 : f32 to vector<16xf32>
      %mul3A_1609 = arith.mulf %get3A_1605, %mul3A_1608 : vector<16xf32>
      %swap3A_1610 = arith.constant 103 : i32
      %swap3A_1611 = arith.index_cast %swap3A_1610 : i32 to index
      %swap3A_1612 = arith.constant 0 : index
      %swap3A_1613 = tpu.vector_load %arg11[%swap3A_1611, %swap3A_1612] {strides = array<i32>} : memref<128x16xf32, #tpu.memory_space<vmem>>, vector<1x16xf32>,
      %swap3A_1614 = vector.shape_cast %swap3A_1613 : vector<1x16xf32> to vector<16xf32>
      %swap3A_1615 = vector.shape_cast %mul3A_1609 : vector<16xf32> to vector<1x16xf32>
      tpu.vector_store %arg11[%swap3A_1611, %swap3A_1612], %swap3A_1615 {strides = array<i32>} : memref<128x16xf32, #tpu.memory_space<vmem>>, vector<1x16xf32>,
      %get3A_1616 = arith.constant 104 : i32
      %get3A_1617 = arith.index_cast %get3A_1616 : i32 to index
      %get3A_1618 = arith.constant 0 : index
      %get3A_1619 = tpu.vector_load %arg11[%get3A_1617, %get3A_1618] {strides = array<i32>} : memref<128x16xf32, #tpu.memory_space<vmem>>, vector<1x16xf32>,
      %get3A_1620 = vector.shape_cast %get3A_1619 : vector<1x16xf32> to vector<16xf32>
      %slice3A_1621 = vector.extract_strided_slice %get3A_1495 {offsets = [8], sizes = [1], strides = [1]} : vector<16xf32> to vector<1xf32>
      %squeeze3A_1622 = vector.extract %slice3A_1621[0] : f32 from vector<1xf32>
      %mul3A_1623 = vector.broadcast %squeeze3A_1622 : f32 to vector<16xf32>
      %mul3A_1624 = arith.mulf %get3A_1620, %mul3A_1623 : vector<16xf32>
      %swap3A_1625 = arith.constant 104 : i32
      %swap3A_1626 = arith.index_cast %swap3A_1625 : i32 to index
      %swap3A_1627 = arith.constant 0 : index
      %swap3A_1628 = tpu.vector_load %arg11[%swap3A_1626, %swap3A_1627] {strides = array<i32>} : memref<128x16xf32, #tpu.memory_space<vmem>>, vector<1x16xf32>,
      %swap3A_1629 = vector.shape_cast %swap3A_1628 : vector<1x16xf32> to vector<16xf32>
      %swap3A_1630 = vector.shape_cast %mul3A_1624 : vector<16xf32> to vector<1x16xf32>
      tpu.vector_store %arg11[%swap3A_1626, %swap3A_1627], %swap3A_1630 {strides = array<i32>} : memref<128x16xf32, #tpu.memory_space<vmem>>, vector<1x16xf32>,
      %get3A_1631 = arith.constant 105 : i32
      %get3A_1632 = arith.index_cast %get3A_1631 : i32 to index
      %get3A_1633 = arith.constant 0 : index
      %get3A_1634 = tpu.vector_load %arg11[%get3A_1632, %get3A_1633] {strides = array<i32>} : memref<128x16xf32, #tpu.memory_space<vmem>>, vector<1x16xf32>,
      %get3A_1635 = vector.shape_cast %get3A_1634 : vector<1x16xf32> to vector<16xf32>
      %slice3A_1636 = vector.extract_strided_slice %get3A_1495 {offsets = [9], sizes = [1], strides = [1]} : vector<16xf32> to vector<1xf32>
      %squeeze3A_1637 = vector.extract %slice3A_1636[0] : f32 from vector<1xf32>
      %mul3A_1638 = vector.broadcast %squeeze3A_1637 : f32 to vector<16xf32>
      %mul3A_1639 = arith.mulf %get3A_1635, %mul3A_1638 : vector<16xf32>
      %swap3A_1640 = arith.constant 105 : i32
      %swap3A_1641 = arith.index_cast %swap3A_1640 : i32 to index
      %swap3A_1642 = arith.constant 0 : index
      %swap3A_1643 = tpu.vector_load %arg11[%swap3A_1641, %swap3A_1642] {strides = array<i32>} : memref<128x16xf32, #tpu.memory_space<vmem>>, vector<1x16xf32>,
      %swap3A_1644 = vector.shape_cast %swap3A_1643 : vector<1x16xf32> to vector<16xf32>
      %swap3A_1645 = vector.shape_cast %mul3A_1639 : vector<16xf32> to vector<1x16xf32>
      tpu.vector_store %arg11[%swap3A_1641, %swap3A_1642], %swap3A_1645 {strides = array<i32>} : memref<128x16xf32, #tpu.memory_space<vmem>>, vector<1x16xf32>,
      %get3A_1646 = arith.constant 106 : i32
      %get3A_1647 = arith.index_cast %get3A_1646 : i32 to index
      %get3A_1648 = arith.constant 0 : index
      %get3A_1649 = tpu.vector_load %arg11[%get3A_1647, %get3A_1648] {strides = array<i32>} : memref<128x16xf32, #tpu.memory_space<vmem>>, vector<1x16xf32>,
      %get3A_1650 = vector.shape_cast %get3A_1649 : vector<1x16xf32> to vector<16xf32>
      %slice3A_1651 = vector.extract_strided_slice %get3A_1495 {offsets = [10], sizes = [1], strides = [1]} : vector<16xf32> to vector<1xf32>
      %squeeze3A_1652 = vector.extract %slice3A_1651[0] : f32 from vector<1xf32>
      %mul3A_1653 = vector.broadcast %squeeze3A_1652 : f32 to vector<16xf32>
      %mul3A_1654 = arith.mulf %get3A_1650, %mul3A_1653 : vector<16xf32>
      %swap3A_1655 = arith.constant 106 : i32
      %swap3A_1656 = arith.index_cast %swap3A_1655 : i32 to index
      %swap3A_1657 = arith.constant 0 : index
      %swap3A_1658 = tpu.vector_load %arg11[%swap3A_1656, %swap3A_1657] {strides = array<i32>} : memref<128x16xf32, #tpu.memory_space<vmem>>, vector<1x16xf32>,
      %swap3A_1659 = vector.shape_cast %swap3A_1658 : vector<1x16xf32> to vector<16xf32>
      %swap3A_1660 = vector.shape_cast %mul3A_1654 : vector<16xf32> to vector<1x16xf32>
      tpu.vector_store %arg11[%swap3A_1656, %swap3A_1657], %swap3A_1660 {strides = array<i32>} : memref<128x16xf32, #tpu.memory_space<vmem>>, vector<1x16xf32>,
      %get3A_1661 = arith.constant 107 : i32
      %get3A_1662 = arith.index_cast %get3A_1661 : i32 to index
      %get3A_1663 = arith.constant 0 : index
      %get3A_1664 = tpu.vector_load %arg11[%get3A_1662, %get3A_1663] {strides = array<i32>} : memref<128x16xf32, #tpu.memory_space<vmem>>, vector<1x16xf32>,
      %get3A_1665 = vector.shape_cast %get3A_1664 : vector<1x16xf32> to vector<16xf32>
      %slice3A_1666 = vector.extract_strided_slice %get3A_1495 {offsets = [11], sizes = [1], strides = [1]} : vector<16xf32> to vector<1xf32>
      %squeeze3A_1667 = vector.extract %slice3A_1666[0] : f32 from vector<1xf32>
      %mul3A_1668 = vector.broadcast %squeeze3A_1667 : f32 to vector<16xf32>
      %mul3A_1669 = arith.mulf %get3A_1665, %mul3A_1668 : vector<16xf32>
      %swap3A_1670 = arith.constant 107 : i32
      %swap3A_1671 = arith.index_cast %swap3A_1670 : i32 to index
      %swap3A_1672 = arith.constant 0 : index
      %swap3A_1673 = tpu.vector_load %arg11[%swap3A_1671, %swap3A_1672] {strides = array<i32>} : memref<128x16xf32, #tpu.memory_space<vmem>>, vector<1x16xf32>,
      %swap3A_1674 = vector.shape_cast %swap3A_1673 : vector<1x16xf32> to vector<16xf32>
      %swap3A_1675 = vector.shape_cast %mul3A_1669 : vector<16xf32> to vector<1x16xf32>
      tpu.vector_store %arg11[%swap3A_1671, %swap3A_1672], %swap3A_1675 {strides = array<i32>} : memref<128x16xf32, #tpu.memory_space<vmem>>, vector<1x16xf32>,
      %get3A_1676 = arith.constant 108 : i32
      %get3A_1677 = arith.index_cast %get3A_1676 : i32 to index
      %get3A_1678 = arith.constant 0 : index
      %get3A_1679 = tpu.vector_load %arg11[%get3A_1677, %get3A_1678] {strides = array<i32>} : memref<128x16xf32, #tpu.memory_space<vmem>>, vector<1x16xf32>,
      %get3A_1680 = vector.shape_cast %get3A_1679 : vector<1x16xf32> to vector<16xf32>
      %slice3A_1681 = vector.extract_strided_slice %get3A_1495 {offsets = [12], sizes = [1], strides = [1]} : vector<16xf32> to vector<1xf32>
      %squeeze3A_1682 = vector.extract %slice3A_1681[0] : f32 from vector<1xf32>
      %mul3A_1683 = vector.broadcast %squeeze3A_1682 : f32 to vector<16xf32>
      %mul3A_1684 = arith.mulf %get3A_1680, %mul3A_1683 : vector<16xf32>
      %swap3A_1685 = arith.constant 108 : i32
      %swap3A_1686 = arith.index_cast %swap3A_1685 : i32 to index
      %swap3A_1687 = arith.constant 0 : index
      %swap3A_1688 = tpu.vector_load %arg11[%swap3A_1686, %swap3A_1687] {strides = array<i32>} : memref<128x16xf32, #tpu.memory_space<vmem>>, vector<1x16xf32>,
      %swap3A_1689 = vector.shape_cast %swap3A_1688 : vector<1x16xf32> to vector<16xf32>
      %swap3A_1690 = vector.shape_cast %mul3A_1684 : vector<16xf32> to vector<1x16xf32>
      tpu.vector_store %arg11[%swap3A_1686, %swap3A_1687], %swap3A_1690 {strides = array<i32>} : memref<128x16xf32, #tpu.memory_space<vmem>>, vector<1x16xf32>,
      %get3A_1691 = arith.constant 109 : i32
      %get3A_1692 = arith.index_cast %get3A_1691 : i32 to index
      %get3A_1693 = arith.constant 0 : index
      %get3A_1694 = tpu.vector_load %arg11[%get3A_1692, %get3A_1693] {strides = array<i32>} : memref<128x16xf32, #tpu.memory_space<vmem>>, vector<1x16xf32>,
      %get3A_1695 = vector.shape_cast %get3A_1694 : vector<1x16xf32> to vector<16xf32>
      %slice3A_1696 = vector.extract_strided_slice %get3A_1495 {offsets = [13], sizes = [1], strides = [1]} : vector<16xf32> to vector<1xf32>
      %squeeze3A_1697 = vector.extract %slice3A_1696[0] : f32 from vector<1xf32>
      %mul3A_1698 = vector.broadcast %squeeze3A_1697 : f32 to vector<16xf32>
      %mul3A_1699 = arith.mulf %get3A_1695, %mul3A_1698 : vector<16xf32>
      %swap3A_1700 = arith.constant 109 : i32
      %swap3A_1701 = arith.index_cast %swap3A_1700 : i32 to index
      %swap3A_1702 = arith.constant 0 : index
      %swap3A_1703 = tpu.vector_load %arg11[%swap3A_1701, %swap3A_1702] {strides = array<i32>} : memref<128x16xf32, #tpu.memory_space<vmem>>, vector<1x16xf32>,
      %swap3A_1704 = vector.shape_cast %swap3A_1703 : vector<1x16xf32> to vector<16xf32>
      %swap3A_1705 = vector.shape_cast %mul3A_1699 : vector<16xf32> to vector<1x16xf32>
      tpu.vector_store %arg11[%swap3A_1701, %swap3A_1702], %swap3A_1705 {strides = array<i32>} : memref<128x16xf32, #tpu.memory_space<vmem>>, vector<1x16xf32>,
      %get3A_1706 = arith.constant 110 : i32
      %get3A_1707 = arith.index_cast %get3A_1706 : i32 to index
      %get3A_1708 = arith.constant 0 : index
      %get3A_1709 = tpu.vector_load %arg11[%get3A_1707, %get3A_1708] {strides = array<i32>} : memref<128x16xf32, #tpu.memory_space<vmem>>, vector<1x16xf32>,
      %get3A_1710 = vector.shape_cast %get3A_1709 : vector<1x16xf32> to vector<16xf32>
      %slice3A_1711 = vector.extract_strided_slice %get3A_1495 {offsets = [14], sizes = [1], strides = [1]} : vector<16xf32> to vector<1xf32>
      %squeeze3A_1712 = vector.extract %slice3A_1711[0] : f32 from vector<1xf32>
      %mul3A_1713 = vector.broadcast %squeeze3A_1712 : f32 to vector<16xf32>
      %mul3A_1714 = arith.mulf %get3A_1710, %mul3A_1713 : vector<16xf32>
      %swap3A_1715 = arith.constant 110 : i32
      %swap3A_1716 = arith.index_cast %swap3A_1715 : i32 to index
      %swap3A_1717 = arith.constant 0 : index
      %swap3A_1718 = tpu.vector_load %arg11[%swap3A_1716, %swap3A_1717] {strides = array<i32>} : memref<128x16xf32, #tpu.memory_space<vmem>>, vector<1x16xf32>,
      %swap3A_1719 = vector.shape_cast %swap3A_1718 : vector<1x16xf32> to vector<16xf32>
      %swap3A_1720 = vector.shape_cast %mul3A_1714 : vector<16xf32> to vector<1x16xf32>
      tpu.vector_store %arg11[%swap3A_1716, %swap3A_1717], %swap3A_1720 {strides = array<i32>} : memref<128x16xf32, #tpu.memory_space<vmem>>, vector<1x16xf32>,
      %get3A_1721 = arith.constant 111 : i32
      %get3A_1722 = arith.index_cast %get3A_1721 : i32 to index
      %get3A_1723 = arith.constant 0 : index
      %get3A_1724 = tpu.vector_load %arg11[%get3A_1722, %get3A_1723] {strides = array<i32>} : memref<128x16xf32, #tpu.memory_space<vmem>>, vector<1x16xf32>,
      %get3A_1725 = vector.shape_cast %get3A_1724 : vector<1x16xf32> to vector<16xf32>
      %slice3A_1726 = vector.extract_strided_slice %get3A_1495 {offsets = [15], sizes = [1], strides = [1]} : vector<16xf32> to vector<1xf32>
      %squeeze3A_1727 = vector.extract %slice3A_1726[0] : f32 from vector<1xf32>
      %mul3A_1728 = vector.broadcast %squeeze3A_1727 : f32 to vector<16xf32>
      %mul3A_1729 = arith.mulf %get3A_1725, %mul3A_1728 : vector<16xf32>
      %swap3A_1730 = arith.constant 111 : i32
      %swap3A_1731 = arith.index_cast %swap3A_1730 : i32 to index
      %swap3A_1732 = arith.constant 0 : index
      %swap3A_1733 = tpu.vector_load %arg11[%swap3A_1731, %swap3A_1732] {strides = array<i32>} : memref<128x16xf32, #tpu.memory_space<vmem>>, vector<1x16xf32>,
      %swap3A_1734 = vector.shape_cast %swap3A_1733 : vector<1x16xf32> to vector<16xf32>
      %swap3A_1735 = vector.shape_cast %mul3A_1729 : vector<16xf32> to vector<1x16xf32>
      tpu.vector_store %arg11[%swap3A_1731, %swap3A_1732], %swap3A_1735 {strides = array<i32>} : memref<128x16xf32, #tpu.memory_space<vmem>>, vector<1x16xf32>,
      %get3A_1736 = arith.index_cast %scan3A_21 : i32 to index
      %get3A_1737 = arith.constant 112 : index
      %get3A_1738 = tpu.vector_load %arg10[%get3A_1736, %get3A_1737] {strides = array<i32>} : memref<160x128xf32, #tpu.memory_space<vmem>>, vector<1x16xf32>,
      %get3A_1739 = vector.shape_cast %get3A_1738 : vector<1x16xf32> to vector<16xf32>
      %get3A_1740 = arith.constant 112 : i32
      %get3A_1741 = arith.index_cast %get3A_1740 : i32 to index
      %get3A_1742 = arith.constant 0 : index
      %get3A_1743 = tpu.vector_load %arg11[%get3A_1741, %get3A_1742] {strides = array<i32>} : memref<128x16xf32, #tpu.memory_space<vmem>>, vector<1x16xf32>,
      %get3A_1744 = vector.shape_cast %get3A_1743 : vector<1x16xf32> to vector<16xf32>
      %slice3A_1745 = vector.extract_strided_slice %get3A_1739 {offsets = [0], sizes = [1], strides = [1]} : vector<16xf32> to vector<1xf32>
      %squeeze3A_1746 = vector.extract %slice3A_1745[0] : f32 from vector<1xf32>
      %mul3A_1747 = vector.broadcast %squeeze3A_1746 : f32 to vector<16xf32>
      %mul3A_1748 = arith.mulf %get3A_1744, %mul3A_1747 : vector<16xf32>
      %swap3A_1749 = arith.constant 112 : i32
      %swap3A_1750 = arith.index_cast %swap3A_1749 : i32 to index
      %swap3A_1751 = arith.constant 0 : index
      %swap3A_1752 = tpu.vector_load %arg11[%swap3A_1750, %swap3A_1751] {strides = array<i32>} : memref<128x16xf32, #tpu.memory_space<vmem>>, vector<1x16xf32>,
      %swap3A_1753 = vector.shape_cast %swap3A_1752 : vector<1x16xf32> to vector<16xf32>
      %swap3A_1754 = vector.shape_cast %mul3A_1748 : vector<16xf32> to vector<1x16xf32>
      tpu.vector_store %arg11[%swap3A_1750, %swap3A_1751], %swap3A_1754 {strides = array<i32>} : memref<128x16xf32, #tpu.memory_space<vmem>>, vector<1x16xf32>,
      %get3A_1755 = arith.constant 113 : i32
      %get3A_1756 = arith.index_cast %get3A_1755 : i32 to index
      %get3A_1757 = arith.constant 0 : index
      %get3A_1758 = tpu.vector_load %arg11[%get3A_1756, %get3A_1757] {strides = array<i32>} : memref<128x16xf32, #tpu.memory_space<vmem>>, vector<1x16xf32>,
      %get3A_1759 = vector.shape_cast %get3A_1758 : vector<1x16xf32> to vector<16xf32>
      %slice3A_1760 = vector.extract_strided_slice %get3A_1739 {offsets = [1], sizes = [1], strides = [1]} : vector<16xf32> to vector<1xf32>
      %squeeze3A_1761 = vector.extract %slice3A_1760[0] : f32 from vector<1xf32>
      %mul3A_1762 = vector.broadcast %squeeze3A_1761 : f32 to vector<16xf32>
      %mul3A_1763 = arith.mulf %get3A_1759, %mul3A_1762 : vector<16xf32>
      %swap3A_1764 = arith.constant 113 : i32
      %swap3A_1765 = arith.index_cast %swap3A_1764 : i32 to index
      %swap3A_1766 = arith.constant 0 : index
      %swap3A_1767 = tpu.vector_load %arg11[%swap3A_1765, %swap3A_1766] {strides = array<i32>} : memref<128x16xf32, #tpu.memory_space<vmem>>, vector<1x16xf32>,
      %swap3A_1768 = vector.shape_cast %swap3A_1767 : vector<1x16xf32> to vector<16xf32>
      %swap3A_1769 = vector.shape_cast %mul3A_1763 : vector<16xf32> to vector<1x16xf32>
      tpu.vector_store %arg11[%swap3A_1765, %swap3A_1766], %swap3A_1769 {strides = array<i32>} : memref<128x16xf32, #tpu.memory_space<vmem>>, vector<1x16xf32>,
      %get3A_1770 = arith.constant 114 : i32
      %get3A_1771 = arith.index_cast %get3A_1770 : i32 to index
      %get3A_1772 = arith.constant 0 : index
      %get3A_1773 = tpu.vector_load %arg11[%get3A_1771, %get3A_1772] {strides = array<i32>} : memref<128x16xf32, #tpu.memory_space<vmem>>, vector<1x16xf32>,
      %get3A_1774 = vector.shape_cast %get3A_1773 : vector<1x16xf32> to vector<16xf32>
      %slice3A_1775 = vector.extract_strided_slice %get3A_1739 {offsets = [2], sizes = [1], strides = [1]} : vector<16xf32> to vector<1xf32>
      %squeeze3A_1776 = vector.extract %slice3A_1775[0] : f32 from vector<1xf32>
      %mul3A_1777 = vector.broadcast %squeeze3A_1776 : f32 to vector<16xf32>
      %mul3A_1778 = arith.mulf %get3A_1774, %mul3A_1777 : vector<16xf32>
      %swap3A_1779 = arith.constant 114 : i32
      %swap3A_1780 = arith.index_cast %swap3A_1779 : i32 to index
      %swap3A_1781 = arith.constant 0 : index
      %swap3A_1782 = tpu.vector_load %arg11[%swap3A_1780, %swap3A_1781] {strides = array<i32>} : memref<128x16xf32, #tpu.memory_space<vmem>>, vector<1x16xf32>,
      %swap3A_1783 = vector.shape_cast %swap3A_1782 : vector<1x16xf32> to vector<16xf32>
      %swap3A_1784 = vector.shape_cast %mul3A_1778 : vector<16xf32> to vector<1x16xf32>
      tpu.vector_store %arg11[%swap3A_1780, %swap3A_1781], %swap3A_1784 {strides = array<i32>} : memref<128x16xf32, #tpu.memory_space<vmem>>, vector<1x16xf32>,
      %get3A_1785 = arith.constant 115 : i32
      %get3A_1786 = arith.index_cast %get3A_1785 : i32 to index
      %get3A_1787 = arith.constant 0 : index
      %get3A_1788 = tpu.vector_load %arg11[%get3A_1786, %get3A_1787] {strides = array<i32>} : memref<128x16xf32, #tpu.memory_space<vmem>>, vector<1x16xf32>,
      %get3A_1789 = vector.shape_cast %get3A_1788 : vector<1x16xf32> to vector<16xf32>
      %slice3A_1790 = vector.extract_strided_slice %get3A_1739 {offsets = [3], sizes = [1], strides = [1]} : vector<16xf32> to vector<1xf32>
      %squeeze3A_1791 = vector.extract %slice3A_1790[0] : f32 from vector<1xf32>
      %mul3A_1792 = vector.broadcast %squeeze3A_1791 : f32 to vector<16xf32>
      %mul3A_1793 = arith.mulf %get3A_1789, %mul3A_1792 : vector<16xf32>
      %swap3A_1794 = arith.constant 115 : i32
      %swap3A_1795 = arith.index_cast %swap3A_1794 : i32 to index
      %swap3A_1796 = arith.constant 0 : index
      %swap3A_1797 = tpu.vector_load %arg11[%swap3A_1795, %swap3A_1796] {strides = array<i32>} : memref<128x16xf32, #tpu.memory_space<vmem>>, vector<1x16xf32>,
      %swap3A_1798 = vector.shape_cast %swap3A_1797 : vector<1x16xf32> to vector<16xf32>
      %swap3A_1799 = vector.shape_cast %mul3A_1793 : vector<16xf32> to vector<1x16xf32>
      tpu.vector_store %arg11[%swap3A_1795, %swap3A_1796], %swap3A_1799 {strides = array<i32>} : memref<128x16xf32, #tpu.memory_space<vmem>>, vector<1x16xf32>,
      %get3A_1800 = arith.constant 116 : i32
      %get3A_1801 = arith.index_cast %get3A_1800 : i32 to index
      %get3A_1802 = arith.constant 0 : index
      %get3A_1803 = tpu.vector_load %arg11[%get3A_1801, %get3A_1802] {strides = array<i32>} : memref<128x16xf32, #tpu.memory_space<vmem>>, vector<1x16xf32>,
      %get3A_1804 = vector.shape_cast %get3A_1803 : vector<1x16xf32> to vector<16xf32>
      %slice3A_1805 = vector.extract_strided_slice %get3A_1739 {offsets = [4], sizes = [1], strides = [1]} : vector<16xf32> to vector<1xf32>
      %squeeze3A_1806 = vector.extract %slice3A_1805[0] : f32 from vector<1xf32>
      %mul3A_1807 = vector.broadcast %squeeze3A_1806 : f32 to vector<16xf32>
      %mul3A_1808 = arith.mulf %get3A_1804, %mul3A_1807 : vector<16xf32>
      %swap3A_1809 = arith.constant 116 : i32
      %swap3A_1810 = arith.index_cast %swap3A_1809 : i32 to index
      %swap3A_1811 = arith.constant 0 : index
      %swap3A_1812 = tpu.vector_load %arg11[%swap3A_1810, %swap3A_1811] {strides = array<i32>} : memref<128x16xf32, #tpu.memory_space<vmem>>, vector<1x16xf32>,
      %swap3A_1813 = vector.shape_cast %swap3A_1812 : vector<1x16xf32> to vector<16xf32>
      %swap3A_1814 = vector.shape_cast %mul3A_1808 : vector<16xf32> to vector<1x16xf32>
      tpu.vector_store %arg11[%swap3A_1810, %swap3A_1811], %swap3A_1814 {strides = array<i32>} : memref<128x16xf32, #tpu.memory_space<vmem>>, vector<1x16xf32>,
      %get3A_1815 = arith.constant 117 : i32
      %get3A_1816 = arith.index_cast %get3A_1815 : i32 to index
      %get3A_1817 = arith.constant 0 : index
      %get3A_1818 = tpu.vector_load %arg11[%get3A_1816, %get3A_1817] {strides = array<i32>} : memref<128x16xf32, #tpu.memory_space<vmem>>, vector<1x16xf32>,
      %get3A_1819 = vector.shape_cast %get3A_1818 : vector<1x16xf32> to vector<16xf32>
      %slice3A_1820 = vector.extract_strided_slice %get3A_1739 {offsets = [5], sizes = [1], strides = [1]} : vector<16xf32> to vector<1xf32>
      %squeeze3A_1821 = vector.extract %slice3A_1820[0] : f32 from vector<1xf32>
      %mul3A_1822 = vector.broadcast %squeeze3A_1821 : f32 to vector<16xf32>
      %mul3A_1823 = arith.mulf %get3A_1819, %mul3A_1822 : vector<16xf32>
      %swap3A_1824 = arith.constant 117 : i32
      %swap3A_1825 = arith.index_cast %swap3A_1824 : i32 to index
      %swap3A_1826 = arith.constant 0 : index
      %swap3A_1827 = tpu.vector_load %arg11[%swap3A_1825, %swap3A_1826] {strides = array<i32>} : memref<128x16xf32, #tpu.memory_space<vmem>>, vector<1x16xf32>,
      %swap3A_1828 = vector.shape_cast %swap3A_1827 : vector<1x16xf32> to vector<16xf32>
      %swap3A_1829 = vector.shape_cast %mul3A_1823 : vector<16xf32> to vector<1x16xf32>
      tpu.vector_store %arg11[%swap3A_1825, %swap3A_1826], %swap3A_1829 {strides = array<i32>} : memref<128x16xf32, #tpu.memory_space<vmem>>, vector<1x16xf32>,
      %get3A_1830 = arith.constant 118 : i32
      %get3A_1831 = arith.index_cast %get3A_1830 : i32 to index
      %get3A_1832 = arith.constant 0 : index
      %get3A_1833 = tpu.vector_load %arg11[%get3A_1831, %get3A_1832] {strides = array<i32>} : memref<128x16xf32, #tpu.memory_space<vmem>>, vector<1x16xf32>,
      %get3A_1834 = vector.shape_cast %get3A_1833 : vector<1x16xf32> to vector<16xf32>
      %slice3A_1835 = vector.extract_strided_slice %get3A_1739 {offsets = [6], sizes = [1], strides = [1]} : vector<16xf32> to vector<1xf32>
      %squeeze3A_1836 = vector.extract %slice3A_1835[0] : f32 from vector<1xf32>
      %mul3A_1837 = vector.broadcast %squeeze3A_1836 : f32 to vector<16xf32>
      %mul3A_1838 = arith.mulf %get3A_1834, %mul3A_1837 : vector<16xf32>
      %swap3A_1839 = arith.constant 118 : i32
      %swap3A_1840 = arith.index_cast %swap3A_1839 : i32 to index
      %swap3A_1841 = arith.constant 0 : index
      %swap3A_1842 = tpu.vector_load %arg11[%swap3A_1840, %swap3A_1841] {strides = array<i32>} : memref<128x16xf32, #tpu.memory_space<vmem>>, vector<1x16xf32>,
      %swap3A_1843 = vector.shape_cast %swap3A_1842 : vector<1x16xf32> to vector<16xf32>
      %swap3A_1844 = vector.shape_cast %mul3A_1838 : vector<16xf32> to vector<1x16xf32>
      tpu.vector_store %arg11[%swap3A_1840, %swap3A_1841], %swap3A_1844 {strides = array<i32>} : memref<128x16xf32, #tpu.memory_space<vmem>>, vector<1x16xf32>,
      %get3A_1845 = arith.constant 119 : i32
      %get3A_1846 = arith.index_cast %get3A_1845 : i32 to index
      %get3A_1847 = arith.constant 0 : index
      %get3A_1848 = tpu.vector_load %arg11[%get3A_1846, %get3A_1847] {strides = array<i32>} : memref<128x16xf32, #tpu.memory_space<vmem>>, vector<1x16xf32>,
      %get3A_1849 = vector.shape_cast %get3A_1848 : vector<1x16xf32> to vector<16xf32>
      %slice3A_1850 = vector.extract_strided_slice %get3A_1739 {offsets = [7], sizes = [1], strides = [1]} : vector<16xf32> to vector<1xf32>
      %squeeze3A_1851 = vector.extract %slice3A_1850[0] : f32 from vector<1xf32>
      %mul3A_1852 = vector.broadcast %squeeze3A_1851 : f32 to vector<16xf32>
      %mul3A_1853 = arith.mulf %get3A_1849, %mul3A_1852 : vector<16xf32>
      %swap3A_1854 = arith.constant 119 : i32
      %swap3A_1855 = arith.index_cast %swap3A_1854 : i32 to index
      %swap3A_1856 = arith.constant 0 : index
      %swap3A_1857 = tpu.vector_load %arg11[%swap3A_1855, %swap3A_1856] {strides = array<i32>} : memref<128x16xf32, #tpu.memory_space<vmem>>, vector<1x16xf32>,
      %swap3A_1858 = vector.shape_cast %swap3A_1857 : vector<1x16xf32> to vector<16xf32>
      %swap3A_1859 = vector.shape_cast %mul3A_1853 : vector<16xf32> to vector<1x16xf32>
      tpu.vector_store %arg11[%swap3A_1855, %swap3A_1856], %swap3A_1859 {strides = array<i32>} : memref<128x16xf32, #tpu.memory_space<vmem>>, vector<1x16xf32>,
      %get3A_1860 = arith.constant 120 : i32
      %get3A_1861 = arith.index_cast %get3A_1860 : i32 to index
      %get3A_1862 = arith.constant 0 : index
      %get3A_1863 = tpu.vector_load %arg11[%get3A_1861, %get3A_1862] {strides = array<i32>} : memref<128x16xf32, #tpu.memory_space<vmem>>, vector<1x16xf32>,
      %get3A_1864 = vector.shape_cast %get3A_1863 : vector<1x16xf32> to vector<16xf32>
      %slice3A_1865 = vector.extract_strided_slice %get3A_1739 {offsets = [8], sizes = [1], strides = [1]} : vector<16xf32> to vector<1xf32>
      %squeeze3A_1866 = vector.extract %slice3A_1865[0] : f32 from vector<1xf32>
      %mul3A_1867 = vector.broadcast %squeeze3A_1866 : f32 to vector<16xf32>
      %mul3A_1868 = arith.mulf %get3A_1864, %mul3A_1867 : vector<16xf32>
      %swap3A_1869 = arith.constant 120 : i32
      %swap3A_1870 = arith.index_cast %swap3A_1869 : i32 to index
      %swap3A_1871 = arith.constant 0 : index
      %swap3A_1872 = tpu.vector_load %arg11[%swap3A_1870, %swap3A_1871] {strides = array<i32>} : memref<128x16xf32, #tpu.memory_space<vmem>>, vector<1x16xf32>,
      %swap3A_1873 = vector.shape_cast %swap3A_1872 : vector<1x16xf32> to vector<16xf32>
      %swap3A_1874 = vector.shape_cast %mul3A_1868 : vector<16xf32> to vector<1x16xf32>
      tpu.vector_store %arg11[%swap3A_1870, %swap3A_1871], %swap3A_1874 {strides = array<i32>} : memref<128x16xf32, #tpu.memory_space<vmem>>, vector<1x16xf32>,
      %get3A_1875 = arith.constant 121 : i32
      %get3A_1876 = arith.index_cast %get3A_1875 : i32 to index
      %get3A_1877 = arith.constant 0 : index
      %get3A_1878 = tpu.vector_load %arg11[%get3A_1876, %get3A_1877] {strides = array<i32>} : memref<128x16xf32, #tpu.memory_space<vmem>>, vector<1x16xf32>,
      %get3A_1879 = vector.shape_cast %get3A_1878 : vector<1x16xf32> to vector<16xf32>
      %slice3A_1880 = vector.extract_strided_slice %get3A_1739 {offsets = [9], sizes = [1], strides = [1]} : vector<16xf32> to vector<1xf32>
      %squeeze3A_1881 = vector.extract %slice3A_1880[0] : f32 from vector<1xf32>
      %mul3A_1882 = vector.broadcast %squeeze3A_1881 : f32 to vector<16xf32>
      %mul3A_1883 = arith.mulf %get3A_1879, %mul3A_1882 : vector<16xf32>
      %swap3A_1884 = arith.constant 121 : i32
      %swap3A_1885 = arith.index_cast %swap3A_1884 : i32 to index
      %swap3A_1886 = arith.constant 0 : index
      %swap3A_1887 = tpu.vector_load %arg11[%swap3A_1885, %swap3A_1886] {strides = array<i32>} : memref<128x16xf32, #tpu.memory_space<vmem>>, vector<1x16xf32>,
      %swap3A_1888 = vector.shape_cast %swap3A_1887 : vector<1x16xf32> to vector<16xf32>
      %swap3A_1889 = vector.shape_cast %mul3A_1883 : vector<16xf32> to vector<1x16xf32>
      tpu.vector_store %arg11[%swap3A_1885, %swap3A_1886], %swap3A_1889 {strides = array<i32>} : memref<128x16xf32, #tpu.memory_space<vmem>>, vector<1x16xf32>,
      %get3A_1890 = arith.constant 122 : i32
      %get3A_1891 = arith.index_cast %get3A_1890 : i32 to index
      %get3A_1892 = arith.constant 0 : index
      %get3A_1893 = tpu.vector_load %arg11[%get3A_1891, %get3A_1892] {strides = array<i32>} : memref<128x16xf32, #tpu.memory_space<vmem>>, vector<1x16xf32>,
      %get3A_1894 = vector.shape_cast %get3A_1893 : vector<1x16xf32> to vector<16xf32>
      %slice3A_1895 = vector.extract_strided_slice %get3A_1739 {offsets = [10], sizes = [1], strides = [1]} : vector<16xf32> to vector<1xf32>
      %squeeze3A_1896 = vector.extract %slice3A_1895[0] : f32 from vector<1xf32>
      %mul3A_1897 = vector.broadcast %squeeze3A_1896 : f32 to vector<16xf32>
      %mul3A_1898 = arith.mulf %get3A_1894, %mul3A_1897 : vector<16xf32>
      %swap3A_1899 = arith.constant 122 : i32
      %swap3A_1900 = arith.index_cast %swap3A_1899 : i32 to index
      %swap3A_1901 = arith.constant 0 : index
      %swap3A_1902 = tpu.vector_load %arg11[%swap3A_1900, %swap3A_1901] {strides = array<i32>} : memref<128x16xf32, #tpu.memory_space<vmem>>, vector<1x16xf32>,
      %swap3A_1903 = vector.shape_cast %swap3A_1902 : vector<1x16xf32> to vector<16xf32>
      %swap3A_1904 = vector.shape_cast %mul3A_1898 : vector<16xf32> to vector<1x16xf32>
      tpu.vector_store %arg11[%swap3A_1900, %swap3A_1901], %swap3A_1904 {strides = array<i32>} : memref<128x16xf32, #tpu.memory_space<vmem>>, vector<1x16xf32>,
      %get3A_1905 = arith.constant 123 : i32
      %get3A_1906 = arith.index_cast %get3A_1905 : i32 to index
      %get3A_1907 = arith.constant 0 : index
      %get3A_1908 = tpu.vector_load %arg11[%get3A_1906, %get3A_1907] {strides = array<i32>} : memref<128x16xf32, #tpu.memory_space<vmem>>, vector<1x16xf32>,
      %get3A_1909 = vector.shape_cast %get3A_1908 : vector<1x16xf32> to vector<16xf32>
      %slice3A_1910 = vector.extract_strided_slice %get3A_1739 {offsets = [11], sizes = [1], strides = [1]} : vector<16xf32> to vector<1xf32>
      %squeeze3A_1911 = vector.extract %slice3A_1910[0] : f32 from vector<1xf32>
      %mul3A_1912 = vector.broadcast %squeeze3A_1911 : f32 to vector<16xf32>
      %mul3A_1913 = arith.mulf %get3A_1909, %mul3A_1912 : vector<16xf32>
      %swap3A_1914 = arith.constant 123 : i32
      %swap3A_1915 = arith.index_cast %swap3A_1914 : i32 to index
      %swap3A_1916 = arith.constant 0 : index
      %swap3A_1917 = tpu.vector_load %arg11[%swap3A_1915, %swap3A_1916] {strides = array<i32>} : memref<128x16xf32, #tpu.memory_space<vmem>>, vector<1x16xf32>,
      %swap3A_1918 = vector.shape_cast %swap3A_1917 : vector<1x16xf32> to vector<16xf32>
      %swap3A_1919 = vector.shape_cast %mul3A_1913 : vector<16xf32> to vector<1x16xf32>
      tpu.vector_store %arg11[%swap3A_1915, %swap3A_1916], %swap3A_1919 {strides = array<i32>} : memref<128x16xf32, #tpu.memory_space<vmem>>, vector<1x16xf32>,
      %get3A_1920 = arith.constant 124 : i32
      %get3A_1921 = arith.index_cast %get3A_1920 : i32 to index
      %get3A_1922 = arith.constant 0 : index
      %get3A_1923 = tpu.vector_load %arg11[%get3A_1921, %get3A_1922] {strides = array<i32>} : memref<128x16xf32, #tpu.memory_space<vmem>>, vector<1x16xf32>,
      %get3A_1924 = vector.shape_cast %get3A_1923 : vector<1x16xf32> to vector<16xf32>
      %slice3A_1925 = vector.extract_strided_slice %get3A_1739 {offsets = [12], sizes = [1], strides = [1]} : vector<16xf32> to vector<1xf32>
      %squeeze3A_1926 = vector.extract %slice3A_1925[0] : f32 from vector<1xf32>
      %mul3A_1927 = vector.broadcast %squeeze3A_1926 : f32 to vector<16xf32>
      %mul3A_1928 = arith.mulf %get3A_1924, %mul3A_1927 : vector<16xf32>
      %swap3A_1929 = arith.constant 124 : i32
      %swap3A_1930 = arith.index_cast %swap3A_1929 : i32 to index
      %swap3A_1931 = arith.constant 0 : index
      %swap3A_1932 = tpu.vector_load %arg11[%swap3A_1930, %swap3A_1931] {strides = array<i32>} : memref<128x16xf32, #tpu.memory_space<vmem>>, vector<1x16xf32>,
      %swap3A_1933 = vector.shape_cast %swap3A_1932 : vector<1x16xf32> to vector<16xf32>
      %swap3A_1934 = vector.shape_cast %mul3A_1928 : vector<16xf32> to vector<1x16xf32>
      tpu.vector_store %arg11[%swap3A_1930, %swap3A_1931], %swap3A_1934 {strides = array<i32>} : memref<128x16xf32, #tpu.memory_space<vmem>>, vector<1x16xf32>,
      %get3A_1935 = arith.constant 125 : i32
      %get3A_1936 = arith.index_cast %get3A_1935 : i32 to index
      %get3A_1937 = arith.constant 0 : index
      %get3A_1938 = tpu.vector_load %arg11[%get3A_1936, %get3A_1937] {strides = array<i32>} : memref<128x16xf32, #tpu.memory_space<vmem>>, vector<1x16xf32>,
      %get3A_1939 = vector.shape_cast %get3A_1938 : vector<1x16xf32> to vector<16xf32>
      %slice3A_1940 = vector.extract_strided_slice %get3A_1739 {offsets = [13], sizes = [1], strides = [1]} : vector<16xf32> to vector<1xf32>
      %squeeze3A_1941 = vector.extract %slice3A_1940[0] : f32 from vector<1xf32>
      %mul3A_1942 = vector.broadcast %squeeze3A_1941 : f32 to vector<16xf32>
      %mul3A_1943 = arith.mulf %get3A_1939, %mul3A_1942 : vector<16xf32>
      %swap3A_1944 = arith.constant 125 : i32
      %swap3A_1945 = arith.index_cast %swap3A_1944 : i32 to index
      %swap3A_1946 = arith.constant 0 : index
      %swap3A_1947 = tpu.vector_load %arg11[%swap3A_1945, %swap3A_1946] {strides = array<i32>} : memref<128x16xf32, #tpu.memory_space<vmem>>, vector<1x16xf32>,
      %swap3A_1948 = vector.shape_cast %swap3A_1947 : vector<1x16xf32> to vector<16xf32>
      %swap3A_1949 = vector.shape_cast %mul3A_1943 : vector<16xf32> to vector<1x16xf32>
      tpu.vector_store %arg11[%swap3A_1945, %swap3A_1946], %swap3A_1949 {strides = array<i32>} : memref<128x16xf32, #tpu.memory_space<vmem>>, vector<1x16xf32>,
      %get3A_1950 = arith.constant 126 : i32
      %get3A_1951 = arith.index_cast %get3A_1950 : i32 to index
      %get3A_1952 = arith.constant 0 : index
      %get3A_1953 = tpu.vector_load %arg11[%get3A_1951, %get3A_1952] {strides = array<i32>} : memref<128x16xf32, #tpu.memory_space<vmem>>, vector<1x16xf32>,
      %get3A_1954 = vector.shape_cast %get3A_1953 : vector<1x16xf32> to vector<16xf32>
      %slice3A_1955 = vector.extract_strided_slice %get3A_1739 {offsets = [14], sizes = [1], strides = [1]} : vector<16xf32> to vector<1xf32>
      %squeeze3A_1956 = vector.extract %slice3A_1955[0] : f32 from vector<1xf32>
      %mul3A_1957 = vector.broadcast %squeeze3A_1956 : f32 to vector<16xf32>
      %mul3A_1958 = arith.mulf %get3A_1954, %mul3A_1957 : vector<16xf32>
      %swap3A_1959 = arith.constant 126 : i32
      %swap3A_1960 = arith.index_cast %swap3A_1959 : i32 to index
      %swap3A_1961 = arith.constant 0 : index
      %swap3A_1962 = tpu.vector_load %arg11[%swap3A_1960, %swap3A_1961] {strides = array<i32>} : memref<128x16xf32, #tpu.memory_space<vmem>>, vector<1x16xf32>,
      %swap3A_1963 = vector.shape_cast %swap3A_1962 : vector<1x16xf32> to vector<16xf32>
      %swap3A_1964 = vector.shape_cast %mul3A_1958 : vector<16xf32> to vector<1x16xf32>
      tpu.vector_store %arg11[%swap3A_1960, %swap3A_1961], %swap3A_1964 {strides = array<i32>} : memref<128x16xf32, #tpu.memory_space<vmem>>, vector<1x16xf32>,
      %get3A_1965 = arith.constant 127 : i32
      %get3A_1966 = arith.index_cast %get3A_1965 : i32 to index
      %get3A_1967 = arith.constant 0 : index
      %get3A_1968 = tpu.vector_load %arg11[%get3A_1966, %get3A_1967] {strides = array<i32>} : memref<128x16xf32, #tpu.memory_space<vmem>>, vector<1x16xf32>,
      %get3A_1969 = vector.shape_cast %get3A_1968 : vector<1x16xf32> to vector<16xf32>
      %slice3A_1970 = vector.extract_strided_slice %get3A_1739 {offsets = [15], sizes = [1], strides = [1]} : vector<16xf32> to vector<1xf32>
      %squeeze3A_1971 = vector.extract %slice3A_1970[0] : f32 from vector<1xf32>
      %mul3A_1972 = vector.broadcast %squeeze3A_1971 : f32 to vector<16xf32>
      %mul3A_1973 = arith.mulf %get3A_1969, %mul3A_1972 : vector<16xf32>
      %swap3A_1974 = arith.constant 127 : i32
      %swap3A_1975 = arith.index_cast %swap3A_1974 : i32 to index
      %swap3A_1976 = arith.constant 0 : index
      %swap3A_1977 = tpu.vector_load %arg11[%swap3A_1975, %swap3A_1976] {strides = array<i32>} : memref<128x16xf32, #tpu.memory_space<vmem>>, vector<1x16xf32>,
      %swap3A_1978 = vector.shape_cast %swap3A_1977 : vector<1x16xf32> to vector<16xf32>
      %swap3A_1979 = vector.shape_cast %mul3A_1973 : vector<16xf32> to vector<1x16xf32>
      tpu.vector_store %arg11[%swap3A_1975, %swap3A_1976], %swap3A_1979 {strides = array<i32>} : memref<128x16xf32, #tpu.memory_space<vmem>>, vector<1x16xf32>,
      "tpu.region"() ({
        %run_scoped3A = tpu.sem_alloc : memref<!tpu.dma_semaphore, #tpu.memory_space<semaphore_mem>>
        %dma_start3A_1980 = arith.constant 0 : i32
        %dma_start3A_1981 = tpu.memref_slice %arg9[%scan3A_21, %dma_start3A_1980] : memref<160x128xi32, #tpu.memory_space<vmem>> -> memref<1x128xi32, #tpu.memory_space<vmem>>
        %dma_start3A_1982 = tpu.memref_squeeze %dma_start3A_1981 : memref<1x128xi32, #tpu.memory_space<vmem>> -> memref<128xi32, #tpu.memory_space<vmem>>
        %dma_start3A_1983 = arith.constant 0 : i32
        %dma_start3A_1984 = arith.constant 0 : i32
        %dma_start3A_1985 = tpu.memref_slice %arg13[%dma_start3A_1983, %dma_start3A_1984] : memref<10112x16xf32, #tpu.memory_space<vmem_shared>> -> memref<10112x16xf32, #tpu.memory_space<vmem_shared>>
        tpu.enqueue_indirect_dma source(%arg11 : memref<128x16xf32, #tpu.memory_space<vmem>>) target(%dma_start3A_1985 : memref<10112x16xf32, #tpu.memory_space<vmem_shared>>) offsets(%dma_start3A_1982 : memref<128xi32, #tpu.memory_space<vmem>>) semaphore(%run_scoped3A : memref<!tpu.dma_semaphore, #tpu.memory_space<semaphore_mem>>) {add = true}
        %dma_wait3A_1986 = arith.constant 0 : i32
        %dma_wait3A_1987 = tpu.memref_slice %arg9[%scan3A_21, %dma_wait3A_1986] : memref<160x128xi32, #tpu.memory_space<vmem>> -> memref<1x128xi32, #tpu.memory_space<vmem>>
        %dma_wait3A_1988 = tpu.memref_squeeze %dma_wait3A_1987 : memref<1x128xi32, #tpu.memory_space<vmem>> -> memref<128xi32, #tpu.memory_space<vmem>>
        %dma_wait3A_1989 = arith.constant 0 : i32
        %dma_wait3A_1990 = arith.constant 0 : i32
        %dma_wait3A_1991 = tpu.memref_slice %arg13[%dma_wait3A_1989, %dma_wait3A_1990] : memref<10112x16xf32, #tpu.memory_space<vmem_shared>> -> memref<10112x16xf32, #tpu.memory_space<vmem_shared>>
        tpu.wait_indirect_dma semaphore(%run_scoped3A : memref<!tpu.dma_semaphore, #tpu.memory_space<semaphore_mem>>) src(%arg11 : memref<128x16xf32, #tpu.memory_space<vmem>>) dst(%dma_wait3A_1991 : memref<10112x16xf32, #tpu.memory_space<vmem_shared>>)
        tpu.yield
      }) : () -> ()
    }
    %scan3A_15 = arith.constant 160 : i32
    %barrier3A_16 = arith.constant 0 : index
    tpu.barrier barrier_id(%barrier3A_16)
    %mul3A_17 = arith.constant 632 : i32
    %mul3A_18 = arith.muli %arg1, %mul3A_17 : i32
    %mul3A_19 = arith.constant 632 : i32
    %mul3A_20 = arith.muli %arg1, %mul3A_19 : i32
    "tpu.region"() ({
      %run_scoped3A = tpu.sem_alloc : memref<!tpu.dma_semaphore, #tpu.memory_space<semaphore_mem>>
      %dma_start3A = arith.constant 0 : i32
      %dma_start3A_21 = tpu.memref_slice %arg7[%arg0, %mul3A_20, %dma_start3A] : memref<2x10112x16xf32, #tpu.memory_space<hbm>> -> memref<1x632x16xf32, #tpu.memory_space<hbm>>
      %dma_start3A_22 = tpu.memref_squeeze %dma_start3A_21 : memref<1x632x16xf32, #tpu.memory_space<hbm>> -> memref<632x16xf32, #tpu.memory_space<hbm>>
      %dma_start3A_23 = arith.constant 0 : i32
      %dma_start3A_24 = tpu.memref_slice %arg13[%mul3A_18, %dma_start3A_23] : memref<10112x16xf32, #tpu.memory_space<vmem_shared>> -> memref<632x16xf32, #tpu.memory_space<vmem_shared>>
      tpu.enqueue_dma source(%dma_start3A_24 : memref<632x16xf32, #tpu.memory_space<vmem_shared>>) target(%dma_start3A_22 : memref<632x16xf32, #tpu.memory_space<hbm>>) target_semaphore(%run_scoped3A : memref<!tpu.dma_semaphore, #tpu.memory_space<semaphore_mem>>)
      %dma_wait3A = arith.constant 0 : i32
      %dma_wait3A_25 = tpu.memref_slice %arg7[%arg0, %mul3A_20, %dma_wait3A] : memref<2x10112x16xf32, #tpu.memory_space<hbm>> -> memref<1x632x16xf32, #tpu.memory_space<hbm>>
      %dma_wait3A_26 = tpu.memref_squeeze %dma_wait3A_25 : memref<1x632x16xf32, #tpu.memory_space<hbm>> -> memref<632x16xf32, #tpu.memory_space<hbm>>
      %dma_wait3A_27 = arith.constant 0 : i32
      %dma_wait3A_28 = tpu.memref_slice %arg13[%mul3A_18, %dma_wait3A_27] : memref<10112x16xf32, #tpu.memory_space<vmem_shared>> -> memref<632x16xf32, #tpu.memory_space<vmem_shared>>
      tpu.wait_dma2 semaphore(%run_scoped3A : memref<!tpu.dma_semaphore, #tpu.memory_space<semaphore_mem>>) src(%dma_wait3A_28 : memref<632x16xf32, #tpu.memory_space<vmem_shared>>) dst(%dma_wait3A_26 : memref<632x16xf32, #tpu.memory_space<hbm>>)
      tpu.yield
    }) : () -> ()
    return
  }
}

module attributes {stable_mosaic.version = 14 : i64} {
  func.func @_tc_node_body(%arg0: memref<2x10112x8xf32, #tpu.memory_space<vmem>>, %arg1: memref<10112x8xf32, #tpu.memory_space<vmem>>, %arg2: memref<5x16xf32, #tpu.memory_space<vmem>>, %arg3: memref<5x16xf32, #tpu.memory_space<vmem>>, %arg4: memref<1x16xf32, #tpu.memory_space<vmem>>, %arg5: memref<5x32xf32, #tpu.memory_space<vmem>>, %arg6: memref<5x32xf32, #tpu.memory_space<vmem>>, %arg7: memref<1x32xf32, #tpu.memory_space<vmem>>, %arg8: memref<10112x16xf32, #tpu.memory_space<vmem>>, %arg9: memref<10112x32xf32, #tpu.memory_space<vmem>>) attributes {dimension_semantics = [], scalar_prefetch = 0 : i64, scratch_operands = 0 : i64, tpu.core_type = #tpu.core_type<tc>} {
    %get3A = arith.constant 0 : index
    %get3A_0 = arith.constant 0 : index
    %get3A_1 = arith.constant 0 : index
    %get3A_2 = vector.load %arg0[%get3A, %get3A_0, %get3A_1] : memref<2x10112x8xf32, #tpu.memory_space<vmem>>, vector<1x10112x8xf32>
    %get3A_3 = vector.shape_cast %get3A_2 : vector<1x10112x8xf32> to vector<10112x8xf32>
    %get3A_4 = arith.constant 1 : index
    %get3A_5 = arith.constant 0 : index
    %get3A_6 = arith.constant 0 : index
    %get3A_7 = vector.load %arg0[%get3A_4, %get3A_5, %get3A_6] : memref<2x10112x8xf32, #tpu.memory_space<vmem>>, vector<1x10112x8xf32>
    %get3A_8 = vector.shape_cast %get3A_7 : vector<1x10112x8xf32> to vector<10112x8xf32>
    %add3A = arith.addf %get3A_3, %get3A_8 : vector<10112x8xf32>
    %slice3A = vector.extract_strided_slice %add3A {offsets = [0, 5], sizes = [10112, 1], strides = [1, 1]} : vector<10112x8xf32> to vector<10112x1xf32>
    %slice3A_9 = vector.extract_strided_slice %add3A {offsets = [0, 0], sizes = [10112, 5], strides = [1, 1]} : vector<10112x8xf32> to vector<10112x5xf32>
    %max3A = arith.constant 1.000000e+00 : f32
    %max3A_10 = vector.broadcast %max3A : f32 to vector<10112x1xf32>
    %max3A_11 = arith.maximumf %slice3A, %max3A_10 : vector<10112x1xf32>
    %div3A = vector.broadcast %max3A_11 : vector<10112x1xf32> to vector<10112x5xf32>
    %div3A_12 = arith.divf %slice3A_9, %div3A : vector<10112x5xf32>
    %get3A_13 = arith.constant 0 : index
    %get3A_14 = arith.constant 0 : index
    %get3A_15 = vector.load %arg1[%get3A_13, %get3A_14] : memref<10112x8xf32, #tpu.memory_space<vmem>>, vector<10112x5xf32>
    %get3A_16 = arith.constant 0 : index
    %get3A_17 = arith.constant 0 : index
    %get3A_18 = vector.load %arg2[%get3A_16, %get3A_17] : memref<5x16xf32, #tpu.memory_space<vmem>>, vector<5x16xf32>
    %dot_general3A = arith.constant dense<0.000000e+00> : vector<10112x16xf32>
    %dot_general3A_19 = tpu.matmul %div3A_12, %get3A_18, %dot_general3A {dimension_numbers = #tpu.dot_dimension_numbers<[1], [0], [0], [1], [0, 0, 1, 1], [], []>, transpose_lhs_hint = false} : vector<10112x5xf32>, vector<5x16xf32>, vector<10112x16xf32> -> vector<10112x16xf32>
    %get3A_20 = arith.constant 0 : index
    %get3A_21 = arith.constant 0 : index
    %get3A_22 = vector.load %arg3[%get3A_20, %get3A_21] : memref<5x16xf32, #tpu.memory_space<vmem>>, vector<5x16xf32>
    %dot_general3A_23 = arith.constant dense<0.000000e+00> : vector<10112x16xf32>
    %dot_general3A_24 = tpu.matmul %get3A_15, %get3A_22, %dot_general3A_23 {dimension_numbers = #tpu.dot_dimension_numbers<[1], [0], [0], [1], [0, 0, 1, 1], [], []>, transpose_lhs_hint = false} : vector<10112x5xf32>, vector<5x16xf32>, vector<10112x16xf32> -> vector<10112x16xf32>
    %add3A_25 = arith.addf %dot_general3A_19, %dot_general3A_24 : vector<10112x16xf32>
    %get3A_26 = arith.constant 0 : index
    %get3A_27 = arith.constant 0 : index
    %get3A_28 = vector.load %arg4[%get3A_26, %get3A_27] : memref<1x16xf32, #tpu.memory_space<vmem>>, vector<1x16xf32>
    %add3A_29 = vector.broadcast %get3A_28 : vector<1x16xf32> to vector<10112x16xf32>
    %add3A_30 = arith.addf %add3A_25, %add3A_29 : vector<10112x16xf32>
    %get3A_31 = arith.constant 0 : index
    %get3A_32 = arith.constant 0 : index
    %get3A_33 = vector.load %arg5[%get3A_31, %get3A_32] : memref<5x32xf32, #tpu.memory_space<vmem>>, vector<5x32xf32>
    %dot_general3A_34 = arith.constant dense<0.000000e+00> : vector<10112x32xf32>
    %dot_general3A_35 = tpu.matmul %div3A_12, %get3A_33, %dot_general3A_34 {dimension_numbers = #tpu.dot_dimension_numbers<[1], [0], [0], [1], [0, 0, 1, 1], [], []>, transpose_lhs_hint = false} : vector<10112x5xf32>, vector<5x32xf32>, vector<10112x32xf32> -> vector<10112x32xf32>
    %get3A_36 = arith.constant 0 : index
    %get3A_37 = arith.constant 0 : index
    %get3A_38 = vector.load %arg6[%get3A_36, %get3A_37] : memref<5x32xf32, #tpu.memory_space<vmem>>, vector<5x32xf32>
    %dot_general3A_39 = arith.constant dense<0.000000e+00> : vector<10112x32xf32>
    %dot_general3A_40 = tpu.matmul %get3A_15, %get3A_38, %dot_general3A_39 {dimension_numbers = #tpu.dot_dimension_numbers<[1], [0], [0], [1], [0, 0, 1, 1], [], []>, transpose_lhs_hint = false} : vector<10112x5xf32>, vector<5x32xf32>, vector<10112x32xf32> -> vector<10112x32xf32>
    %add3A_41 = arith.addf %dot_general3A_35, %dot_general3A_40 : vector<10112x32xf32>
    %get3A_42 = arith.constant 0 : index
    %get3A_43 = arith.constant 0 : index
    %get3A_44 = vector.load %arg7[%get3A_42, %get3A_43] : memref<1x32xf32, #tpu.memory_space<vmem>>, vector<1x32xf32>
    %add3A_45 = vector.broadcast %get3A_44 : vector<1x32xf32> to vector<10112x32xf32>
    %add3A_46 = arith.addf %add3A_41, %add3A_45 : vector<10112x32xf32>
    %max3A_47 = arith.constant 0.000000e+00 : f32
    %max3A_48 = vector.broadcast %max3A_47 : f32 to vector<10112x32xf32>
    %max3A_49 = arith.maximumf %add3A_46, %max3A_48 : vector<10112x32xf32>
    %reduce_max3A = arith.constant dense<0xFF800000> : vector<10112xf32>
    %reduce_max3A_50 = vector.multi_reduction <maximumf>, %add3A_30, %reduce_max3A [1] : vector<10112x16xf32> to vector<10112xf32>
    %broadcast_in_dim3A = vector.shape_cast %reduce_max3A_50 : vector<10112xf32> to vector<10112x1xf32>
    %sub3A = vector.broadcast %broadcast_in_dim3A : vector<10112x1xf32> to vector<10112x16xf32>
    %sub3A_51 = arith.subf %add3A_30, %sub3A : vector<10112x16xf32>
    %exp3A = math.exp %sub3A_51 : vector<10112x16xf32>
    %reduce_sum3A = arith.constant dense<0.000000e+00> : vector<10112xf32>
    %reduce_sum3A_52 = vector.multi_reduction <add>, %exp3A, %reduce_sum3A [1] : vector<10112x16xf32> to vector<10112xf32>
    %broadcast_in_dim3A_53 = vector.shape_cast %reduce_sum3A_52 : vector<10112xf32> to vector<10112x1xf32>
    %div3A_54 = vector.broadcast %broadcast_in_dim3A_53 : vector<10112x1xf32> to vector<10112x16xf32>
    %div3A_55 = arith.divf %exp3A, %div3A_54 : vector<10112x16xf32>
    %iota3A = tpu.iota {dimensions = array<i32: 0>} : vector<10112x1xi32>
    %lt3A = arith.constant 10000 : i32
    %lt3A_56 = vector.broadcast %lt3A : i32 to vector<10112x1xi32>
    %lt3A_57 = arith.cmpi slt, %iota3A, %lt3A_56 : vector<10112x1xi32>
    %jit3A = arith.constant 0.000000e+00 : f32
    %broadcast_in_dim3A_58 = vector.shape_cast %lt3A_57 : vector<10112x1xi1> to vector<10112x1xi1>
    %broadcast_in_dim3A_59 = vector.broadcast %broadcast_in_dim3A_58 : vector<10112x1xi1> to vector<10112x16xi1>
    %broadcast_in_dim3A_60 = vector.broadcast %jit3A : f32 to vector<10112x16xf32>
    %select_n3A = arith.select %broadcast_in_dim3A_59, %div3A_55, %broadcast_in_dim3A_60 : vector<10112x16xi1>, vector<10112x16xf32>
    %swap3A = arith.constant 0 : index
    %swap3A_61 = arith.constant 0 : index
    %swap3A_62 = vector.load %arg8[%swap3A, %swap3A_61] : memref<10112x16xf32, #tpu.memory_space<vmem>>, vector<10112x16xf32>
    tpu.vector_store %arg8[%swap3A, %swap3A_61], %select_n3A {strides = array<i32>} : memref<10112x16xf32, #tpu.memory_space<vmem>>, vector<10112x16xf32>,
    %jit3A_63 = arith.constant 0.000000e+00 : f32
    %broadcast_in_dim3A_64 = vector.shape_cast %lt3A_57 : vector<10112x1xi1> to vector<10112x1xi1>
    %broadcast_in_dim3A_65 = vector.broadcast %broadcast_in_dim3A_64 : vector<10112x1xi1> to vector<10112x32xi1>
    %broadcast_in_dim3A_66 = vector.broadcast %jit3A_63 : f32 to vector<10112x32xf32>
    %select_n3A_67 = arith.select %broadcast_in_dim3A_65, %max3A_49, %broadcast_in_dim3A_66 : vector<10112x32xi1>, vector<10112x32xf32>
    %swap3A_68 = arith.constant 0 : index
    %swap3A_69 = arith.constant 0 : index
    %swap3A_70 = vector.load %arg9[%swap3A_68, %swap3A_69] : memref<10112x32xf32, #tpu.memory_space<vmem>>, vector<10112x32xf32>
    tpu.vector_store %arg9[%swap3A_68, %swap3A_69], %select_n3A_67 {strides = array<i32>} : memref<10112x32xf32, #tpu.memory_space<vmem>>, vector<10112x32xf32>,
    return
  }
}

module attributes {stable_mosaic.version = 14 : i64} {
  func.func @_tc_head_body(%arg0: memref<2x10112x16xf32, #tpu.memory_space<vmem>>, %arg1: memref<10112x16xf32, #tpu.memory_space<vmem>>, %arg2: memref<10112x32xf32, #tpu.memory_space<vmem>>, %arg3: memref<32x16xf32, #tpu.memory_space<vmem>>, %arg4: memref<32x16xf32, #tpu.memory_space<vmem>>, %arg5: memref<1x16xf32, #tpu.memory_space<vmem>>, %arg6: memref<16x8xf32, #tpu.memory_space<vmem>>, %arg7: memref<1x8xf32, #tpu.memory_space<vmem>>, %arg8: memref<8x2xf32, #tpu.memory_space<vmem>>, %arg9: memref<1x2xf32, #tpu.memory_space<vmem>>, %arg10: memref<1x2xf32, #tpu.memory_space<vmem>>, %arg11: memref<1x1xf32, #tpu.memory_space<vmem>>) attributes {dimension_semantics = [], scalar_prefetch = 0 : i64, scratch_operands = 0 : i64, tpu.core_type = #tpu.core_type<tc>} {
    %get3A = arith.constant 0 : index
    %get3A_0 = arith.constant 0 : index
    %get3A_1 = arith.constant 0 : index
    %get3A_2 = vector.load %arg0[%get3A, %get3A_0, %get3A_1] : memref<2x10112x16xf32, #tpu.memory_space<vmem>>, vector<1x10112x16xf32>
    %get3A_3 = vector.shape_cast %get3A_2 : vector<1x10112x16xf32> to vector<10112x16xf32>
    %get3A_4 = arith.constant 1 : index
    %get3A_5 = arith.constant 0 : index
    %get3A_6 = arith.constant 0 : index
    %get3A_7 = vector.load %arg0[%get3A_4, %get3A_5, %get3A_6] : memref<2x10112x16xf32, #tpu.memory_space<vmem>>, vector<1x10112x16xf32>
    %get3A_8 = vector.shape_cast %get3A_7 : vector<1x10112x16xf32> to vector<10112x16xf32>
    %add3A = arith.addf %get3A_3, %get3A_8 : vector<10112x16xf32>
    %get3A_9 = arith.constant 0 : index
    %get3A_10 = arith.constant 0 : index
    %get3A_11 = vector.load %arg1[%get3A_9, %get3A_10] : memref<10112x16xf32, #tpu.memory_space<vmem>>, vector<10112x16xf32>
    %dot_general3A = arith.constant dense<0.000000e+00> : vector<16x16xf32>
    %dot_general3A_12 = tpu.matmul %get3A_11, %add3A, %dot_general3A {dimension_numbers = #tpu.dot_dimension_numbers<[0], [0], [1], [1], [0, 1, 1, 1], [], []>, transpose_lhs_hint = false} : vector<10112x16xf32>, vector<10112x16xf32>, vector<16x16xf32> -> vector<16x16xf32>
    %get3A_13 = arith.constant 0 : index
    %get3A_14 = arith.constant 0 : index
    %get3A_15 = vector.load %arg1[%get3A_13, %get3A_14] : memref<10112x16xf32, #tpu.memory_space<vmem>>, vector<10112x16xf32>
    %get3A_16 = arith.constant 0 : index
    %get3A_17 = arith.constant 0 : index
    %get3A_18 = vector.load %arg2[%get3A_16, %get3A_17] : memref<10112x32xf32, #tpu.memory_space<vmem>>, vector<10112x32xf32>
    %dot_general3A_19 = arith.constant dense<0.000000e+00> : vector<16x32xf32>
    %dot_general3A_20 = tpu.matmul %get3A_15, %get3A_18, %dot_general3A_19 {dimension_numbers = #tpu.dot_dimension_numbers<[0], [0], [1], [1], [0, 1, 1, 1], [], []>, transpose_lhs_hint = false} : vector<10112x16xf32>, vector<10112x32xf32>, vector<16x32xf32> -> vector<16x32xf32>
    %iota3A = tpu.iota {dimensions = array<i32: 0>} : vector<16x16xi32>
    %iota3A_21 = tpu.iota {dimensions = array<i32: 1>} : vector<16x16xi32>
    %eq3A = arith.cmpi eq, %iota3A, %iota3A_21 : vector<16x16xi32>
    %jit3A = arith.constant 0.000000e+00 : f32
    %broadcast_in_dim3A = vector.broadcast %jit3A : f32 to vector<16x16xf32>
    %select_n3A = arith.select %eq3A, %dot_general3A_12, %broadcast_in_dim3A : vector<16x16xi1>, vector<16x16xf32>
    %reduce_sum3A = vector.shape_cast %select_n3A : vector<16x16xf32> to vector<1x16x16xf32>
    %reduce_sum3A_22 = arith.constant dense<0.000000e+00> : vector<1xf32>
    %reduce_sum3A_23 = vector.multi_reduction <add>, %reduce_sum3A, %reduce_sum3A_22 [1, 2] : vector<1x16x16xf32> to vector<1xf32>
    %reduce_sum3A_24 = vector.shape_cast %reduce_sum3A_23 : vector<1xf32> to vector<1x1x1xf32>
    %reduce_sum3A_25 = vector.extract %reduce_sum3A_24[0, 0, 0] : f32 from vector<1x1x1xf32>
    %neg3A = arith.constant 0.000000e+00 : f32
    %neg3A_26 = arith.subf %neg3A, %reduce_sum3A_25 : f32
    %reduce_sum3A_27 = arith.constant dense<0.000000e+00> : vector<32xf32>
    %reduce_sum3A_28 = vector.multi_reduction <add>, %dot_general3A_20, %reduce_sum3A_27 [0] : vector<16x32xf32> to vector<32xf32>
    %broadcast_in_dim3A_29 = vector.shape_cast %reduce_sum3A_28 : vector<32xf32> to vector<1x32xf32>
    %div3A = arith.constant 1.600000e+01 : f32
    %div3A_30 = vector.broadcast %div3A : f32 to vector<1x32xf32>
    %div3A_31 = arith.divf %broadcast_in_dim3A_29, %div3A_30 : vector<1x32xf32>
    %get3A_32 = arith.constant 0 : index
    %get3A_33 = arith.constant 0 : index
    %get3A_34 = vector.load %arg3[%get3A_32, %get3A_33] : memref<32x16xf32, #tpu.memory_space<vmem>>, vector<32x16xf32>
    %dot_general3A_35 = arith.constant dense<0.000000e+00> : vector<1x16xf32>
    %dot_general3A_36 = tpu.matmul %div3A_31, %get3A_34, %dot_general3A_35 {dimension_numbers = #tpu.dot_dimension_numbers<[1], [0], [0], [1], [0, 0, 1, 1], [], []>, transpose_lhs_hint = false} : vector<1x32xf32>, vector<32x16xf32>, vector<1x16xf32> -> vector<1x16xf32>
    %get3A_37 = arith.constant 0 : index
    %get3A_38 = arith.constant 0 : index
    %get3A_39 = vector.load %arg4[%get3A_37, %get3A_38] : memref<32x16xf32, #tpu.memory_space<vmem>>, vector<32x16xf32>
    %dot_general3A_40 = arith.constant dense<0.000000e+00> : vector<16x16xf32>
    %dot_general3A_41 = tpu.matmul %dot_general3A_20, %get3A_39, %dot_general3A_40 {dimension_numbers = #tpu.dot_dimension_numbers<[1], [0], [0], [1], [0, 0, 1, 1], [], []>, transpose_lhs_hint = false} : vector<16x32xf32>, vector<32x16xf32>, vector<16x16xf32> -> vector<16x16xf32>
    %add3A_42 = vector.broadcast %dot_general3A_36 : vector<1x16xf32> to vector<16x16xf32>
    %add3A_43 = arith.addf %add3A_42, %dot_general3A_41 : vector<16x16xf32>
    %get3A_44 = arith.constant 0 : index
    %get3A_45 = arith.constant 0 : index
    %get3A_46 = vector.load %arg5[%get3A_44, %get3A_45] : memref<1x16xf32, #tpu.memory_space<vmem>>, vector<1x16xf32>
    %add3A_47 = vector.broadcast %get3A_46 : vector<1x16xf32> to vector<16x16xf32>
    %add3A_48 = arith.addf %add3A_43, %add3A_47 : vector<16x16xf32>
    %max3A = arith.constant 0.000000e+00 : f32
    %max3A_49 = vector.broadcast %max3A : f32 to vector<16x16xf32>
    %max3A_50 = arith.maximumf %add3A_48, %max3A_49 : vector<16x16xf32>
    %reduce_sum3A_51 = arith.constant dense<0.000000e+00> : vector<16xf32>
    %reduce_sum3A_52 = vector.multi_reduction <add>, %max3A_50, %reduce_sum3A_51 [0] : vector<16x16xf32> to vector<16xf32>
    %broadcast_in_dim3A_53 = vector.shape_cast %reduce_sum3A_52 : vector<16xf32> to vector<1x16xf32>
    %jit3A_54 = arith.constant 0.000000e+00 : f32
    %broadcast_in_dim3A_55 = vector.broadcast %jit3A_54 : f32 to vector<16x16xf32>
    %select_n3A_56 = arith.select %eq3A, %broadcast_in_dim3A_55, %dot_general3A_12 : vector<16x16xi1>, vector<16x16xf32>
    %reduce_sum3A_57 = arith.constant dense<0.000000e+00> : vector<16xf32>
    %reduce_sum3A_58 = vector.multi_reduction <add>, %select_n3A_56, %reduce_sum3A_57 [1] : vector<16x16xf32> to vector<16xf32>
    %broadcast_in_dim3A_59 = vector.shape_cast %reduce_sum3A_58 : vector<16xf32> to vector<16x1xf32>
    %broadcast_in_dim3A_60 = vector.shape_cast %broadcast_in_dim3A_59 : vector<16x1xf32> to vector<16x1xf32>
    %broadcast_in_dim3A_61 = vector.broadcast %broadcast_in_dim3A_60 : vector<16x1xf32> to vector<16x16xf32>
    %neg3A_62 = arith.constant 0.000000e+00 : f32
    %neg3A_63 = vector.broadcast %neg3A_62 : f32 to vector<16x16xf32>
    %neg3A_64 = arith.subf %neg3A_63, %select_n3A_56 : vector<16x16xf32>
    %select_n3A_65 = arith.select %eq3A, %broadcast_in_dim3A_61, %neg3A_64 : vector<16x16xi1>, vector<16x16xf32>
    %reduce_sum3A_66 = vector.shape_cast %select_n3A_65 : vector<16x16xf32> to vector<1x16x16xf32>
    %reduce_sum3A_67 = arith.constant dense<0.000000e+00> : vector<1xf32>
    %reduce_sum3A_68 = vector.multi_reduction <add>, %reduce_sum3A_66, %reduce_sum3A_67 [1, 2] : vector<1x16x16xf32> to vector<1xf32>
    %reduce_sum3A_69 = vector.shape_cast %reduce_sum3A_68 : vector<1xf32> to vector<1x1x1xf32>
    %reduce_sum3A_70 = vector.extract %reduce_sum3A_69[0, 0, 0] : f32 from vector<1x1x1xf32>
    %get3A_71 = arith.constant 0 : index
    %get3A_72 = arith.constant 0 : index
    %get3A_73 = vector.load %arg6[%get3A_71, %get3A_72] : memref<16x8xf32, #tpu.memory_space<vmem>>, vector<16x8xf32>
    %dot_general3A_74 = arith.constant dense<0.000000e+00> : vector<1x8xf32>
    %dot_general3A_75 = tpu.matmul %broadcast_in_dim3A_53, %get3A_73, %dot_general3A_74 {dimension_numbers = #tpu.dot_dimension_numbers<[1], [0], [0], [1], [0, 0, 1, 1], [], []>, transpose_lhs_hint = false} : vector<1x16xf32>, vector<16x8xf32>, vector<1x8xf32> -> vector<1x8xf32>
    %get3A_76 = arith.constant 0 : index
    %get3A_77 = arith.constant 0 : index
    %get3A_78 = vector.load %arg7[%get3A_76, %get3A_77] : memref<1x8xf32, #tpu.memory_space<vmem>>, vector<1x8xf32>
    %add3A_79 = arith.addf %dot_general3A_75, %get3A_78 : vector<1x8xf32>
    %max3A_80 = arith.constant 0.000000e+00 : f32
    %max3A_81 = vector.broadcast %max3A_80 : f32 to vector<1x8xf32>
    %max3A_82 = arith.maximumf %add3A_79, %max3A_81 : vector<1x8xf32>
    %get3A_83 = arith.constant 0 : index
    %get3A_84 = arith.constant 0 : index
    %get3A_85 = vector.load %arg8[%get3A_83, %get3A_84] : memref<8x2xf32, #tpu.memory_space<vmem>>, vector<8x2xf32>
    %dot_general3A_86 = arith.constant dense<0.000000e+00> : vector<1x2xf32>
    %dot_general3A_87 = tpu.matmul %max3A_82, %get3A_85, %dot_general3A_86 {dimension_numbers = #tpu.dot_dimension_numbers<[1], [0], [0], [1], [0, 0, 1, 1], [], []>, transpose_lhs_hint = false} : vector<1x8xf32>, vector<8x2xf32>, vector<1x2xf32> -> vector<1x2xf32>
    %get3A_88 = arith.constant 0 : index
    %get3A_89 = arith.constant 0 : index
    %get3A_90 = vector.load %arg9[%get3A_88, %get3A_89] : memref<1x2xf32, #tpu.memory_space<vmem>>, vector<1x2xf32>
    %add3A_91 = arith.addf %dot_general3A_87, %get3A_90 : vector<1x2xf32>
    %reduce_max3A = arith.constant dense<0xFF800000> : vector<1xf32>
    %reduce_max3A_92 = vector.multi_reduction <maximumf>, %add3A_91, %reduce_max3A [1] : vector<1x2xf32> to vector<1xf32>
    %broadcast_in_dim3A_93 = vector.shape_cast %reduce_max3A_92 : vector<1xf32> to vector<1x1xf32>
    %sub3A = vector.broadcast %broadcast_in_dim3A_93 : vector<1x1xf32> to vector<1x2xf32>
    %sub3A_94 = arith.subf %add3A_91, %sub3A : vector<1x2xf32>
    %exp3A = math.exp %sub3A_94 : vector<1x2xf32>
    %reduce_sum3A_95 = arith.constant dense<0.000000e+00> : vector<1xf32>
    %reduce_sum3A_96 = vector.multi_reduction <add>, %exp3A, %reduce_sum3A_95 [1] : vector<1x2xf32> to vector<1xf32>
    %broadcast_in_dim3A_97 = vector.shape_cast %reduce_sum3A_96 : vector<1xf32> to vector<1x1xf32>
    %log3A = math.log %broadcast_in_dim3A_97 : vector<1x1xf32>
    %add3A_98 = arith.addf %broadcast_in_dim3A_93, %log3A : vector<1x1xf32>
    %sub3A_99 = vector.broadcast %add3A_98 : vector<1x1xf32> to vector<1x2xf32>
    %sub3A_100 = arith.subf %add3A_91, %sub3A_99 : vector<1x2xf32>
    %swap3A = arith.constant 0 : index
    %swap3A_101 = arith.constant 0 : index
    %swap3A_102 = vector.load %arg10[%swap3A, %swap3A_101] : memref<1x2xf32, #tpu.memory_space<vmem>>, vector<1x2xf32>
    tpu.vector_store %arg10[%swap3A, %swap3A_101], %sub3A_100 {strides = array<i32>} : memref<1x2xf32, #tpu.memory_space<vmem>>, vector<1x2xf32>,
    %add3A_103 = arith.addf %neg3A_26, %reduce_sum3A_70 : f32
    %reshape3A = vector.broadcast %add3A_103 : f32 to vector<1x1xf32>
    %swap3A_104 = arith.constant 0 : index
    %swap3A_105 = arith.constant 0 : index
    %swap3A_106 = vector.load %arg11[%swap3A_104, %swap3A_105] : memref<1x1xf32, #tpu.memory_space<vmem>>, vector<1x1xf32>
    tpu.vector_store %arg11[%swap3A_104, %swap3A_105], %reshape3A {strides = array<i32>} : memref<1x1xf32, #tpu.memory_space<vmem>>, vector<1x1xf32>,
    return
  }
}

</mosaic_0001>

<sc_bundles>
// kernel: kernel.6.cloned.1.call-start
scs
__scs_entry_jumppad:
0x0: {  	(pc) =	sbr.rel $0x88, $3  }
0x1: {  	(tag) =	ssettag $0x0;
	lr =	simm.s32 $0x1  }
0x2: {  	[smem:$0x3F91] =	sst lr;
	_ =	strace $0xD0000000  }
0x3: {  	_ = 	snop  }
0x4: {  	_ = 	snop  }
0x5: {  	_ = 	snop  }
0x6: {  	_ = 	snop  }
0x7: {  	_ = 	snop  }
__scs_overlays_trampoline_lowered:
0x8: {  	[smem:$0x3FA0] =	sst s0  }
0x9: {  	[smem:$0x3FA1] =	sst s1  }
0xa: {  	[smem:$0x3FA2] =	sst s2  }
0xb: {  	[smem:$0x3FA3] =	sst s3  }
0xc: {  	[smem:$0x3FA4] =	sst s4  }
0xd: {  	[smem:$0x3FA5] =	sst s5  }
0xe: {  	[smem:$0x3FA6] =	sst s6  }
0xf: {  	[smem:$0x3FA7] =	sst s7  }
0x10: {  	[smem:$0x3FA8] =	sst s8  }
0x11: {  	[smem:$0x3FA9] =	sst s9;
	s0 =	simm.s32 @!p0 $0x0  }
0x12: {  	s1 =	sld [smem:$0x3F8F];
	s0 =	simm.s32 @p0 $0x1  }
0x13: {  	[smem:$0x3FAA] =	sst s0;
	s0 =	simm.s32 @!p1 $0x0  }
0x14: {  	s2 =	sld [smem:$0x3F8E];
	s0 =	simm.s32 @p1 $0x1  }
0x15: {  	[smem:$0x3FAB] =	sst s0;
	s0 =	simm.s32 @!p2 $0x0  }
0x16: {  	s3 =	sld [smem:$0x3FDB];
	s0 =	simm.s32 @p2 $0x1  }
0x17: {  	s4 =	simm.s32 $0x1BF5;
	[smem:$0x3FAD] =	sst s0  }
0x18: {  	s0 =	sld [smem:$0x3F90];
	_ =	swait.ge [sflag:s4], $0x0  }
0x19: {  	s7 =	sld [smem:$0x3F91]  }
0x1a: {  	s8 =	sadd.s32 $0xFFFFE003, lr  }
0x1b: {  	s9 =	sadd.s32 $0xFFFFFEF7, lr;
	s5 =	simm.s32 $0xFFFFFFFF;
	p2 =	slt.u32 s8, $0xFFFFF086  }
0x1c: {  	p1 =	slt.u32 s9, $0xF7A;
	s5 =	simm.s32 @!p2 $0x0  }
0x1d: {  	s5 =	simm.s32 @p1 $0x1;
	p0 =	seq.s32 s7, s2  }
0x1e: {  	s7 =	smul.u32 @!p0 $0xF7A, s2;
	p2 =	seq.s32 @!p0 s5, $0x0  }
0x1f: {  	s9 =	smul.u32 $0xF7A, s1;
	s8 =	simm.s32 @!p0 $0x1BF5;
	p2 =	por !p2, p0  }
0x20: {  	[sflag:s8] =	ssyncset.s32 @!p0 $0xFFFFF086;
	s6 =	sadd.s32 @!p0 s3, s7;
	s7 =	simm.s32 @!p0 $0x108  }
0x21: {  	s3 =	sadd.s32 s3, s9;
	s6 =	sadd.s32 @!p0 $0x88, s6;
	s7 =	simm.s32 @p2 $0x1082  }
0x22: {  	[simem:s7], [sflag:s8] =	dma.local @!p0 [hbm:s6], $0xF7A  }
0x23: {  	s9 =	sor.u32 $0xD0000000, s2;
	s6 =	simm.s32 $0x108;
	_ =	swait.ge @!p0 [sflag:s8], $0x0  }
0x24: {  	s3 =	sadd.s32 $0x88, s3;
	s6 =	simm.s32 @!p1 $0x1082;
	[sflag:s4] =	ssyncset.s32 $0xFFFFF086  }
0x25: {  	[simem:s6], [sflag:s4] =	dma.local [hbm:s3], $0xF7A  }
0x26: {  	[smem:$0x3F91] =	sst s1;
	(tag) =	ssettag s2;
	_ =	strace s9  }
0x27: {  	s1 =	sld [smem:$0x3FA1]  }
0x28: {  	s2 =	sld [smem:$0x3FA2]  }
0x29: {  	s4 =	sld [smem:$0x3FA4]  }
0x2a: {  	p0 =	seq.s32 s5, $0x0;
	s5 =	sld [smem:$0x3FA5]  }
0x2b: {  	s6 =	sld [smem:$0x3FA6]  }
0x2c: {  	s7 =	sld [smem:$0x3FA7]  }
0x2d: {  	s3 =	simm.s32 $0x108;
	s8 =	sld [smem:$0x3FA8]  }
0x2e: {  	s3 =	simm.s32 @!p0 $0x1082;
	s9 =	sld [smem:$0x3FA9]  }
0x2f: {  	lr =	sadd.s32 s0, s3;
	s0 =	sld [smem:$0x3FA0]  }
0x30: {  	s3 =	sld [smem:$0x3FA3]  }
0x31: {  	[smem:$0x3FAC] =	sst s10  }
0x32: {  	s10 =	sld [smem:$0x3FAA];
	_ =	sdelay $0x3  }
0x33: {  	p0 =	seq.s32 s10, $0x1;
	s10 =	sld [smem:$0x3FAC];
	_ =	sdelay $0x3  }
0x34: {  	[smem:$0x3FAC] =	sst s10  }
0x35: {  	s10 =	sld [smem:$0x3FAB];
	_ =	sdelay $0x3  }
0x36: {  	p1 =	seq.s32 s10, $0x1;
	s10 =	sld [smem:$0x3FAC];
	_ =	sdelay $0x3  }
0x37: {  	[smem:$0x3FAC] =	sst s10  }
0x38: {  	s10 =	sld [smem:$0x3FAD]  }
0x39: {  	_ = 	snop;
	(pc) =	sbr.ind lr, $3  }
0x3a: {  	_ = 	snop  }
0x3b: {  	_ = 	snop  }
0x3c: {  	p2 =	seq.s32 s10, $0x1;
	s10 =	sld [smem:$0x3FAC]  }
0x3d: {  	_ =	shalt  }
0x3e: {  	_ =	shalt  }
0x3f: {  	_ =	shalt  }
0x40: {  	_ =	shalt  }
0x41: {  	_ =	shalt  }
0x42: {  	_ =	shalt  }
0x43: {  	_ =	shalt  }
0x44: {  	_ =	shalt  }
0x45: {  	_ =	shalt  }
0x46: {  	_ =	shalt  }
0x47: {  	_ =	shalt  }
0x48: {  	_ =	shalt  }
0x49: {  	_ =	shalt  }
0x4a: {  	_ =	shalt  }
0x4b: {  	_ =	shalt  }
0x4c: {  	_ =	shalt  }
0x4d: {  	_ =	shalt  }
0x4e: {  	_ =	shalt  }
0x4f: {  	_ =	shalt  }
0x50: {  	_ =	shalt  }
0x51: {  	_ =	shalt  }
0x52: {  	_ =	shalt  }
0x53: {  	_ =	shalt  }
0x54: {  	_ =	shalt  }
0x55: {  	_ =	shalt  }
0x56: {  	_ =	shalt  }
0x57: {  	_ =	shalt  }
0x58: {  	_ =	shalt  }
0x59: {  	_ =	shalt  }
0x5a: {  	_ =	shalt  }
0x5b: {  	_ =	shalt  }
0x5c: {  	_ =	shalt  }
0x5d: {  	_ =	shalt  }
0x5e: {  	_ =	shalt  }
0x5f: {  	_ =	shalt  }
0x60: {  	_ =	shalt  }
0x61: {  	_ =	shalt  }
0x62: {  	_ =	shalt  }
0x63: {  	_ =	shalt  }
0x64: {  	_ =	shalt  }
0x65: {  	_ =	shalt  }
0x66: {  	_ =	shalt  }
0x67: {  	_ =	shalt  }
0x68: {  	_ =	shalt  }
0x69: {  	_ =	shalt  }
0x6a: {  	_ =	shalt  }
0x6b: {  	_ =	shalt  }
0x6c: {  	_ =	shalt  }
0x6d: {  	_ =	shalt  }
0x6e: {  	_ =	shalt  }
0x6f: {  	_ =	shalt  }
0x70: {  	_ =	shalt  }
0x71: {  	_ =	shalt  }
0x72: {  	_ =	shalt  }
0x73: {  	_ =	shalt  }
0x74: {  	_ =	shalt  }
0x75: {  	_ =	shalt  }
0x76: {  	_ =	shalt  }
0x77: {  	_ =	shalt  }
0x78: {  	_ =	shalt  }
0x79: {  	_ =	shalt  }
0x7a: {  	_ =	shalt  }
0x7b: {  	_ =	shalt  }
0x7c: {  	_ =	shalt  }
0x7d: {  	_ =	shalt  }
0x7e: {  	_ =	shalt  }
0x7f: {  	_ =	shalt  }
0x80: {  	_ =	shalt  }
0x81: {  	_ =	shalt  }
0x82: {  	_ =	shalt  }
0x83: {  	_ =	shalt  }
0x84: {  	_ =	shalt  }
0x85: {  	_ =	shalt  }
0x86: {  	_ =	shalt  }
0x87: {  	_ =	shalt  }
.Lfunc_end0:
.L_simem_size_0:
called_computation_lowered:
.L_overlay_start_0:
0x88: {  	s2 =	sld [smem:$0x3FD9]  }
0x89: {  	s3 =	sld [smem:$0x3FFE];
	_ =	sdelay $0x1  }
0x8a: {  	s1 =	srdreg.scid  }
0x8b: {  	s0 =	sand.u32 $0x1, s1  }
0x8c: {  	s16 =	sshll.u32 s0, $0xA;
	s2 =	sadd.s32 s3, s2  }
0x8d: {  	s2 =	sadd.s32 s2, s16  }
0x8e: {  	[smem:$0x3FB8] =	sst s2  }
0x8f: {  	_ = 	snop  }
0x90: {  	(tm) =	ssettm $0x1  }
0x91: {  	s17 =	sld [smem:$0x3FFB];
	_ =	sdelay $0x3  }
0x92: {  	_ =	strace s17  }
0x93: {  	s2 =	sld [smem:$0x3FFC];
	_ =	sdelay $0x3  }
0x94: {  	_ =	strace s2  }
0x95: {  	s2 =	sld [smem:$0x3FFD];
	_ =	sdelay $0x3  }
0x96: {  	_ =	strace s2  }
0x97: {  	_ =	strace $0x8FFFFFFF  }
0x98: {  	s18 =	sld [smem:$0x3FDB];
	_ =	sdelay $0x1  }
0x99: {  	s19 =	simm.s32 $_scs_section_size  }
0x9a: {  	s4 =	simm.s32 $_size__tile_overlayer_lowered;
	s5 =	simm.s32 $_tile_overlayer_lowered  }
0x9b: {  	s22 =	simm.s32 $0x1BFF;
	s21 =	sshll.u32 s5, $0x1;
	s2 =	sadd.s32 s19, s18  }
0x9c: {  	s6 =	simm.s32 $0x0;
	s20 =	sshll.u32 s4, $0x1;
	s4 =	sadd.s32 s21, s2  }
0x9d: {  	[timem:s6], [sflag:s22] =	dma.local [hbm:s4], s20  }
0x9e: {  	_ =	swait.ge [sflag:s22], s20  }
0x9f: {  	s3 =	ssub.s32 $0x0, s20;
	[sflag:s22] =	ssyncset.done $0x0  }
0xa0: {  	[sflag:s22] =	ssyncadd.s32 s3;
	_ =	sdelay $0x1  }
0xa1: {  	s23 =	simm.s32 $0x1B8B  }
0xa2: {  	_ =	swait.ge [sflag:s23], $0x1  }
0xa3: {  	[sflag:s23] =	ssyncset.done $0x0  }
0xa4: {  	s25 =	simm.s32 $0x1B8E;
	s24 =	sld [smem:$0x3FFE];
	[sflag:s23] =	ssyncadd.s32 $0xFFFFFFFF  }
0xa5: {  	s26 =	simm.s32 $execute0_lowered;
	[smem:$0x3FD2] =	sst s25  }
0xa6: {  	s4 =	sshll.u32 s26, $0x1;
	_ =	strace $0x80000046;
	[dreg:$0x1] =	wrdreg $0xFFFFFFFF  }
0xa7: {  	s28 =	simm.s32 $_size_execute0_lowered;
	s2 =	sadd.s32 s2, s4;
	[dreg:$0x0] =	wrdreg $0x0  }
0xa8: {  	s4 =	sshll.u32 s28, $0x1;
	[dreg:$0x2] =	wrdreg s2  }
0xa9: {  	[dreg:$0x3] =	wrdreg s4  }
0xaa: {  	[dreg:$0x4] =	wrdreg $0xC0  }
0xab: {  	_ =	task [dreg:s6], $0x5FFFF  }
0xac: {  	[dreg:$0x1] =	wrdreg $0xFFFFFFFF  }
0xad: {  	[dreg:$0x0] =	wrdreg $0x60  }
0xae: {  	[dreg:$0x2] =	wrdreg s24  }
0xaf: {  	[dreg:$0x3] =	wrdreg $0xB7C00  }
0xb0: {  	[dreg:$0x4] =	wrdreg $0x9  }
0xb1: {  	_ =	task.clear_ibuf [dreg:s6], $0x5FFFF;
	_ =	strace $0x90000046  }
0xb2: {  	s29 =	simm.s32 $0x9;
	_ =	strace $0x80000048  }
0xb3: {  	_ =	swait.ge [sflag:s29], $0x1  }
0xb4: {  	[sflag:s29] =	ssyncadd.s32 $0xFFFFFFFF  }
0xb5: {  	_ =	strace $0x90000048  }
0xb6: {  	_ =	sfence  }
0xb7: {  	s30 =	sld [smem:$0x0];
	_ =	sdelay $0x2  }
0xb8: {  	s31 =	sshll.u32 s1, $0xD;
	s1 =	sshrl.u32 s1, $0x2  }
0xb9: {  	s3 =	sand.u32 $0x4000, s31;
	s1 =	sadd.s32 s1, s30  }
0xba: {  	s0 =	sor.u32 s3, s0;
	s1 =	sshll.u32 s1, $0x11  }
0xbb: {  	s0 =	sor.u32 s1, s0  }
0xbc: {  	s0 =	sadd.s32 $0x8F2B, s0  }
0xbd: {  	[sflag:s0] =	ssyncadd.remote.s32 $0x1  }
0xbe: {  	_ =	sfence.sel $0xFFFF  }
0xbf: {  	[dreg:$0x0] =	wrdreg $0xFFFFFFFF;
	(pc) =	sbr.abs _section_cstart, $3  }
0xc0: {  	[dreg:$0x1] =	wrdreg $0xFFFFFFFF  }
0xc1: {  	_ =	task.clear_ibuf [dreg:s6], $0x2FFFF;
	_ =	strace $0x9FFFFFFF  }
0xc2: {  	(tm) =	ssettm $0x7FFFFFFF  }
0xc3: {  	_ =	shalt  }
tec
execute0_lowered:
.L_overlay_start_1:
0x0: {  	(tag) =	ssettag $0x1  }
0x1: {  	s6 =	rddreg [dreg:$0x0]  }
0x2: {  	s0 =	srdreg.scid;
	s2 =	rddreg [dreg:$0x1];
	s3 =	simm.s32 $0x0  }
0x3: {  	s12 =	simm.s32 $0x2;
	s13 =	simm.s32 $0x5000;
	s14 =	simm.s32 $0x80  }
0x4: {  	s15 =	simm.s32 $0xA000;
	s16 =	simm.s32 $0x1;
	s19 =	simm.s32 $0x0  }
0x5: {  	s5 =	sand.u32 $0x1, s0;
	s0 =	stileid.u32;
	[smem:$0x7FF] =	sst s3  }
0x6: {  	s4 =	sadd.s32 $0x2AC00, s6;
	s1 =	sshll.u32 s5, $0x4;
	s8 =	smul.u32 $0x13C0, s0  }
0x7: {  	s9 =	smul.u32 $0x13C00, s5;
	s5 =	ssub.s32 $0x2, s5;
	s17 =	sshll.u32 s0, $0x6  }
0x8: {  	s1 =	sor.u32 s0, s1;
	s11 =	sshrl.u32 s5, $0x1;
	s17 =	sor.u32 $0x1C02, s17  }
0x9: {  	s7 =	smul.u32 $0xA00, s1;
	s1 =	rddreg [dreg:$0x2];
	_ =	strace $0x80000047  }
0xa: {  	s31 =	sshrl.u32 s8, $0x3;
	s9 =	sadd.s32 s8, s9;
	s11 =	ssub.s32 s5, s11  }
0xb: {  	s9 =	sshrl.u32 s9, $0x3;
	s10 =	sadd.s32 s7, s6;
	s7 =	sadd.s32 s31, s6  }
0xc: {  	s9 =	sadd.s32 s9, s6;
	s6 =	sadd.s32 s8, s2;
	s5 =	sadd.s32 $0x2D400, s7  }
0xd: {  	s7 =	sadd.s32 $0x16C00, s10;
	s8 =	sadd.s32 $0x2C00, s10;
	s9 =	sadd.s32 $0x2FC00, s9  }
0xe: {  	s10 =	smax.u32 s11, $0x1;
	s11 =	simm.s32 $0xA400;
	s18 =	sshrl.u32 s6, $0x3  }
.LBB2_1:
0xf: {  	[tilespmem:s11], [sflag:$0x2] =	stream.linear.gather [hbm4b:s5+s3], $0x13C0, $0x38;
	[tilespmem:$0xCB80] =	vst v63  }
0x10: {  	_ =	swait.ge [sflag:s12], $0x13C0  }
0x11: {  	[sflag:s12] =	ssyncset.done $0x0  }
0x12: {  	[sflag:s12] =	ssyncadd.s32 $0xFFFFEC40  }
0x13: {  	[spmem:s6] =	stream.linear.scatter [tilespmem:s11], [sflag:$0x2], $0x13C0, $0x38;
	[tilespmem:$0xCB80] =	vst v63  }
0x14: {  	_ =	swait.ge [sflag:s12], $0x13C0  }
0x15: {  	[sflag:s12] =	ssyncset.done $0x0  }
0x16: {  	[sflag:s12] =	ssyncadd.s32 $0xFFFFEC40  }
0x17: {  	[tilespmem:s3], [sflag:$0x2] =	stream.linear.gather [hbm4b:s7+s3], $0x5000, $0x38;
	[tilespmem:$0xCB80] =	vst v63  }
0x18: {  	_ =	swait.ge [sflag:s12], $0x5000  }
0x19: {  	[sflag:s12] =	ssyncset.done $0x0  }
0x1a: {  	[sflag:s12] =	ssyncadd.s32 $0xFFFFB000  }
0x1b: {  	[tilespmem:s13], [sflag:$0x2] =	stream.linear.gather [hbm4b:s8+s3], $0x5000, $0x38;
	[tilespmem:$0xCB80] =	vst v63  }
0x1c: {  	_ =	swait.ge [sflag:s12], $0x5000  }
0x1d: {  	[sflag:s12] =	ssyncset.done $0x0  }
0x1e: {  	[sflag:s12] =	ssyncadd.s32 $0xFFFFB000  }
0x1f: {  	s20 =	simm.s32 $0x0;
	[bflag:$0x0] =	sbarrier.arrive $0xFFFF  }
0x20: {  	[tilespmem:s15], [sflag:$0x1] =	stream.indirect.gather [hbm4b:s4+s14], $0x8, s20, s14, $0xb8;
	[tilespmem:$0xCB80] =	vst v63  }
0x21: {  	_ =	swait.ge [sflag:s16], $0x400  }
0x22: {  	[sflag:s16] =	ssyncset.done $0x0  }
0x23: {  	s31 =	simm.s32 $0x5000;
	[sflag:s16] =	ssyncadd.s32 $0xFFFFFC00  }
0x24: {  	[spmem:s2] =	stream.indirect.scatter.add.f32 [tilespmem:s15], [sflag:$0x2], $0x8, s31, s14, $0xb8;
	[tilespmem:$0xCB80] =	vst v63  }
0x25: {  	_ =	swait.ge [sflag:s12], $0x400  }
0x26: {  	s21 =	simm.s32 $0x400;
	s20 =	simm.s32 $0x200;
	[sflag:s12] =	ssyncset.done $0x0  }
.LBB2_2:
0x27: {  	s22 =	sshra.s32 s20, $0x2  }
0x28: {  	[sflag:s12] =	ssyncadd.s32 $0xFFFFFC00;
	s20 =	smov.u32 s21;
	s23 =	sadd.s32 $0x200, s21  }
0x29: {  	[tilespmem:s15], [sflag:$0x1] =	stream.indirect.gather [hbm4b:s4+s14], $0x8, s22, s14, $0xb8;
	[tilespmem:$0xCB80] =	vst v63  }
0x2a: {  	p0 =	sne.s32 s21, $0x13E00;
	_ =	swait.ge [sflag:s16], $0x400  }
.Ltmp0:
0x2b: {  	[sflag:s16] =	ssyncset.done $0x0;
	(pc) =	sbr.rel @p0 .LBB2_2-.Ltmp0, $4  }
0x2c: {  	s21 =	sadd.s32 $0x5000, s22;
	[sflag:s16] =	ssyncadd.s32 $0xFFFFFC00  }
0x2d: {  	[spmem:s2] =	stream.indirect.scatter.add.f32 [tilespmem:s15], [sflag:$0x2], $0x8, s21, s14, $0xb8;
	[tilespmem:$0xCB80] =	vst v63  }
0x2e: {  	_ =	swait.ge [sflag:s12], $0x400  }
0x2f: {  	s21 =	smov.u32 s23;
	[sflag:s12] =	ssyncset.done $0x0  }
0x30: {  	s20 =	sshra.s32 s20, $0x2;
	[sflag:s12] =	ssyncadd.s32 $0xFFFFFC00  }
0x31: {  	[tilespmem:s15], [sflag:$0x1] =	stream.indirect.gather [hbm4b:s4+s14], $0x8, s20, s14, $0xb8;
	[tilespmem:$0xCB80] =	vst v63  }
0x32: {  	_ =	swait.ge [sflag:s16], $0x400  }
0x33: {  	[sflag:s16] =	ssyncset.done $0x0  }
0x34: {  	s20 =	sadd.s32 $0x5000, s20;
	[sflag:s16] =	ssyncadd.s32 $0xFFFFFC00  }
0x35: {  	[spmem:s2] =	stream.indirect.scatter.add.f32 [tilespmem:s15], [sflag:$0x2], $0x8, s20, s14, $0xb8;
	[tilespmem:$0xCB80] =	vst v63  }
0x36: {  	_ =	swait.ge [sflag:s12], $0x400  }
0x37: {  	s19 =	sadd.s32 $0x1, s19;
	[sflag:s12] =	ssyncset.done $0x0  }
0x38: {  	p0 =	sne.s32 s19, s10;
	[sflag:s12] =	ssyncadd.s32 $0xFFFFFC00  }
.Ltmp1:
0x39: {  	[bflag:$0x0] =	sbarrier.arrive $0xFFFF;
	(pc) =	sbr.rel @p0 .LBB2_1-.Ltmp1, $4  }
0x3a: {  	[hbm:s9], [sflag:s17] =	dma.local [spmem:s18], $0x278  }
0x3b: {  	_ =	swait.ge [sflag:s12], $0x278  }
0x3c: {  	[sflag:s12] =	ssyncset.done $0x0  }
0x3d: {  	[sflag:s12] =	ssyncadd.s32 $0xFFFFFD88  }
0x3e: {  	_ =	sfence.sel $0x180000  }
0x3f: {  	[bflag:$0x0] =	sbarrier.arrive $0xFFFF  }
0x40: {  	p0 =	sne.s32 s0, $0x0;
	_ =	strace $0x90000047  }
0x41: {  	s0 =	sadd.s32 @!p0 $0x100000, s1;
	[bflag:$0x2] =	sbarrier.arrive $0xFFFF  }
0x42: {  	[sflag:s0] =	ssyncadd.tile.s32 @!p0 $0x1;
	_ =	shalt  }
.Lfunc_end2:
_tile_overlayer_lowered:
.L_overlay_start_2:
0x43: {  	(tag) =	ssettag $0x2  }
0x44: {  	s0 =	rddreg [dreg:$0x0];
	s2 =	stileid.u32  }
0x45: {  	s1 =	rddreg [dreg:$0x1];
	p0 =	sne.s32 s2, $0x0  }
0x46: {  	s3 =	rddreg [dreg:$0x2];
	[bflag:$0x3] =	sbarrier.arrive $0xFFFF;
	s2 =	simm.s32 @!p0 $0x1C02  }
0x47: {  	[timem:s3], [sflag:s2] =	dma.local @!p0 [hbm:s0], s1  }
0x48: {  	s0 =	simm.s32 @!p0 $0x2  }
0x49: {  	_ =	swait.ge @!p0 [sflag:s0], s1  }
0x4a: {  	s1 =	ssub.s32 @!p0 $0x0, s1;
	[sflag:s0] =	ssyncset.done @!p0 $0x0  }
0x4b: {  	[sflag:s0] =	ssyncadd.s32 @!p0 s1  }
0x4c: {  	[bflag:$0x3] =	sbarrier.arrive $0xFFFF  }
0x4d: {  	_ =	shalt  }

// kernel: kernel.9.cloned.1.call-start
scs
__scs_entry_jumppad:
0x0: {  	(pc) =	sbr.rel $0x88, $3  }
0x1: {  	(tag) =	ssettag $0x0;
	lr =	simm.s32 $0x1  }
0x2: {  	[smem:$0x3F91] =	sst lr;
	_ =	strace $0xD0000000  }
0x3: {  	_ = 	snop  }
0x4: {  	_ = 	snop  }
0x5: {  	_ = 	snop  }
0x6: {  	_ = 	snop  }
0x7: {  	_ = 	snop  }
__scs_overlays_trampoline_lowered:
0x8: {  	[smem:$0x3FA0] =	sst s0  }
0x9: {  	[smem:$0x3FA1] =	sst s1  }
0xa: {  	[smem:$0x3FA2] =	sst s2  }
0xb: {  	[smem:$0x3FA3] =	sst s3  }
0xc: {  	[smem:$0x3FA4] =	sst s4  }
0xd: {  	[smem:$0x3FA5] =	sst s5  }
0xe: {  	[smem:$0x3FA6] =	sst s6  }
0xf: {  	[smem:$0x3FA7] =	sst s7  }
0x10: {  	[smem:$0x3FA8] =	sst s8  }
0x11: {  	[smem:$0x3FA9] =	sst s9;
	s0 =	simm.s32 @!p0 $0x0  }
0x12: {  	s1 =	sld [smem:$0x3F8F];
	s0 =	simm.s32 @p0 $0x1  }
0x13: {  	[smem:$0x3FAA] =	sst s0;
	s0 =	simm.s32 @!p1 $0x0  }
0x14: {  	s2 =	sld [smem:$0x3F8E];
	s0 =	simm.s32 @p1 $0x1  }
0x15: {  	[smem:$0x3FAB] =	sst s0;
	s0 =	simm.s32 @!p2 $0x0  }
0x16: {  	s3 =	sld [smem:$0x3FDB];
	s0 =	simm.s32 @p2 $0x1  }
0x17: {  	s4 =	simm.s32 $0x1BF5;
	[smem:$0x3FAD] =	sst s0  }
0x18: {  	s0 =	sld [smem:$0x3F90];
	_ =	swait.ge [sflag:s4], $0x0  }
0x19: {  	s7 =	sld [smem:$0x3F91]  }
0x1a: {  	s8 =	sadd.s32 $0xFFFFE003, lr  }
0x1b: {  	s9 =	sadd.s32 $0xFFFFFEF7, lr;
	s5 =	simm.s32 $0xFFFFFFFF;
	p2 =	slt.u32 s8, $0xFFFFF086  }
0x1c: {  	p1 =	slt.u32 s9, $0xF7A;
	s5 =	simm.s32 @!p2 $0x0  }
0x1d: {  	s5 =	simm.s32 @p1 $0x1;
	p0 =	seq.s32 s7, s2  }
0x1e: {  	s7 =	smul.u32 @!p0 $0xF7A, s2;
	p2 =	seq.s32 @!p0 s5, $0x0  }
0x1f: {  	s9 =	smul.u32 $0xF7A, s1;
	s8 =	simm.s32 @!p0 $0x1BF5;
	p2 =	por !p2, p0  }
0x20: {  	[sflag:s8] =	ssyncset.s32 @!p0 $0xFFFFF086;
	s6 =	sadd.s32 @!p0 s3, s7;
	s7 =	simm.s32 @!p0 $0x108  }
0x21: {  	s3 =	sadd.s32 s3, s9;
	s6 =	sadd.s32 @!p0 $0x88, s6;
	s7 =	simm.s32 @p2 $0x1082  }
0x22: {  	[simem:s7], [sflag:s8] =	dma.local @!p0 [hbm:s6], $0xF7A  }
0x23: {  	s9 =	sor.u32 $0xD0000000, s2;
	s6 =	simm.s32 $0x108;
	_ =	swait.ge @!p0 [sflag:s8], $0x0  }
0x24: {  	s3 =	sadd.s32 $0x88, s3;
	s6 =	simm.s32 @!p1 $0x1082;
	[sflag:s4] =	ssyncset.s32 $0xFFFFF086  }
0x25: {  	[simem:s6], [sflag:s4] =	dma.local [hbm:s3], $0xF7A  }
0x26: {  	[smem:$0x3F91] =	sst s1;
	(tag) =	ssettag s2;
	_ =	strace s9  }
0x27: {  	s1 =	sld [smem:$0x3FA1]  }
0x28: {  	s2 =	sld [smem:$0x3FA2]  }
0x29: {  	s4 =	sld [smem:$0x3FA4]  }
0x2a: {  	p0 =	seq.s32 s5, $0x0;
	s5 =	sld [smem:$0x3FA5]  }
0x2b: {  	s6 =	sld [smem:$0x3FA6]  }
0x2c: {  	s7 =	sld [smem:$0x3FA7]  }
0x2d: {  	s3 =	simm.s32 $0x108;
	s8 =	sld [smem:$0x3FA8]  }
0x2e: {  	s3 =	simm.s32 @!p0 $0x1082;
	s9 =	sld [smem:$0x3FA9]  }
0x2f: {  	lr =	sadd.s32 s0, s3;
	s0 =	sld [smem:$0x3FA0]  }
0x30: {  	s3 =	sld [smem:$0x3FA3]  }
0x31: {  	[smem:$0x3FAC] =	sst s10  }
0x32: {  	s10 =	sld [smem:$0x3FAA];
	_ =	sdelay $0x3  }
0x33: {  	p0 =	seq.s32 s10, $0x1;
	s10 =	sld [smem:$0x3FAC];
	_ =	sdelay $0x3  }
0x34: {  	[smem:$0x3FAC] =	sst s10  }
0x35: {  	s10 =	sld [smem:$0x3FAB];
	_ =	sdelay $0x3  }
0x36: {  	p1 =	seq.s32 s10, $0x1;
	s10 =	sld [smem:$0x3FAC];
	_ =	sdelay $0x3  }
0x37: {  	[smem:$0x3FAC] =	sst s10  }
0x38: {  	s10 =	sld [smem:$0x3FAD]  }
0x39: {  	_ = 	snop;
	(pc) =	sbr.ind lr, $3  }
0x3a: {  	_ = 	snop  }
0x3b: {  	_ = 	snop  }
0x3c: {  	p2 =	seq.s32 s10, $0x1;
	s10 =	sld [smem:$0x3FAC]  }
0x3d: {  	_ =	shalt  }
0x3e: {  	_ =	shalt  }
0x3f: {  	_ =	shalt  }
0x40: {  	_ =	shalt  }
0x41: {  	_ =	shalt  }
0x42: {  	_ =	shalt  }
0x43: {  	_ =	shalt  }
0x44: {  	_ =	shalt  }
0x45: {  	_ =	shalt  }
0x46: {  	_ =	shalt  }
0x47: {  	_ =	shalt  }
0x48: {  	_ =	shalt  }
0x49: {  	_ =	shalt  }
0x4a: {  	_ =	shalt  }
0x4b: {  	_ =	shalt  }
0x4c: {  	_ =	shalt  }
0x4d: {  	_ =	shalt  }
0x4e: {  	_ =	shalt  }
0x4f: {  	_ =	shalt  }
0x50: {  	_ =	shalt  }
0x51: {  	_ =	shalt  }
0x52: {  	_ =	shalt  }
0x53: {  	_ =	shalt  }
0x54: {  	_ =	shalt  }
0x55: {  	_ =	shalt  }
0x56: {  	_ =	shalt  }
0x57: {  	_ =	shalt  }
0x58: {  	_ =	shalt  }
0x59: {  	_ =	shalt  }
0x5a: {  	_ =	shalt  }
0x5b: {  	_ =	shalt  }
0x5c: {  	_ =	shalt  }
0x5d: {  	_ =	shalt  }
0x5e: {  	_ =	shalt  }
0x5f: {  	_ =	shalt  }
0x60: {  	_ =	shalt  }
0x61: {  	_ =	shalt  }
0x62: {  	_ =	shalt  }
0x63: {  	_ =	shalt  }
0x64: {  	_ =	shalt  }
0x65: {  	_ =	shalt  }
0x66: {  	_ =	shalt  }
0x67: {  	_ =	shalt  }
0x68: {  	_ =	shalt  }
0x69: {  	_ =	shalt  }
0x6a: {  	_ =	shalt  }
0x6b: {  	_ =	shalt  }
0x6c: {  	_ =	shalt  }
0x6d: {  	_ =	shalt  }
0x6e: {  	_ =	shalt  }
0x6f: {  	_ =	shalt  }
0x70: {  	_ =	shalt  }
0x71: {  	_ =	shalt  }
0x72: {  	_ =	shalt  }
0x73: {  	_ =	shalt  }
0x74: {  	_ =	shalt  }
0x75: {  	_ =	shalt  }
0x76: {  	_ =	shalt  }
0x77: {  	_ =	shalt  }
0x78: {  	_ =	shalt  }
0x79: {  	_ =	shalt  }
0x7a: {  	_ =	shalt  }
0x7b: {  	_ =	shalt  }
0x7c: {  	_ =	shalt  }
0x7d: {  	_ =	shalt  }
0x7e: {  	_ =	shalt  }
0x7f: {  	_ =	shalt  }
0x80: {  	_ =	shalt  }
0x81: {  	_ =	shalt  }
0x82: {  	_ =	shalt  }
0x83: {  	_ =	shalt  }
0x84: {  	_ =	shalt  }
0x85: {  	_ =	shalt  }
0x86: {  	_ =	shalt  }
0x87: {  	_ =	shalt  }
.Lfunc_end0:
.L_simem_size_0:
called_computation.1_lowered:
.L_overlay_start_0:
0x88: {  	s2 =	sld [smem:$0x3FD9]  }
0x89: {  	s3 =	sld [smem:$0x3FFE];
	_ =	sdelay $0x1  }
0x8a: {  	s1 =	srdreg.scid  }
0x8b: {  	s0 =	sand.u32 $0x1, s1  }
0x8c: {  	s16 =	sshll.u32 s0, $0xA;
	s2 =	sadd.s32 s3, s2  }
0x8d: {  	s2 =	sadd.s32 s2, s16  }
0x8e: {  	[smem:$0x3FB8] =	sst s2  }
0x8f: {  	_ = 	snop  }
0x90: {  	(tm) =	ssettm $0x1  }
0x91: {  	s17 =	sld [smem:$0x3FFB];
	_ =	sdelay $0x3  }
0x92: {  	_ =	strace s17  }
0x93: {  	s2 =	sld [smem:$0x3FFC];
	_ =	sdelay $0x3  }
0x94: {  	_ =	strace s2  }
0x95: {  	s2 =	sld [smem:$0x3FFD];
	_ =	sdelay $0x3  }
0x96: {  	_ =	strace s2  }
0x97: {  	_ =	strace $0x8FFFFFFF  }
0x98: {  	s18 =	sld [smem:$0x3FDB];
	_ =	sdelay $0x1  }
0x99: {  	s19 =	simm.s32 $_scs_section_size  }
0x9a: {  	s4 =	simm.s32 $_size__tile_overlayer_lowered;
	s5 =	simm.s32 $_tile_overlayer_lowered  }
0x9b: {  	s22 =	simm.s32 $0x1BFF;
	s21 =	sshll.u32 s5, $0x1;
	s2 =	sadd.s32 s19, s18  }
0x9c: {  	s6 =	simm.s32 $0x0;
	s20 =	sshll.u32 s4, $0x1;
	s4 =	sadd.s32 s21, s2  }
0x9d: {  	[timem:s6], [sflag:s22] =	dma.local [hbm:s4], s20  }
0x9e: {  	_ =	swait.ge [sflag:s22], s20  }
0x9f: {  	s3 =	ssub.s32 $0x0, s20;
	[sflag:s22] =	ssyncset.done $0x0  }
0xa0: {  	[sflag:s22] =	ssyncadd.s32 s3;
	_ =	sdelay $0x1  }
0xa1: {  	s23 =	simm.s32 $0x1B8B  }
0xa2: {  	_ =	swait.ge [sflag:s23], $0x1  }
0xa3: {  	[sflag:s23] =	ssyncset.done $0x0  }
0xa4: {  	s25 =	simm.s32 $0x1B8E;
	s24 =	sld [smem:$0x3FFE];
	[sflag:s23] =	ssyncadd.s32 $0xFFFFFFFF  }
0xa5: {  	s26 =	simm.s32 $execute0_lowered;
	[smem:$0x3FD2] =	sst s25  }
0xa6: {  	s4 =	sshll.u32 s26, $0x1;
	_ =	strace $0x80000049;
	[dreg:$0x1] =	wrdreg $0xFFFFFFFF  }
0xa7: {  	s28 =	simm.s32 $_size_execute0_lowered;
	s2 =	sadd.s32 s2, s4;
	[dreg:$0x0] =	wrdreg $0x0  }
0xa8: {  	s4 =	sshll.u32 s28, $0x1;
	[dreg:$0x2] =	wrdreg s2  }
0xa9: {  	[dreg:$0x3] =	wrdreg s4  }
0xaa: {  	[dreg:$0x4] =	wrdreg $0xC0  }
0xab: {  	_ =	task [dreg:s6], $0x5FFFF  }
0xac: {  	[dreg:$0x1] =	wrdreg $0xFFFFFFFF  }
0xad: {  	[dreg:$0x0] =	wrdreg $0x60  }
0xae: {  	[dreg:$0x2] =	wrdreg s24  }
0xaf: {  	[dreg:$0x3] =	wrdreg $0x11F800  }
0xb0: {  	[dreg:$0x4] =	wrdreg $0x9  }
0xb1: {  	_ =	task.clear_ibuf [dreg:s6], $0x5FFFF;
	_ =	strace $0x90000049  }
0xb2: {  	s29 =	simm.s32 $0x9;
	_ =	strace $0x8000004B  }
0xb3: {  	_ =	swait.ge [sflag:s29], $0x1  }
0xb4: {  	[sflag:s29] =	ssyncadd.s32 $0xFFFFFFFF  }
0xb5: {  	_ =	strace $0x9000004B  }
0xb6: {  	_ =	sfence  }
0xb7: {  	s30 =	sld [smem:$0x0];
	_ =	sdelay $0x2  }
0xb8: {  	s31 =	sshll.u32 s1, $0xD;
	s1 =	sshrl.u32 s1, $0x2  }
0xb9: {  	s3 =	sand.u32 $0x4000, s31;
	s1 =	sadd.s32 s1, s30  }
0xba: {  	s0 =	sor.u32 s3, s0;
	s1 =	sshll.u32 s1, $0x11  }
0xbb: {  	s0 =	sor.u32 s1, s0  }
0xbc: {  	s0 =	sadd.s32 $0x8F2B, s0  }
0xbd: {  	[sflag:s0] =	ssyncadd.remote.s32 $0x1  }
0xbe: {  	_ =	sfence.sel $0xFFFF  }
0xbf: {  	[dreg:$0x0] =	wrdreg $0xFFFFFFFF;
	(pc) =	sbr.abs _section_cstart, $3  }
0xc0: {  	[dreg:$0x1] =	wrdreg $0xFFFFFFFF  }
0xc1: {  	_ =	task.clear_ibuf [dreg:s6], $0x2FFFF;
	_ =	strace $0x9FFFFFFF  }
0xc2: {  	(tm) =	ssettm $0x7FFFFFFF  }
0xc3: {  	_ =	shalt  }
tec
execute0_lowered:
.L_overlay_start_1:
0x0: {  	(tag) =	ssettag $0x1  }
0x1: {  	s6 =	rddreg [dreg:$0x0]  }
0x2: {  	s0 =	srdreg.scid;
	s2 =	rddreg [dreg:$0x1]  }
0x3: {  	s3 =	simm.s32 $0x0;
	s13 =	simm.s32 $0x2;
	s14 =	simm.s32 $0x5000  }
0x4: {  	s15 =	simm.s32 $0xA000;
	s16 =	simm.s32 $0x80;
	s17 =	simm.s32 $0xF000  }
0x5: {  	s18 =	simm.s32 $0x1;
	s5 =	sand.u32 $0x1, s0;
	s0 =	stileid.u32  }
0x6: {  	s21 =	simm.s32 $0x0;
	[smem:$0x7FF] =	sst s3;
	s8 =	smul.u32 $0x2780, s0  }
0x7: {  	s4 =	sadd.s32 $0x2AC00, s6;
	s1 =	sshll.u32 s5, $0x4;
	s9 =	smul.u32 $0x27800, s5  }
0x8: {  	s5 =	ssub.s32 $0x2, s5;
	s19 =	sshll.u32 s0, $0x6;
	s1 =	sor.u32 s0, s1  }
0x9: {  	s11 =	sshrl.u32 s5, $0x1;
	s19 =	sor.u32 $0x1C02, s19;
	s7 =	smul.u32 $0xA00, s1  }
0xa: {  	s1 =	rddreg [dreg:$0x2];
	_ =	strace $0x8000004A;
	s31 =	sshrl.u32 s8, $0x3  }
0xb: {  	s30 =	sadd.s32 s8, s9;
	s11 =	ssub.s32 s5, s11;
	s9 =	sadd.s32 s31, s6  }
0xc: {  	s11 =	smax.u32 s11, $0x1;
	s10 =	sadd.s32 s7, s6;
	s7 =	sshrl.u32 s30, $0x3  }
0xd: {  	s5 =	sadd.s32 $0x2FC00, s9;
	s12 =	sadd.s32 s7, s6;
	s6 =	sadd.s32 s8, s2  }
0xe: {  	s7 =	sadd.s32 $0x2C00, s10;
	s8 =	sadd.s32 $0x16C00, s10;
	s9 =	sadd.s32 $0x34C00, s10  }
0xf: {  	s10 =	sadd.s32 $0x48C00, s12;
	s12 =	simm.s32 $0xF800;
	s20 =	sshrl.u32 s6, $0x3  }
.LBB2_1:
0x10: {  	[tilespmem:s12], [sflag:$0x2] =	stream.linear.gather [hbm4b:s5+s3], $0x2780, $0x38;
	[tilespmem:$0x14700] =	vst v63  }
0x11: {  	_ =	swait.ge [sflag:s13], $0x2780  }
0x12: {  	[sflag:s13] =	ssyncset.done $0x0  }
0x13: {  	[sflag:s13] =	ssyncadd.s32 $0xFFFFD880  }
0x14: {  	[spmem:s6] =	stream.linear.scatter [tilespmem:s12], [sflag:$0x2], $0x2780, $0x38;
	[tilespmem:$0x14700] =	vst v63  }
0x15: {  	_ =	swait.ge [sflag:s13], $0x2780  }
0x16: {  	[sflag:s13] =	ssyncset.done $0x0  }
0x17: {  	[sflag:s13] =	ssyncadd.s32 $0xFFFFD880  }
0x18: {  	[tilespmem:s3], [sflag:$0x2] =	stream.linear.gather [hbm4b:s7+s3], $0x5000, $0x38;
	[tilespmem:$0x14700] =	vst v63  }
0x19: {  	_ =	swait.ge [sflag:s13], $0x5000  }
0x1a: {  	[sflag:s13] =	ssyncset.done $0x0  }
0x1b: {  	[sflag:s13] =	ssyncadd.s32 $0xFFFFB000  }
0x1c: {  	[tilespmem:s14], [sflag:$0x2] =	stream.linear.gather [hbm4b:s8+s3], $0x5000, $0x38;
	[tilespmem:$0x14700] =	vst v63  }
0x1d: {  	_ =	swait.ge [sflag:s13], $0x5000  }
0x1e: {  	[sflag:s13] =	ssyncset.done $0x0  }
0x1f: {  	[sflag:s13] =	ssyncadd.s32 $0xFFFFB000  }
0x20: {  	[tilespmem:s15], [sflag:$0x2] =	stream.linear.gather [hbm4b:s9+s3], $0x5000, $0x38;
	[tilespmem:$0x14700] =	vst v63  }
0x21: {  	_ =	swait.ge [sflag:s13], $0x5000  }
0x22: {  	[sflag:s13] =	ssyncset.done $0x0  }
0x23: {  	[sflag:s13] =	ssyncadd.s32 $0xFFFFB000  }
0x24: {  	s22 =	simm.s32 $0x0;
	[bflag:$0x0] =	sbarrier.arrive $0xFFFF  }
.LBB2_2:
0x25: {  	s23 =	sshra.s32 s22, $0x2  }
0x26: {  	[tilespmem:s17], [sflag:$0x1] =	stream.indirect.gather [hbm4b:s4+s16], $0x10, s23, s16, $0xb8;
	[tilespmem:$0x14700] =	vst v63  }
0x27: {  	_ =	swait.ge [sflag:s18], $0x800  }
0x28: {  	[sflag:s18] =	ssyncset.done $0x0  }
0x29: {  	[sflag:s18] =	ssyncadd.s32 $0xFFFFF800  }
0x2a: {  	v0 =	vld [tilespmem:s23+$0xA000];
	_ =	sdelay $0x1  }
0x2b: {  	v1 =	vld [tilespmem:$0xF000]  }
0x2c: {  	v2 =	vld [tilespmem:$0xF010]  }
0x2d: {  	v3 =	vld [tilespmem:$0xF020]  }
0x2e: {  	v5 =	vld [tilespmem:$0xF030];
	v4 =	vbroadcast v0, $0x0  }
0x2f: {  	v7 =	vld [tilespmem:$0xF040];
	v6 =	vbroadcast v0, $0x1  }
0x30: {  	v8 =	vld [tilespmem:$0xF050];
	v35 =	vbroadcast v0, $0x2;
	v1 =	vmul.f32 v4, v1  }
0x31: {  	v9 =	vld [tilespmem:$0xF060];
	v36 =	vbroadcast v0, $0x3;
	v2 =	vmul.f32 v2, v6  }
0x32: {  	v39 =	vld [tilespmem:$0xF070];
	v38 =	vbroadcast v0, $0x4;
	v37 =	vmul.f32 v3, v35;
	[tilespmem:$0xF000] =	vst v1  }
0x33: {  	v42 =	vld [tilespmem:$0xF080];
	v41 =	vbroadcast v0, $0x5;
	v40 =	vmul.f32 v5, v36;
	[tilespmem:$0xF010] =	vst v2  }
0x34: {  	v45 =	vld [tilespmem:$0xF090];
	v44 =	vbroadcast v0, $0x6;
	v43 =	vmul.f32 v7, v38;
	[tilespmem:$0xF020] =	vst v37  }
0x35: {  	v48 =	vld [tilespmem:$0xF0A0];
	v47 =	vbroadcast v0, $0x7;
	v46 =	vmul.f32 v8, v41;
	[tilespmem:$0xF030] =	vst v40  }
0x36: {  	v51 =	vld [tilespmem:$0xF0B0];
	v50 =	vbroadcast v0, $0x8;
	v49 =	vmul.f32 v9, v44;
	[tilespmem:$0xF040] =	vst v43  }
0x37: {  	v54 =	vld [tilespmem:$0xF0C0];
	v53 =	vbroadcast v0, $0x9;
	v52 =	vmul.f32 v39, v47;
	[tilespmem:$0xF050] =	vst v46  }
0x38: {  	v57 =	vld [tilespmem:$0xF0D0];
	v56 =	vbroadcast v0, $0xA;
	v55 =	vmul.f32 v42, v50;
	[tilespmem:$0xF060] =	vst v49  }
0x39: {  	v60 =	vld [tilespmem:$0xF0E0];
	v59 =	vbroadcast v0, $0xB;
	v58 =	vmul.f32 v45, v53;
	[tilespmem:$0xF070] =	vst v52  }
0x3a: {  	v63 =	vld [tilespmem:$0xF0F0];
	v62 =	vbroadcast v0, $0xC;
	v61 =	vmul.f32 v48, v56;
	[tilespmem:$0xF080] =	vst v55  }
0x3b: {  	v13 =	vbroadcast v0, $0xD;
	v12 =	vmul.f32 v51, v59;
	[tilespmem:$0xF090] =	vst v58  }
0x3c: {  	v15 =	vbroadcast v0, $0xE;
	v14 =	vmul.f32 v54, v62;
	[tilespmem:$0xF0A0] =	vst v61  }
0x3d: {  	v0 =	vbroadcast v0, $0xF;
	v16 =	vmul.f32 v57, v13;
	[tilespmem:$0xF0B0] =	vst v12  }
0x3e: {  	v17 =	vmul.f32 v60, v15;
	[tilespmem:$0xF0C0] =	vst v14  }
0x3f: {  	v0 =	vmul.f32 v63, v0;
	[tilespmem:$0xF0D0] =	vst v16  }
0x40: {  	[tilespmem:$0xF0E0] =	vst v17  }
0x41: {  	[tilespmem:$0xF0F0] =	vst v0  }
0x42: {  	v0 =	vld [tilespmem:s23+$0xA010];
	_ =	sdelay $0x1  }
0x43: {  	v18 =	vld [tilespmem:$0xF100]  }
0x44: {  	v19 =	vld [tilespmem:$0xF110]  }
0x45: {  	v20 =	vld [tilespmem:$0xF120]  }
0x46: {  	v22 =	vld [tilespmem:$0xF130];
	v21 =	vbroadcast v0, $0x0  }
0x47: {  	v24 =	vld [tilespmem:$0xF140];
	v23 =	vbroadcast v0, $0x1  }
0x48: {  	v26 =	vld [tilespmem:$0xF150];
	v25 =	vbroadcast v0, $0x2;
	v1 =	vmul.f32 v21, v18  }
0x49: {  	v28 =	vld [tilespmem:$0xF160];
	v27 =	vbroadcast v0, $0x3;
	v2 =	vmul.f32 v19, v23  }
0x4a: {  	v31 =	vld [tilespmem:$0xF170];
	v30 =	vbroadcast v0, $0x4;
	v29 =	vmul.f32 v20, v25;
	[tilespmem:$0xF100] =	vst v1  }
0x4b: {  	v34 =	vld [tilespmem:$0xF180];
	v33 =	vbroadcast v0, $0x5;
	v32 =	vmul.f32 v22, v27;
	[tilespmem:$0xF110] =	vst v2  }
0x4c: {  	v37 =	vld [tilespmem:$0xF190];
	v36 =	vbroadcast v0, $0x6;
	v35 =	vmul.f32 v24, v30;
	[tilespmem:$0xF120] =	vst v29  }
0x4d: {  	v40 =	vld [tilespmem:$0xF1A0];
	v39 =	vbroadcast v0, $0x7;
	v38 =	vmul.f32 v26, v33;
	[tilespmem:$0xF130] =	vst v32  }
0x4e: {  	v43 =	vld [tilespmem:$0xF1B0];
	v42 =	vbroadcast v0, $0x8;
	v41 =	vmul.f32 v28, v36;
	[tilespmem:$0xF140] =	vst v35  }
0x4f: {  	v46 =	vld [tilespmem:$0xF1C0];
	v45 =	vbroadcast v0, $0x9;
	v44 =	vmul.f32 v31, v39;
	[tilespmem:$0xF150] =	vst v38  }
0x50: {  	v49 =	vld [tilespmem:$0xF1D0];
	v48 =	vbroadcast v0, $0xA;
	v47 =	vmul.f32 v34, v42;
	[tilespmem:$0xF160] =	vst v41  }
0x51: {  	v52 =	vld [tilespmem:$0xF1E0];
	v51 =	vbroadcast v0, $0xB;
	v50 =	vmul.f32 v37, v45;
	[tilespmem:$0xF170] =	vst v44  }
0x52: {  	v55 =	vld [tilespmem:$0xF1F0];
	v54 =	vbroadcast v0, $0xC;
	v53 =	vmul.f32 v40, v48;
	[tilespmem:$0xF180] =	vst v47  }
0x53: {  	v57 =	vbroadcast v0, $0xD;
	v56 =	vmul.f32 v43, v51;
	[tilespmem:$0xF190] =	vst v50  }
0x54: {  	v59 =	vbroadcast v0, $0xE;
	v58 =	vmul.f32 v46, v54;
	[tilespmem:$0xF1A0] =	vst v53  }
0x55: {  	v0 =	vbroadcast v0, $0xF;
	v60 =	vmul.f32 v49, v57;
	[tilespmem:$0xF1B0] =	vst v56  }
0x56: {  	v61 =	vmul.f32 v52, v59;
	[tilespmem:$0xF1C0] =	vst v58  }
0x57: {  	v0 =	vmul.f32 v55, v0;
	[tilespmem:$0xF1D0] =	vst v60  }
0x58: {  	[tilespmem:$0xF1E0] =	vst v61  }
0x59: {  	[tilespmem:$0xF1F0] =	vst v0  }
0x5a: {  	v0 =	vld [tilespmem:s23+$0xA020];
	_ =	sdelay $0x1  }
0x5b: {  	v62 =	vld [tilespmem:$0xF200]  }
0x5c: {  	v63 =	vld [tilespmem:$0xF210]  }
0x5d: {  	v12 =	vld [tilespmem:$0xF220]  }
0x5e: {  	v14 =	vld [tilespmem:$0xF230];
	v13 =	vbroadcast v0, $0x0  }
0x5f: {  	v16 =	vld [tilespmem:$0xF240];
	v15 =	vbroadcast v0, $0x1  }
0x60: {  	v18 =	vld [tilespmem:$0xF250];
	v17 =	vbroadcast v0, $0x2;
	v1 =	vmul.f32 v13, v62  }
0x61: {  	v20 =	vld [tilespmem:$0xF260];
	v19 =	vbroadcast v0, $0x3;
	v2 =	vmul.f32 v63, v15  }
0x62: {  	v23 =	vld [tilespmem:$0xF270];
	v22 =	vbroadcast v0, $0x4;
	v21 =	vmul.f32 v12, v17;
	[tilespmem:$0xF200] =	vst v1  }
0x63: {  	v26 =	vld [tilespmem:$0xF280];
	v25 =	vbroadcast v0, $0x5;
	v24 =	vmul.f32 v14, v19;
	[tilespmem:$0xF210] =	vst v2  }
0x64: {  	v29 =	vld [tilespmem:$0xF290];
	v28 =	vbroadcast v0, $0x6;
	v27 =	vmul.f32 v16, v22;
	[tilespmem:$0xF220] =	vst v21  }
0x65: {  	v32 =	vld [tilespmem:$0xF2A0];
	v31 =	vbroadcast v0, $0x7;
	v30 =	vmul.f32 v18, v25;
	[tilespmem:$0xF230] =	vst v24  }
0x66: {  	v35 =	vld [tilespmem:$0xF2B0];
	v34 =	vbroadcast v0, $0x8;
	v33 =	vmul.f32 v20, v28;
	[tilespmem:$0xF240] =	vst v27  }
0x67: {  	v38 =	vld [tilespmem:$0xF2C0];
	v37 =	vbroadcast v0, $0x9;
	v36 =	vmul.f32 v23, v31;
	[tilespmem:$0xF250] =	vst v30  }
0x68: {  	v41 =	vld [tilespmem:$0xF2D0];
	v40 =	vbroadcast v0, $0xA;
	v39 =	vmul.f32 v26, v34;
	[tilespmem:$0xF260] =	vst v33  }
0x69: {  	v44 =	vld [tilespmem:$0xF2E0];
	v43 =	vbroadcast v0, $0xB;
	v42 =	vmul.f32 v29, v37;
	[tilespmem:$0xF270] =	vst v36  }
0x6a: {  	v47 =	vld [tilespmem:$0xF2F0];
	v46 =	vbroadcast v0, $0xC;
	v45 =	vmul.f32 v32, v40;
	[tilespmem:$0xF280] =	vst v39  }
0x6b: {  	v49 =	vbroadcast v0, $0xD;
	v48 =	vmul.f32 v35, v43;
	[tilespmem:$0xF290] =	vst v42  }
0x6c: {  	v51 =	vbroadcast v0, $0xE;
	v50 =	vmul.f32 v38, v46;
	[tilespmem:$0xF2A0] =	vst v45  }
0x6d: {  	v0 =	vbroadcast v0, $0xF;
	v52 =	vmul.f32 v41, v49;
	[tilespmem:$0xF2B0] =	vst v48  }
0x6e: {  	v53 =	vmul.f32 v44, v51;
	[tilespmem:$0xF2C0] =	vst v50  }
0x6f: {  	v0 =	vmul.f32 v47, v0;
	[tilespmem:$0xF2D0] =	vst v52  }
0x70: {  	[tilespmem:$0xF2E0] =	vst v53  }
0x71: {  	[tilespmem:$0xF2F0] =	vst v0  }
0x72: {  	v0 =	vld [tilespmem:s23+$0xA030];
	_ =	sdelay $0x1  }
0x73: {  	v54 =	vld [tilespmem:$0xF300]  }
0x74: {  	v55 =	vld [tilespmem:$0xF310]  }
0x75: {  	v56 =	vld [tilespmem:$0xF320]  }
0x76: {  	v58 =	vld [tilespmem:$0xF330];
	v57 =	vbroadcast v0, $0x0  }
0x77: {  	v60 =	vld [tilespmem:$0xF340];
	v59 =	vbroadcast v0, $0x1  }
0x78: {  	v62 =	vld [tilespmem:$0xF350];
	v61 =	vbroadcast v0, $0x2;
	v1 =	vmul.f32 v57, v54  }
0x79: {  	v12 =	vld [tilespmem:$0xF360];
	v63 =	vbroadcast v0, $0x3;
	v2 =	vmul.f32 v55, v59  }
0x7a: {  	v15 =	vld [tilespmem:$0xF370];
	v14 =	vbroadcast v0, $0x4;
	v13 =	vmul.f32 v56, v61;
	[tilespmem:$0xF300] =	vst v1  }
0x7b: {  	v18 =	vld [tilespmem:$0xF380];
	v17 =	vbroadcast v0, $0x5;
	v16 =	vmul.f32 v58, v63;
	[tilespmem:$0xF310] =	vst v2  }
0x7c: {  	v21 =	vld [tilespmem:$0xF390];
	v20 =	vbroadcast v0, $0x6;
	v19 =	vmul.f32 v60, v14;
	[tilespmem:$0xF320] =	vst v13  }
0x7d: {  	v24 =	vld [tilespmem:$0xF3A0];
	v23 =	vbroadcast v0, $0x7;
	v22 =	vmul.f32 v62, v17;
	[tilespmem:$0xF330] =	vst v16  }
0x7e: {  	v27 =	vld [tilespmem:$0xF3B0];
	v26 =	vbroadcast v0, $0x8;
	v25 =	vmul.f32 v12, v20;
	[tilespmem:$0xF340] =	vst v19  }
0x7f: {  	v30 =	vld [tilespmem:$0xF3C0];
	v29 =	vbroadcast v0, $0x9;
	v28 =	vmul.f32 v15, v23;
	[tilespmem:$0xF350] =	vst v22  }
0x80: {  	v33 =	vld [tilespmem:$0xF3D0];
	v32 =	vbroadcast v0, $0xA;
	v31 =	vmul.f32 v18, v26;
	[tilespmem:$0xF360] =	vst v25  }
0x81: {  	v36 =	vld [tilespmem:$0xF3E0];
	v35 =	vbroadcast v0, $0xB;
	v34 =	vmul.f32 v21, v29;
	[tilespmem:$0xF370] =	vst v28  }
0x82: {  	v39 =	vld [tilespmem:$0xF3F0];
	v38 =	vbroadcast v0, $0xC;
	v37 =	vmul.f32 v24, v32;
	[tilespmem:$0xF380] =	vst v31  }
0x83: {  	v41 =	vbroadcast v0, $0xD;
	v40 =	vmul.f32 v27, v35;
	[tilespmem:$0xF390] =	vst v34  }
0x84: {  	v43 =	vbroadcast v0, $0xE;
	v42 =	vmul.f32 v30, v38;
	[tilespmem:$0xF3A0] =	vst v37  }
0x85: {  	v0 =	vbroadcast v0, $0xF;
	v44 =	vmul.f32 v33, v41;
	[tilespmem:$0xF3B0] =	vst v40  }
0x86: {  	v45 =	vmul.f32 v36, v43;
	[tilespmem:$0xF3C0] =	vst v42  }
0x87: {  	v0 =	vmul.f32 v39, v0;
	[tilespmem:$0xF3D0] =	vst v44  }
0x88: {  	[tilespmem:$0xF3E0] =	vst v45  }
0x89: {  	[tilespmem:$0xF3F0] =	vst v0  }
0x8a: {  	v0 =	vld [tilespmem:s23+$0xA040];
	_ =	sdelay $0x1  }
0x8b: {  	v46 =	vld [tilespmem:$0xF400]  }
0x8c: {  	v47 =	vld [tilespmem:$0xF410]  }
0x8d: {  	v48 =	vld [tilespmem:$0xF420]  }
0x8e: {  	v50 =	vld [tilespmem:$0xF430];
	v49 =	vbroadcast v0, $0x0  }
0x8f: {  	v52 =	vld [tilespmem:$0xF440];
	v51 =	vbroadcast v0, $0x1  }
0x90: {  	v54 =	vld [tilespmem:$0xF450];
	v53 =	vbroadcast v0, $0x2;
	v1 =	vmul.f32 v49, v46  }
0x91: {  	v56 =	vld [tilespmem:$0xF460];
	v55 =	vbroadcast v0, $0x3;
	v2 =	vmul.f32 v47, v51  }
0x92: {  	v59 =	vld [tilespmem:$0xF470];
	v58 =	vbroadcast v0, $0x4;
	v57 =	vmul.f32 v48, v53;
	[tilespmem:$0xF400] =	vst v1  }
0x93: {  	v62 =	vld [tilespmem:$0xF480];
	v61 =	vbroadcast v0, $0x5;
	v60 =	vmul.f32 v50, v55;
	[tilespmem:$0xF410] =	vst v2  }
0x94: {  	v13 =	vld [tilespmem:$0xF490];
	v12 =	vbroadcast v0, $0x6;
	v63 =	vmul.f32 v52, v58;
	[tilespmem:$0xF420] =	vst v57  }
0x95: {  	v16 =	vld [tilespmem:$0xF4A0];
	v15 =	vbroadcast v0, $0x7;
	v14 =	vmul.f32 v54, v61;
	[tilespmem:$0xF430] =	vst v60  }
0x96: {  	v19 =	vld [tilespmem:$0xF4B0];
	v18 =	vbroadcast v0, $0x8;
	v17 =	vmul.f32 v56, v12;
	[tilespmem:$0xF440] =	vst v63  }
0x97: {  	v22 =	vld [tilespmem:$0xF4C0];
	v21 =	vbroadcast v0, $0x9;
	v20 =	vmul.f32 v59, v15;
	[tilespmem:$0xF450] =	vst v14  }
0x98: {  	v25 =	vld [tilespmem:$0xF4D0];
	v24 =	vbroadcast v0, $0xA;
	v23 =	vmul.f32 v62, v18;
	[tilespmem:$0xF460] =	vst v17  }
0x99: {  	v28 =	vld [tilespmem:$0xF4E0];
	v27 =	vbroadcast v0, $0xB;
	v26 =	vmul.f32 v13, v21;
	[tilespmem:$0xF470] =	vst v20  }
0x9a: {  	v31 =	vld [tilespmem:$0xF4F0];
	v30 =	vbroadcast v0, $0xC;
	v29 =	vmul.f32 v16, v24;
	[tilespmem:$0xF480] =	vst v23  }
0x9b: {  	v33 =	vbroadcast v0, $0xD;
	v32 =	vmul.f32 v19, v27;
	[tilespmem:$0xF490] =	vst v26  }
0x9c: {  	v35 =	vbroadcast v0, $0xE;
	v34 =	vmul.f32 v22, v30;
	[tilespmem:$0xF4A0] =	vst v29  }
0x9d: {  	v0 =	vbroadcast v0, $0xF;
	v36 =	vmul.f32 v25, v33;
	[tilespmem:$0xF4B0] =	vst v32  }
0x9e: {  	v37 =	vmul.f32 v28, v35;
	[tilespmem:$0xF4C0] =	vst v34  }
0x9f: {  	v0 =	vmul.f32 v31, v0;
	[tilespmem:$0xF4D0] =	vst v36  }
0xa0: {  	[tilespmem:$0xF4E0] =	vst v37  }
0xa1: {  	[tilespmem:$0xF4F0] =	vst v0  }
0xa2: {  	v0 =	vld [tilespmem:s23+$0xA050];
	_ =	sdelay $0x1  }
0xa3: {  	v38 =	vld [tilespmem:$0xF500]  }
0xa4: {  	v39 =	vld [tilespmem:$0xF510]  }
0xa5: {  	v40 =	vld [tilespmem:$0xF520]  }
0xa6: {  	v42 =	vld [tilespmem:$0xF530];
	v41 =	vbroadcast v0, $0x0  }
0xa7: {  	v44 =	vld [tilespmem:$0xF540];
	v43 =	vbroadcast v0, $0x1  }
0xa8: {  	v46 =	vld [tilespmem:$0xF550];
	v45 =	vbroadcast v0, $0x2;
	v1 =	vmul.f32 v41, v38  }
0xa9: {  	v48 =	vld [tilespmem:$0xF560];
	v47 =	vbroadcast v0, $0x3;
	v2 =	vmul.f32 v39, v43  }
0xaa: {  	v51 =	vld [tilespmem:$0xF570];
	v50 =	vbroadcast v0, $0x4;
	v49 =	vmul.f32 v40, v45;
	[tilespmem:$0xF500] =	vst v1  }
0xab: {  	v54 =	vld [tilespmem:$0xF580];
	v53 =	vbroadcast v0, $0x5;
	v52 =	vmul.f32 v42, v47;
	[tilespmem:$0xF510] =	vst v2  }
0xac: {  	v57 =	vld [tilespmem:$0xF590];
	v56 =	vbroadcast v0, $0x6;
	v55 =	vmul.f32 v44, v50;
	[tilespmem:$0xF520] =	vst v49  }
0xad: {  	v60 =	vld [tilespmem:$0xF5A0];
	v59 =	vbroadcast v0, $0x7;
	v58 =	vmul.f32 v46, v53;
	[tilespmem:$0xF530] =	vst v52  }
0xae: {  	v63 =	vld [tilespmem:$0xF5B0];
	v62 =	vbroadcast v0, $0x8;
	v61 =	vmul.f32 v48, v56;
	[tilespmem:$0xF540] =	vst v55  }
0xaf: {  	v12 =	vld [tilespmem:$0xF5C0];
	v11 =	vbroadcast v0, $0x9;
	v10 =	vmul.f32 v51, v59;
	[tilespmem:$0xF550] =	vst v58  }
0xb0: {  	v15 =	vld [tilespmem:$0xF5D0];
	v14 =	vbroadcast v0, $0xA;
	v13 =	vmul.f32 v54, v62;
	[tilespmem:$0xF560] =	vst v61  }
0xb1: {  	v18 =	vld [tilespmem:$0xF5E0];
	v17 =	vbroadcast v0, $0xB;
	v16 =	vmul.f32 v57, v11;
	[tilespmem:$0xF570] =	vst v10  }
0xb2: {  	v21 =	vld [tilespmem:$0xF5F0];
	v20 =	vbroadcast v0, $0xC;
	v19 =	vmul.f32 v60, v14;
	[tilespmem:$0xF580] =	vst v13  }
0xb3: {  	v23 =	vbroadcast v0, $0xD;
	v22 =	vmul.f32 v63, v17;
	[tilespmem:$0xF590] =	vst v16  }
0xb4: {  	v25 =	vbroadcast v0, $0xE;
	v24 =	vmul.f32 v12, v20;
	[tilespmem:$0xF5A0] =	vst v19  }
0xb5: {  	v0 =	vbroadcast v0, $0xF;
	v26 =	vmul.f32 v15, v23;
	[tilespmem:$0xF5B0] =	vst v22  }
0xb6: {  	v27 =	vmul.f32 v18, v25;
	[tilespmem:$0xF5C0] =	vst v24  }
0xb7: {  	v0 =	vmul.f32 v21, v0;
	[tilespmem:$0xF5D0] =	vst v26  }
0xb8: {  	[tilespmem:$0xF5E0] =	vst v27  }
0xb9: {  	[tilespmem:$0xF5F0] =	vst v0  }
0xba: {  	v0 =	vld [tilespmem:s23+$0xA060];
	_ =	sdelay $0x1  }
0xbb: {  	v28 =	vld [tilespmem:$0xF600]  }
0xbc: {  	v29 =	vld [tilespmem:$0xF610]  }
0xbd: {  	v30 =	vld [tilespmem:$0xF620]  }
0xbe: {  	v32 =	vld [tilespmem:$0xF630];
	v31 =	vbroadcast v0, $0x0  }
0xbf: {  	v34 =	vld [tilespmem:$0xF640];
	v33 =	vbroadcast v0, $0x1  }
0xc0: {  	v36 =	vld [tilespmem:$0xF650];
	v35 =	vbroadcast v0, $0x2;
	v1 =	vmul.f32 v31, v28  }
0xc1: {  	v38 =	vld [tilespmem:$0xF660];
	v37 =	vbroadcast v0, $0x3;
	v2 =	vmul.f32 v29, v33  }
0xc2: {  	v41 =	vld [tilespmem:$0xF670];
	v40 =	vbroadcast v0, $0x4;
	v39 =	vmul.f32 v30, v35;
	[tilespmem:$0xF600] =	vst v1  }
0xc3: {  	v44 =	vld [tilespmem:$0xF680];
	v43 =	vbroadcast v0, $0x5;
	v42 =	vmul.f32 v32, v37;
	[tilespmem:$0xF610] =	vst v2  }
0xc4: {  	v47 =	vld [tilespmem:$0xF690];
	v46 =	vbroadcast v0, $0x6;
	v45 =	vmul.f32 v34, v40;
	[tilespmem:$0xF620] =	vst v39  }
0xc5: {  	v50 =	vld [tilespmem:$0xF6A0];
	v49 =	vbroadcast v0, $0x7;
	v48 =	vmul.f32 v36, v43;
	[tilespmem:$0xF630] =	vst v42  }
0xc6: {  	v53 =	vld [tilespmem:$0xF6B0];
	v52 =	vbroadcast v0, $0x8;
	v51 =	vmul.f32 v38, v46;
	[tilespmem:$0xF640] =	vst v45  }
0xc7: {  	v56 =	vld [tilespmem:$0xF6C0];
	v55 =	vbroadcast v0, $0x9;
	v54 =	vmul.f32 v41, v49;
	[tilespmem:$0xF650] =	vst v48  }
0xc8: {  	v59 =	vld [tilespmem:$0xF6D0];
	v58 =	vbroadcast v0, $0xA;
	v57 =	vmul.f32 v44, v52;
	[tilespmem:$0xF660] =	vst v51  }
0xc9: {  	v62 =	vld [tilespmem:$0xF6E0];
	v61 =	vbroadcast v0, $0xB;
	v60 =	vmul.f32 v47, v55;
	[tilespmem:$0xF670] =	vst v54  }
0xca: {  	v13 =	vld [tilespmem:$0xF6F0];
	v12 =	vbroadcast v0, $0xC;
	v63 =	vmul.f32 v50, v58;
	[tilespmem:$0xF680] =	vst v57  }
0xcb: {  	v15 =	vbroadcast v0, $0xD;
	v14 =	vmul.f32 v53, v61;
	[tilespmem:$0xF690] =	vst v60  }
0xcc: {  	v17 =	vbroadcast v0, $0xE;
	v16 =	vmul.f32 v56, v12;
	[tilespmem:$0xF6A0] =	vst v63  }
0xcd: {  	v0 =	vbroadcast v0, $0xF;
	v18 =	vmul.f32 v59, v15;
	[tilespmem:$0xF6B0] =	vst v14  }
0xce: {  	v19 =	vmul.f32 v62, v17;
	[tilespmem:$0xF6C0] =	vst v16  }
0xcf: {  	v0 =	vmul.f32 v13, v0;
	[tilespmem:$0xF6D0] =	vst v18  }
0xd0: {  	[tilespmem:$0xF6E0] =	vst v19  }
0xd1: {  	[tilespmem:$0xF6F0] =	vst v0  }
0xd2: {  	v0 =	vld [tilespmem:s23+$0xA070];
	_ =	sdelay $0x1  }
0xd3: {  	v20 =	vld [tilespmem:$0xF700]  }
0xd4: {  	v21 =	vld [tilespmem:$0xF710]  }
0xd5: {  	v22 =	vld [tilespmem:$0xF720]  }
0xd6: {  	v24 =	vld [tilespmem:$0xF730];
	v23 =	vbroadcast v0, $0x0  }
0xd7: {  	v26 =	vld [tilespmem:$0xF740];
	v25 =	vbroadcast v0, $0x1  }
0xd8: {  	v28 =	vld [tilespmem:$0xF750];
	v27 =	vbroadcast v0, $0x2;
	v1 =	vmul.f32 v23, v20  }
0xd9: {  	v30 =	vld [tilespmem:$0xF760];
	v29 =	vbroadcast v0, $0x3;
	v2 =	vmul.f32 v21, v25  }
0xda: {  	v33 =	vld [tilespmem:$0xF770];
	v32 =	vbroadcast v0, $0x4;
	v31 =	vmul.f32 v22, v27;
	[tilespmem:$0xF700] =	vst v1  }
0xdb: {  	v36 =	vld [tilespmem:$0xF780];
	v35 =	vbroadcast v0, $0x5;
	v34 =	vmul.f32 v24, v29;
	[tilespmem:$0xF710] =	vst v2  }
0xdc: {  	v39 =	vld [tilespmem:$0xF790];
	v38 =	vbroadcast v0, $0x6;
	v37 =	vmul.f32 v26, v32;
	[tilespmem:$0xF720] =	vst v31  }
0xdd: {  	v42 =	vld [tilespmem:$0xF7A0];
	v41 =	vbroadcast v0, $0x7;
	v40 =	vmul.f32 v28, v35;
	[tilespmem:$0xF730] =	vst v34  }
0xde: {  	v45 =	vld [tilespmem:$0xF7B0];
	v44 =	vbroadcast v0, $0x8;
	v43 =	vmul.f32 v30, v38;
	[tilespmem:$0xF740] =	vst v37  }
0xdf: {  	v48 =	vld [tilespmem:$0xF7C0];
	v47 =	vbroadcast v0, $0x9;
	v46 =	vmul.f32 v33, v41;
	[tilespmem:$0xF750] =	vst v40  }
0xe0: {  	v51 =	vld [tilespmem:$0xF7D0];
	v50 =	vbroadcast v0, $0xA;
	v49 =	vmul.f32 v36, v44;
	[tilespmem:$0xF760] =	vst v43  }
0xe1: {  	v54 =	vld [tilespmem:$0xF7E0];
	v53 =	vbroadcast v0, $0xB;
	v52 =	vmul.f32 v39, v47;
	[tilespmem:$0xF770] =	vst v46  }
0xe2: {  	v57 =	vld [tilespmem:$0xF7F0];
	v56 =	vbroadcast v0, $0xC;
	v55 =	vmul.f32 v42, v50;
	[tilespmem:$0xF780] =	vst v49  }
0xe3: {  	v59 =	vbroadcast v0, $0xD;
	v58 =	vmul.f32 v45, v53;
	[tilespmem:$0xF790] =	vst v52  }
0xe4: {  	v61 =	vbroadcast v0, $0xE;
	v60 =	vmul.f32 v48, v56;
	[tilespmem:$0xF7A0] =	vst v55  }
0xe5: {  	v0 =	vbroadcast v0, $0xF;
	v62 =	vmul.f32 v51, v59;
	[tilespmem:$0xF7B0] =	vst v58  }
0xe6: {  	v63 =	vmul.f32 v54, v61;
	[tilespmem:$0xF7C0] =	vst v60  }
0xe7: {  	v0 =	vmul.f32 v57, v0;
	[tilespmem:$0xF7D0] =	vst v62  }
0xe8: {  	p0 =	sne.s32 s22, $0x13E00;
	[tilespmem:$0xF7E0] =	vst v63  }
.Ltmp0:
0xe9: {  	s23 =	sadd.s32 $0x5000, s23;
	[tilespmem:$0xF7F0] =	vst v0;
	(pc) =	sbr.rel @p0 .LBB2_2-.Ltmp0, $4  }
0xea: {  	[spmem:s2] =	stream.indirect.scatter.add.f32 [tilespmem:s17], [sflag:$0x2], $0x10, s23, s16, $0xb8;
	[tilespmem:$0x14700] =	vst v63  }
0xeb: {  	_ =	swait.ge [sflag:s13], $0x800  }
0xec: {  	[sflag:s13] =	ssyncset.done $0x0  }
0xed: {  	s22 =	sadd.s32 $0x200, s22;
	[sflag:s13] =	ssyncadd.s32 $0xFFFFF800  }
0xee: {  	s21 =	sadd.s32 $0x1, s21  }
0xef: {  	p0 =	sne.s32 s21, s11  }
.Ltmp1:
0xf0: {  	[bflag:$0x0] =	sbarrier.arrive $0xFFFF;
	(pc) =	sbr.rel @p0 .LBB2_1-.Ltmp1, $4  }
0xf1: {  	[hbm:s10], [sflag:s19] =	dma.local [spmem:s20], $0x4F0  }
0xf2: {  	_ =	swait.ge [sflag:s13], $0x4F0  }
0xf3: {  	[sflag:s13] =	ssyncset.done $0x0  }
0xf4: {  	[sflag:s13] =	ssyncadd.s32 $0xFFFFFB10  }
0xf5: {  	_ =	sfence.sel $0x180000  }
0xf6: {  	[bflag:$0x0] =	sbarrier.arrive $0xFFFF  }
0xf7: {  	p0 =	sne.s32 s0, $0x0;
	_ =	strace $0x9000004A  }
0xf8: {  	s0 =	sadd.s32 @!p0 $0x100000, s1;
	[bflag:$0x2] =	sbarrier.arrive $0xFFFF  }
0xf9: {  	[sflag:s0] =	ssyncadd.tile.s32 @!p0 $0x1;
	_ =	shalt  }
.Lfunc_end2:
_tile_overlayer_lowered:
.L_overlay_start_2:
0xfa: {  	(tag) =	ssettag $0x2  }
0xfb: {  	s0 =	rddreg [dreg:$0x0];
	s2 =	stileid.u32  }
0xfc: {  	s1 =	rddreg [dreg:$0x1];
	p0 =	sne.s32 s2, $0x0  }
0xfd: {  	s3 =	rddreg [dreg:$0x2];
	[bflag:$0x3] =	sbarrier.arrive $0xFFFF;
	s2 =	simm.s32 @!p0 $0x1C02  }
0xfe: {  	[timem:s3], [sflag:s2] =	dma.local @!p0 [hbm:s0], s1  }
0xff: {  	s0 =	simm.s32 @!p0 $0x2  }
0x100: {  	_ =	swait.ge @!p0 [sflag:s0], s1  }
0x101: {  	s1 =	ssub.s32 @!p0 $0x0, s1;
	[sflag:s0] =	ssyncset.done @!p0 $0x0  }
0x102: {  	[sflag:s0] =	ssyncadd.s32 @!p0 s1  }
0x103: {  	[bflag:$0x3] =	sbarrier.arrive $0xFFFF  }
0x104: {  	_ =	shalt  }

</sc_bundles>
